<compile_context>
chip_gen: v7x
topology: tpu7x:2x2x1
jax: 0.10.2.dev20260603
libtpu: 0.0.44.dev20260713+nightly
codegen_flags: <defaults>
</compile_context>

<pallas_src>
import jax
import jax.numpy as jnp
from jax import lax
from jax.experimental import pallas as pl
from jax.experimental.pallas import tpu as pltpu
from jax.experimental.pallas import tpu_sc as plsc

_N = 10000
_E = 320000
_D = 128
_H = _D // 2
_ES = 8192
_NC = 2
_NS = 16
_EPT = _E // _NS
_C = 80
_G = 252
_PADE = _G * _C - _EPT
_NP = _N + 8
_RPT = 624
_ZB = 208


def _edge_scatter(m2, srcr, dstr, with_deg):
    mesh = plsc.VectorSubcoreMesh(core_axis_name="c", subcore_axis_name="s")
    out_type = [jax.ShapeDtypeStruct((_NC, _N, _H), jnp.float32)]
    if with_deg:
        out_type.append(jax.ShapeDtypeStruct((_NC, _N), jnp.float32))
    scratch = [
        pltpu.VMEM((_G, _C), jnp.int32),
        pltpu.VMEM((_G, _C), jnp.int32),
        pltpu.VMEM((_C, _H), jnp.float32),
        pltpu.VMEM((_C, _H), jnp.float32),
        pltpu.VMEM((_C, _H), jnp.float32),
        pltpu.VMEM((_C, _H), jnp.float32),
        pltpu.VMEM((_ZB, _H), jnp.float32),
    ]
    if with_deg:
        scratch.append(pltpu.VMEM((_N,), jnp.float32))
        scratch.append(pltpu.VMEM((_C,), jnp.float32))
        scratch.append(pltpu.VMEM_SHARED((_NP,), jnp.float32))
    scratch.append(pltpu.VMEM_SHARED((_NP, _H), jnp.float32))
    scratch.append(pltpu.SemaphoreType.DMA)
    scratch.append(pltpu.SemaphoreType.DMA)

    def body(*refs):
        m_hbm, srcr_hbm, dstr_hbm = refs[:3]
        if with_deg:
            out_hbm, deg_hbm = refs[3:5]
            src_v, dst_v = refs[5:7]
            bufs = refs[7:11]
            (zbuf, degz_v, ones_v, deg_sh, acc, gsem, ssem) = refs[11:]
        else:
            out_hbm = refs[3]
            src_v, dst_v = refs[4:6]
            bufs = refs[6:10]
            (zbuf, acc, gsem, ssem) = refs[10:]

        cid = lax.axis_index("c")
        sid = lax.axis_index("s")
        zero16 = jnp.zeros((16,), jnp.float32)
        ones16 = jnp.ones((16,), jnp.float32)

        def _zrow(i, carry):
            for j in range(_H // 16):
                zbuf[i, pl.ds(j * 16, 16)] = zero16
            return carry
        lax.fori_loop(0, _ZB, _zrow, 0)
        for k in range(_RPT // _ZB):
            pltpu.sync_copy(zbuf, acc.at[pl.ds(sid * _RPT + k * _ZB, _ZB)])

        @pl.when(sid == _NS - 1)
        def _zero_tail():
            pltpu.sync_copy(zbuf.at[pl.ds(0, 16)], acc.at[pl.ds(_NS * _RPT, 16)])

        if with_deg:
            def _zdeg(i, carry):
                degz_v[pl.ds(i * 16, 16)] = zero16
                return carry
            lax.fori_loop(0, _N // 16, _zdeg, 0)
            for j in range(_C // 16):
                ones_v[pl.ds(j * 16, 16)] = ones16

            @pl.when(sid == 0)
            def _zero_deg():
                pltpu.sync_copy(degz_v, deg_sh.at[pl.ds(0, _N)])
        plsc.subcore_barrier()

        pltpu.sync_copy(srcr_hbm.at[sid], src_v)
        pltpu.sync_copy(dstr_hbm.at[sid], dst_v)

        my_m = m_hbm.at[cid]

        _K = 2
        A, B = tuple(bufs[:_K]), tuple(bufs[_K:2 * _K])

        def _group(j, a, b, last):
            g = _K * j
            for t in range(_K):
                pltpu.make_async_copy(my_m.at[src_v.at[g + t]], a[t],
                                      gsem).wait()

            @pl.when(j > 0)
            def _drain_prev():
                for t in range(_K):
                    pltpu.make_async_copy(b[t], acc.at[dst_v.at[g]],
                                          ssem).wait()

            if not last:
                for t in range(_K):
                    pltpu.async_copy(my_m.at[src_v.at[g + _K + t]], b[t], gsem)
            for t in range(_K):
                pltpu.async_copy(a[t], acc.at[dst_v.at[g + t]], ssem, add=True)
            if with_deg:
                for t in range(_K):
                    @pl.when(lax.rem(g + t, 2) == cid)
                    def _deg_add(gt=g + t):
                        pltpu.sync_copy(ones_v, deg_sh.at[dst_v.at[gt]],
                                        add=True)

        _NG = _G // _K
        for t in range(_K):
            pltpu.async_copy(my_m.at[src_v.at[t]], A[t], gsem)

        def _gpair(i, carry):
            j = i * 2
            _group(j, A, B, False)
            _group(j + 1, B, A, False)
            return carry
        lax.fori_loop(0, _NG // 2 - 1, _gpair, 0)
        _group(_NG - 2, A, B, False)
        _group(_NG - 1, B, A, True)
        for t in range(_K):
            pltpu.make_async_copy(B[t], acc.at[dst_v.at[0]], ssem).wait()

        plsc.subcore_barrier()
        pltpu.sync_copy(acc.at[pl.ds(sid * _RPT, _RPT)],
                        out_hbm.at[cid].at[pl.ds(sid * _RPT, _RPT)])

        @pl.when(sid == _NS - 1)
        def _write_tail():
            pltpu.sync_copy(acc.at[pl.ds(_NS * _RPT, 16)],
                            out_hbm.at[cid].at[pl.ds(_NS * _RPT, 16)])

        if with_deg:
            @pl.when(sid == 0)
            def _write_deg():
                pltpu.sync_copy(deg_sh.at[pl.ds(0, _N)], degz_v)
                pltpu.sync_copy(degz_v, deg_hbm.at[cid])

    f = pl.kernel(body, out_type=out_type, mesh=mesh, scratch_types=scratch,
                  compiler_params=pltpu.CompilerParams(use_tc_tiling_on_sc=False))
    return f(m2, srcr, dstr)


def _pair_gather(h, ids):
    mesh = plsc.VectorSubcoreMesh(core_axis_name="c", subcore_axis_name="s")
    out_type = [jax.ShapeDtypeStruct((_ES, _D), jnp.float32)] * 2
    scratch = [
        pltpu.VMEM((4, 128), jnp.int32),
        pltpu.VMEM((128, _D), jnp.float32),
        pltpu.SemaphoreType.DMA,
    ]

    def body(h_hbm, ids_hbm, zs_hbm, zd_hbm, idx_v, rows_v, sem):
        cid = lax.axis_index("c")
        sid = lax.axis_index("s")
        wid = sid * _NC + cid
        pltpu.sync_copy(ids_hbm.at[wid], idx_v)
        for a, out_hbm in enumerate((zs_hbm, zd_hbm)):
            for j in range(2):
                pltpu.async_copy(h_hbm.at[idx_v.at[a * 2 + j]], rows_v, sem).wait()
                pltpu.sync_copy(rows_v, out_hbm.at[pl.ds((wid * 2 + j) * 128, 128)])

    f = pl.kernel(body, out_type=out_type, mesh=mesh, scratch_types=scratch)
    return f(h, ids)


def _split_cols(full):
    halves = jnp.stack([full[:, :_H], full[:, _H:]], axis=0)
    return jnp.concatenate(
        [halves, jnp.zeros((_NC, _NP - _N, _H), jnp.float32)], axis=1)


def _mm2(x, wa, wb):
    def body(x_ref, wa_ref, wb_ref, oa_ref, ob_ref):
        xb = x_ref[...]
        oa_ref[...] = _split_cols(
            jnp.dot(xb, wa_ref[...], preferred_element_type=jnp.float32))
        ob_ref[...] = jnp.dot(xb, wb_ref[...], preferred_element_type=jnp.float32)
    return pl.pallas_call(
        body,
        out_shape=[jax.ShapeDtypeStruct((_NC, _NP, _H), jnp.float32),
                   jax.ShapeDtypeStruct((_N, _D), jnp.float32)],
    )(x, wa, wb)


def _gnn_update_mm(xs, s, degp, b, wn, ws):
    def body(xs_ref, s_ref, degp_ref, b_ref, wn_ref, ws_ref, m_ref, hs_ref):
        deg = jnp.maximum(degp_ref[0] + degp_ref[1], 1.0)
        agg = jnp.concatenate([s_ref[0], s_ref[1]], axis=-1)
        h = xs_ref[...] + agg / deg[:, None] + b_ref[...]
        h = jnp.maximum(h, 0.0)
        m_ref[...] = _split_cols(
            jnp.dot(h, wn_ref[...], preferred_element_type=jnp.float32))
        hs_ref[...] = jnp.dot(h, ws_ref[...], preferred_element_type=jnp.float32)
    return pl.pallas_call(
        body,
        out_shape=[jax.ShapeDtypeStruct((_NC, _NP, _H), jnp.float32),
                   jax.ShapeDtypeStruct((_N, _D), jnp.float32)],
    )(xs, s, degp, b, wn, ws)


def _gnn_update_final(hs, s, degp, b):
    def body(hs_ref, s_ref, degp_ref, b_ref, o_ref):
        deg = jnp.maximum(degp_ref[0] + degp_ref[1], 1.0)
        agg = jnp.concatenate([s_ref[0], s_ref[1]], axis=-1)
        h = hs_ref[...] + agg / deg[:, None] + b_ref[...]
        o_ref[...] = jnp.maximum(h, 0.0)
    return pl.pallas_call(
        body,
        out_shape=jax.ShapeDtypeStruct((_N, _D), jnp.float32),
    )(hs, s, degp, b)


def _decoder(zs, zd, w1a, w1b, b1, w2, b2):
    def body(zs_ref, zd_ref, w1a_ref, w1b_ref, b1_ref, w2_ref, b2_ref, o_ref):
        t = jnp.dot(zs_ref[...], w1a_ref[...], preferred_element_type=jnp.float32)
        t = t + jnp.dot(zd_ref[...], w1b_ref[...], preferred_element_type=jnp.float32)
        t = jnp.maximum(t + b1_ref[...], 0.0)
        o_ref[...] = jnp.dot(t, w2_ref[...], preferred_element_type=jnp.float32) + b2_ref[...]
    return pl.pallas_call(
        body,
        out_shape=jax.ShapeDtypeStruct((_ES, _D), jnp.float32),
    )(zs, zd, w1a, w1b, b1, w2, b2)


def kernel(x, edge_index, src_idx, dst_idx, W_self0, W_neigh0, b0,
           W_self1, W_neigh1, b1g, W1, b1, W2, b2):
    pad = jnp.full((_NS, _PADE), _N, jnp.int32)
    srcr = jnp.concatenate(
        [edge_index[0].reshape(_NS, _EPT), pad], axis=1).reshape(_NS, _G, _C)
    dstr = jnp.concatenate(
        [edge_index[1].reshape(_NS, _EPT), pad], axis=1).reshape(_NS, _G, _C)
    ids = jnp.concatenate([src_idx.reshape(_NC * _NS, 2, 128),
                           dst_idx.reshape(_NC * _NS, 2, 128)], axis=1)
    b0r = b0.reshape(1, _D)
    b1gr = b1g.reshape(1, _D)
    b1r = b1.reshape(1, _D)
    b2r = b2.reshape(1, _D)
    w1a = W1[:_D]
    w1b = W1[_D:]

    m0, xs0 = _mm2(x, W_neigh0, W_self0)
    s0, degp = _edge_scatter(m0, srcr, dstr, with_deg=True)
    m1, hs1 = _gnn_update_mm(xs0, s0, degp, b0r, W_neigh1, W_self1)
    s1 = _edge_scatter(m1, srcr, dstr, with_deg=False)[0]
    h2 = _gnn_update_final(hs1, s1, degp, b1gr)
    zs, zd = _pair_gather(h2, ids)
    out = _decoder(zs, zd, w1a, w1b, b1r, W2, b2r)
    return out.reshape(-1)

# --- scband reference (transcript-rebuilt; emitter-appended) ---
"""Pipeline reference for scband-homegeneous-model-22196390985765 (READ-ONLY COPY).

The authoritative reference and input builder live on the scoring server;
editing this copy changes nothing except your own understanding.
"""

import jax, jax.numpy as jnp
import numpy as np

N = 10000
E = 320000
D = 128
ES = 8192
NUM_LAYERS = 2


def setup_inputs(seed: int = 0) -> dict:
    key = jax.random.key(seed)
    ks = jax.random.split(key, 16)
    x = jax.random.normal(ks[0], (N, D), dtype=jnp.float32)
    edge_index = jax.random.randint(ks[1], (2, E), 0, N, dtype=jnp.int32)
    src_idx = jax.random.randint(ks[2], (ES,), 0, N, dtype=jnp.int32)
    dst_idx = jax.random.randint(ks[3], (ES,), 0, N, dtype=jnp.int32)
    s = 1.0 / np.sqrt(D)
    # GNN layer params (SAGE-style: self transform + mean-aggregated neighbor transform)
    W_self0 = jax.random.normal(ks[4], (D, D), dtype=jnp.float32) * s
    W_neigh0 = jax.random.normal(ks[5], (D, D), dtype=jnp.float32) * s
    b0 = jnp.zeros((D,), dtype=jnp.float32)
    W_self1 = jax.random.normal(ks[6], (D, D), dtype=jnp.float32) * s
    W_neigh1 = jax.random.normal(ks[7], (D, D), dtype=jnp.float32) * s
    b1g = jnp.zeros((D,), dtype=jnp.float32)
    # Decoder (HomoLinear): lin1: 2D->D, lin2: D->D
    W1 = jax.random.normal(ks[8], (2 * D, D), dtype=jnp.float32) * (1.0 / np.sqrt(2 * D))
    b1 = jnp.zeros((D,), dtype=jnp.float32)
    W2 = jax.random.normal(ks[9], (D, D), dtype=jnp.float32) * s
    b2 = jnp.zeros((D,), dtype=jnp.float32)
    return {
        "x": x, "edge_index": edge_index, "src_idx": src_idx, "dst_idx": dst_idx,
        "W_self0": W_self0, "W_neigh0": W_neigh0, "b0": b0,
        "W_self1": W_self1, "W_neigh1": W_neigh1, "b1g": b1g,
        "W1": W1, "b1": b1, "W2": W2, "b2": b2,
    }


def _gnn_layer(h, edge_index, W_self, W_neigh, b):
    src = edge_index[0]
    dst = edge_index[1]
    msgs = h[src]  # gather
    agg = jax.ops.segment_sum(msgs, dst, num_segments=N)  # scatter-add
    deg = jax.ops.segment_sum(jnp.ones((E,), dtype=jnp.float32), dst, num_segments=N)
    agg = agg / jnp.maximum(deg, 1.0)[:, None]
    out = h @ W_self + agg @ W_neigh + b
    return jax.nn.relu(out)  # encoder applies relu after each conv (norm=None)


def reference(x, edge_index, src_idx, dst_idx,
              W_self0, W_neigh0, b0, W_self1, W_neigh1, b1g,
              W1, b1, W2, b2):
    # Encoder: HomoGNN with num_layers=2
    h = _gnn_layer(x, edge_index, W_self0, W_neigh0, b0)
    h = _gnn_layer(h, edge_index, W_self1, W_neigh1, b1g)
    # Decoder: HomoLinear on sampled edge pairs
    z = jnp.concatenate([h[src_idx], h[dst_idx]], axis=-1)
    z = jax.nn.relu(z @ W1 + b1)
    # dropout is identity in eval mode
    out = z @ W2 + b2
    return out.reshape(-1)

if __name__ == "__main__":
    import jax
    _d = setup_inputs()
    print(jax.jit(kernel)(*tuple(_d.values())))

</pallas_src>

<mosaic_0001>
#map = affine_map<(d0, d1) -> (0, 0)>
#map1 = affine_map<(d0, d1) -> (0, 0, 0)>
module attributes {stable_mosaic.version = 14 : i64} {
  func.func @body(%arg0: i32, %arg1: i32, %arg2: memref<10000x128xf32, #tpu.memory_space<hbm>>, %arg3: memref<32x4x128xi32, #tpu.memory_space<hbm>>, %arg4: memref<8192x128xf32, #tpu.memory_space<hbm>>, %arg5: memref<8192x128xf32, #tpu.memory_space<hbm>>, %arg6: memref<4x128xi32, #tpu.memory_space<vmem>>, %arg7: memref<128x128xf32, #tpu.memory_space<vmem>>, %arg8: memref<!tpu.dma_semaphore, #tpu.memory_space<semaphore_mem>>) attributes {dimension_semantics = [#tpu.dimension_semantics<core_parallel>, #tpu.dimension_semantics<subcore_parallel>], iteration_bounds = array<i64: 2, 16>, scalar_prefetch = 0 : i64, scratch_operands = 3 : i64, tpu.core_type = #tpu.core_type<sc_vector_subcore>, window_params = [{transform_indices = #map}, {transform_indices = #map1}, {transform_indices = #map}, {transform_indices = #map}]} {
    %mul3A = arith.constant 2 : i32
    %mul3A_0 = arith.muli %arg1, %mul3A : i32
    %add3A = arith.addi %mul3A_0, %arg0 : i32
    "tpu.region"() ({
      %run_scoped3A = tpu.sem_alloc : memref<!tpu.dma_semaphore, #tpu.memory_space<semaphore_mem>>
      %dma_start3A_79 = arith.constant 0 : i32
      %dma_start3A_80 = arith.constant 0 : i32
      %dma_start3A_81 = tpu.memref_slice %arg3[%add3A, %dma_start3A_79, %dma_start3A_80] : memref<32x4x128xi32, #tpu.memory_space<hbm>> -> memref<1x4x128xi32, #tpu.memory_space<hbm>>
      %dma_start3A_82 = tpu.memref_squeeze %dma_start3A_81 : memref<1x4x128xi32, #tpu.memory_space<hbm>> -> memref<4x128xi32, #tpu.memory_space<hbm>>
      %dma_start3A_83 = arith.constant 0 : i32
      %dma_start3A_84 = arith.constant 0 : i32
      %dma_start3A_85 = tpu.memref_slice %arg3[%add3A, %dma_start3A_83, %dma_start3A_84] : memref<32x4x128xi32, #tpu.memory_space<hbm>> -> memref<1x4x128xi32, #tpu.memory_space<hbm>>
      %dma_start3A_86 = tpu.memref_squeeze %dma_start3A_85 : memref<1x4x128xi32, #tpu.memory_space<hbm>> -> memref<4x128xi32, #tpu.memory_space<hbm>>
      tpu.enqueue_dma source(%dma_start3A_86 : memref<4x128xi32, #tpu.memory_space<hbm>>) target(%arg6 : memref<4x128xi32, #tpu.memory_space<vmem>>) target_semaphore(%run_scoped3A : memref<!tpu.dma_semaphore, #tpu.memory_space<semaphore_mem>>)
      %dma_wait3A_87 = arith.constant 0 : i32
      %dma_wait3A_88 = arith.constant 0 : i32
      %dma_wait3A_89 = tpu.memref_slice %arg3[%add3A, %dma_wait3A_87, %dma_wait3A_88] : memref<32x4x128xi32, #tpu.memory_space<hbm>> -> memref<1x4x128xi32, #tpu.memory_space<hbm>>
      %dma_wait3A_90 = tpu.memref_squeeze %dma_wait3A_89 : memref<1x4x128xi32, #tpu.memory_space<hbm>> -> memref<4x128xi32, #tpu.memory_space<hbm>>
      %dma_wait3A_91 = arith.constant 0 : i32
      %dma_wait3A_92 = arith.constant 0 : i32
      %dma_wait3A_93 = tpu.memref_slice %arg3[%add3A, %dma_wait3A_91, %dma_wait3A_92] : memref<32x4x128xi32, #tpu.memory_space<hbm>> -> memref<1x4x128xi32, #tpu.memory_space<hbm>>
      %dma_wait3A_94 = tpu.memref_squeeze %dma_wait3A_93 : memref<1x4x128xi32, #tpu.memory_space<hbm>> -> memref<4x128xi32, #tpu.memory_space<hbm>>
      tpu.wait_dma2 semaphore(%run_scoped3A : memref<!tpu.dma_semaphore, #tpu.memory_space<semaphore_mem>>) src(%dma_wait3A_94 : memref<4x128xi32, #tpu.memory_space<hbm>>) dst(%arg6 : memref<4x128xi32, #tpu.memory_space<vmem>>)
      tpu.yield
    }) : () -> ()
    %dma_start3A = arith.constant 0 : i32
    %dma_start3A_1 = arith.constant 0 : i32
    %dma_start3A_2 = tpu.memref_slice %arg6[%dma_start3A, %dma_start3A_1] : memref<4x128xi32, #tpu.memory_space<vmem>> -> memref<1x128xi32, #tpu.memory_space<vmem>>
    %dma_start3A_3 = tpu.memref_squeeze %dma_start3A_2 : memref<1x128xi32, #tpu.memory_space<vmem>> -> memref<128xi32, #tpu.memory_space<vmem>>
    %dma_start3A_4 = arith.constant 0 : i32
    %dma_start3A_5 = arith.constant 0 : i32
    %dma_start3A_6 = tpu.memref_slice %arg2[%dma_start3A_4, %dma_start3A_5] : memref<10000x128xf32, #tpu.memory_space<hbm>> -> memref<10000x128xf32, #tpu.memory_space<hbm>>
    tpu.enqueue_indirect_dma source(%dma_start3A_6 : memref<10000x128xf32, #tpu.memory_space<hbm>>) target(%arg7 : memref<128x128xf32, #tpu.memory_space<vmem>>) offsets(%dma_start3A_3 : memref<128xi32, #tpu.memory_space<vmem>>) semaphore(%arg8 : memref<!tpu.dma_semaphore, #tpu.memory_space<semaphore_mem>>)
    %dma_wait3A = arith.constant 0 : i32
    %dma_wait3A_7 = arith.constant 0 : i32
    %dma_wait3A_8 = tpu.memref_slice %arg6[%dma_wait3A, %dma_wait3A_7] : memref<4x128xi32, #tpu.memory_space<vmem>> -> memref<1x128xi32, #tpu.memory_space<vmem>>
    %dma_wait3A_9 = tpu.memref_squeeze %dma_wait3A_8 : memref<1x128xi32, #tpu.memory_space<vmem>> -> memref<128xi32, #tpu.memory_space<vmem>>
    %dma_wait3A_10 = arith.constant 0 : i32
    %dma_wait3A_11 = arith.constant 0 : i32
    %dma_wait3A_12 = tpu.memref_slice %arg2[%dma_wait3A_10, %dma_wait3A_11] : memref<10000x128xf32, #tpu.memory_space<hbm>> -> memref<10000x128xf32, #tpu.memory_space<hbm>>
    tpu.wait_indirect_dma semaphore(%arg8 : memref<!tpu.dma_semaphore, #tpu.memory_space<semaphore_mem>>) src(%dma_wait3A_12 : memref<10000x128xf32, #tpu.memory_space<hbm>>) dst(%arg7 : memref<128x128xf32, #tpu.memory_space<vmem>>)
    %mul3A_13 = arith.constant 2 : i32
    %mul3A_14 = arith.muli %add3A, %mul3A_13 : i32
    %add3A_15 = arith.constant 0 : i32
    %add3A_16 = arith.addi %mul3A_14, %add3A_15 : i32
    %mul3A_17 = arith.constant 128 : i32
    %mul3A_18 = arith.muli %add3A_16, %mul3A_17 : i32
    "tpu.region"() ({
      %run_scoped3A = tpu.sem_alloc : memref<!tpu.dma_semaphore, #tpu.memory_space<semaphore_mem>>
      %dma_start3A_79 = arith.constant 0 : i32
      %dma_start3A_80 = tpu.memref_slice %arg4[%mul3A_18, %dma_start3A_79] : memref<8192x128xf32, #tpu.memory_space<hbm>> -> memref<128x128xf32, #tpu.memory_space<hbm>>
      %dma_start3A_81 = arith.constant 0 : i32
      %dma_start3A_82 = tpu.memref_slice %arg4[%mul3A_18, %dma_start3A_81] : memref<8192x128xf32, #tpu.memory_space<hbm>> -> memref<128x128xf32, #tpu.memory_space<hbm>>
      tpu.enqueue_dma source(%arg7 : memref<128x128xf32, #tpu.memory_space<vmem>>) target(%dma_start3A_82 : memref<128x128xf32, #tpu.memory_space<hbm>>) target_semaphore(%run_scoped3A : memref<!tpu.dma_semaphore, #tpu.memory_space<semaphore_mem>>)
      %dma_wait3A_83 = arith.constant 0 : i32
      %dma_wait3A_84 = tpu.memref_slice %arg4[%mul3A_18, %dma_wait3A_83] : memref<8192x128xf32, #tpu.memory_space<hbm>> -> memref<128x128xf32, #tpu.memory_space<hbm>>
      %dma_wait3A_85 = arith.constant 0 : i32
      %dma_wait3A_86 = tpu.memref_slice %arg4[%mul3A_18, %dma_wait3A_85] : memref<8192x128xf32, #tpu.memory_space<hbm>> -> memref<128x128xf32, #tpu.memory_space<hbm>>
      tpu.wait_dma2 semaphore(%run_scoped3A : memref<!tpu.dma_semaphore, #tpu.memory_space<semaphore_mem>>) src(%arg7 : memref<128x128xf32, #tpu.memory_space<vmem>>) dst(%dma_wait3A_86 : memref<128x128xf32, #tpu.memory_space<hbm>>)
      tpu.yield
    }) : () -> ()
    %dma_start3A_19 = arith.constant 1 : i32
    %dma_start3A_20 = arith.constant 0 : i32
    %dma_start3A_21 = tpu.memref_slice %arg6[%dma_start3A_19, %dma_start3A_20] : memref<4x128xi32, #tpu.memory_space<vmem>> -> memref<1x128xi32, #tpu.memory_space<vmem>>
    %dma_start3A_22 = tpu.memref_squeeze %dma_start3A_21 : memref<1x128xi32, #tpu.memory_space<vmem>> -> memref<128xi32, #tpu.memory_space<vmem>>
    %dma_start3A_23 = arith.constant 0 : i32
    %dma_start3A_24 = arith.constant 0 : i32
    %dma_start3A_25 = tpu.memref_slice %arg2[%dma_start3A_23, %dma_start3A_24] : memref<10000x128xf32, #tpu.memory_space<hbm>> -> memref<10000x128xf32, #tpu.memory_space<hbm>>
    tpu.enqueue_indirect_dma source(%dma_start3A_25 : memref<10000x128xf32, #tpu.memory_space<hbm>>) target(%arg7 : memref<128x128xf32, #tpu.memory_space<vmem>>) offsets(%dma_start3A_22 : memref<128xi32, #tpu.memory_space<vmem>>) semaphore(%arg8 : memref<!tpu.dma_semaphore, #tpu.memory_space<semaphore_mem>>)
    %dma_wait3A_26 = arith.constant 1 : i32
    %dma_wait3A_27 = arith.constant 0 : i32
    %dma_wait3A_28 = tpu.memref_slice %arg6[%dma_wait3A_26, %dma_wait3A_27] : memref<4x128xi32, #tpu.memory_space<vmem>> -> memref<1x128xi32, #tpu.memory_space<vmem>>
    %dma_wait3A_29 = tpu.memref_squeeze %dma_wait3A_28 : memref<1x128xi32, #tpu.memory_space<vmem>> -> memref<128xi32, #tpu.memory_space<vmem>>
    %dma_wait3A_30 = arith.constant 0 : i32
    %dma_wait3A_31 = arith.constant 0 : i32
    %dma_wait3A_32 = tpu.memref_slice %arg2[%dma_wait3A_30, %dma_wait3A_31] : memref<10000x128xf32, #tpu.memory_space<hbm>> -> memref<10000x128xf32, #tpu.memory_space<hbm>>
    tpu.wait_indirect_dma semaphore(%arg8 : memref<!tpu.dma_semaphore, #tpu.memory_space<semaphore_mem>>) src(%dma_wait3A_32 : memref<10000x128xf32, #tpu.memory_space<hbm>>) dst(%arg7 : memref<128x128xf32, #tpu.memory_space<vmem>>)
    %mul3A_33 = arith.constant 2 : i32
    %mul3A_34 = arith.muli %add3A, %mul3A_33 : i32
    %add3A_35 = arith.constant 1 : i32
    %add3A_36 = arith.addi %mul3A_34, %add3A_35 : i32
    %mul3A_37 = arith.constant 128 : i32
    %mul3A_38 = arith.muli %add3A_36, %mul3A_37 : i32
    "tpu.region"() ({
      %run_scoped3A = tpu.sem_alloc : memref<!tpu.dma_semaphore, #tpu.memory_space<semaphore_mem>>
      %dma_start3A_79 = arith.constant 0 : i32
      %dma_start3A_80 = tpu.memref_slice %arg4[%mul3A_38, %dma_start3A_79] : memref<8192x128xf32, #tpu.memory_space<hbm>> -> memref<128x128xf32, #tpu.memory_space<hbm>>
      %dma_start3A_81 = arith.constant 0 : i32
      %dma_start3A_82 = tpu.memref_slice %arg4[%mul3A_38, %dma_start3A_81] : memref<8192x128xf32, #tpu.memory_space<hbm>> -> memref<128x128xf32, #tpu.memory_space<hbm>>
      tpu.enqueue_dma source(%arg7 : memref<128x128xf32, #tpu.memory_space<vmem>>) target(%dma_start3A_82 : memref<128x128xf32, #tpu.memory_space<hbm>>) target_semaphore(%run_scoped3A : memref<!tpu.dma_semaphore, #tpu.memory_space<semaphore_mem>>)
      %dma_wait3A_83 = arith.constant 0 : i32
      %dma_wait3A_84 = tpu.memref_slice %arg4[%mul3A_38, %dma_wait3A_83] : memref<8192x128xf32, #tpu.memory_space<hbm>> -> memref<128x128xf32, #tpu.memory_space<hbm>>
      %dma_wait3A_85 = arith.constant 0 : i32
      %dma_wait3A_86 = tpu.memref_slice %arg4[%mul3A_38, %dma_wait3A_85] : memref<8192x128xf32, #tpu.memory_space<hbm>> -> memref<128x128xf32, #tpu.memory_space<hbm>>
      tpu.wait_dma2 semaphore(%run_scoped3A : memref<!tpu.dma_semaphore, #tpu.memory_space<semaphore_mem>>) src(%arg7 : memref<128x128xf32, #tpu.memory_space<vmem>>) dst(%dma_wait3A_86 : memref<128x128xf32, #tpu.memory_space<hbm>>)
      tpu.yield
    }) : () -> ()
    %dma_start3A_39 = arith.constant 2 : i32
    %dma_start3A_40 = arith.constant 0 : i32
    %dma_start3A_41 = tpu.memref_slice %arg6[%dma_start3A_39, %dma_start3A_40] : memref<4x128xi32, #tpu.memory_space<vmem>> -> memref<1x128xi32, #tpu.memory_space<vmem>>
    %dma_start3A_42 = tpu.memref_squeeze %dma_start3A_41 : memref<1x128xi32, #tpu.memory_space<vmem>> -> memref<128xi32, #tpu.memory_space<vmem>>
    %dma_start3A_43 = arith.constant 0 : i32
    %dma_start3A_44 = arith.constant 0 : i32
    %dma_start3A_45 = tpu.memref_slice %arg2[%dma_start3A_43, %dma_start3A_44] : memref<10000x128xf32, #tpu.memory_space<hbm>> -> memref<10000x128xf32, #tpu.memory_space<hbm>>
    tpu.enqueue_indirect_dma source(%dma_start3A_45 : memref<10000x128xf32, #tpu.memory_space<hbm>>) target(%arg7 : memref<128x128xf32, #tpu.memory_space<vmem>>) offsets(%dma_start3A_42 : memref<128xi32, #tpu.memory_space<vmem>>) semaphore(%arg8 : memref<!tpu.dma_semaphore, #tpu.memory_space<semaphore_mem>>)
    %dma_wait3A_46 = arith.constant 2 : i32
    %dma_wait3A_47 = arith.constant 0 : i32
    %dma_wait3A_48 = tpu.memref_slice %arg6[%dma_wait3A_46, %dma_wait3A_47] : memref<4x128xi32, #tpu.memory_space<vmem>> -> memref<1x128xi32, #tpu.memory_space<vmem>>
    %dma_wait3A_49 = tpu.memref_squeeze %dma_wait3A_48 : memref<1x128xi32, #tpu.memory_space<vmem>> -> memref<128xi32, #tpu.memory_space<vmem>>
    %dma_wait3A_50 = arith.constant 0 : i32
    %dma_wait3A_51 = arith.constant 0 : i32
    %dma_wait3A_52 = tpu.memref_slice %arg2[%dma_wait3A_50, %dma_wait3A_51] : memref<10000x128xf32, #tpu.memory_space<hbm>> -> memref<10000x128xf32, #tpu.memory_space<hbm>>
    tpu.wait_indirect_dma semaphore(%arg8 : memref<!tpu.dma_semaphore, #tpu.memory_space<semaphore_mem>>) src(%dma_wait3A_52 : memref<10000x128xf32, #tpu.memory_space<hbm>>) dst(%arg7 : memref<128x128xf32, #tpu.memory_space<vmem>>)
    %mul3A_53 = arith.constant 2 : i32
    %mul3A_54 = arith.muli %add3A, %mul3A_53 : i32
    %add3A_55 = arith.constant 0 : i32
    %add3A_56 = arith.addi %mul3A_54, %add3A_55 : i32
    %mul3A_57 = arith.constant 128 : i32
    %mul3A_58 = arith.muli %add3A_56, %mul3A_57 : i32
    "tpu.region"() ({
      %run_scoped3A = tpu.sem_alloc : memref<!tpu.dma_semaphore, #tpu.memory_space<semaphore_mem>>
      %dma_start3A_79 = arith.constant 0 : i32
      %dma_start3A_80 = tpu.memref_slice %arg5[%mul3A_58, %dma_start3A_79] : memref<8192x128xf32, #tpu.memory_space<hbm>> -> memref<128x128xf32, #tpu.memory_space<hbm>>
      %dma_start3A_81 = arith.constant 0 : i32
      %dma_start3A_82 = tpu.memref_slice %arg5[%mul3A_58, %dma_start3A_81] : memref<8192x128xf32, #tpu.memory_space<hbm>> -> memref<128x128xf32, #tpu.memory_space<hbm>>
      tpu.enqueue_dma source(%arg7 : memref<128x128xf32, #tpu.memory_space<vmem>>) target(%dma_start3A_82 : memref<128x128xf32, #tpu.memory_space<hbm>>) target_semaphore(%run_scoped3A : memref<!tpu.dma_semaphore, #tpu.memory_space<semaphore_mem>>)
      %dma_wait3A_83 = arith.constant 0 : i32
      %dma_wait3A_84 = tpu.memref_slice %arg5[%mul3A_58, %dma_wait3A_83] : memref<8192x128xf32, #tpu.memory_space<hbm>> -> memref<128x128xf32, #tpu.memory_space<hbm>>
      %dma_wait3A_85 = arith.constant 0 : i32
      %dma_wait3A_86 = tpu.memref_slice %arg5[%mul3A_58, %dma_wait3A_85] : memref<8192x128xf32, #tpu.memory_space<hbm>> -> memref<128x128xf32, #tpu.memory_space<hbm>>
      tpu.wait_dma2 semaphore(%run_scoped3A : memref<!tpu.dma_semaphore, #tpu.memory_space<semaphore_mem>>) src(%arg7 : memref<128x128xf32, #tpu.memory_space<vmem>>) dst(%dma_wait3A_86 : memref<128x128xf32, #tpu.memory_space<hbm>>)
      tpu.yield
    }) : () -> ()
    %dma_start3A_59 = arith.constant 3 : i32
    %dma_start3A_60 = arith.constant 0 : i32
    %dma_start3A_61 = tpu.memref_slice %arg6[%dma_start3A_59, %dma_start3A_60] : memref<4x128xi32, #tpu.memory_space<vmem>> -> memref<1x128xi32, #tpu.memory_space<vmem>>
    %dma_start3A_62 = tpu.memref_squeeze %dma_start3A_61 : memref<1x128xi32, #tpu.memory_space<vmem>> -> memref<128xi32, #tpu.memory_space<vmem>>
    %dma_start3A_63 = arith.constant 0 : i32
    %dma_start3A_64 = arith.constant 0 : i32
    %dma_start3A_65 = tpu.memref_slice %arg2[%dma_start3A_63, %dma_start3A_64] : memref<10000x128xf32, #tpu.memory_space<hbm>> -> memref<10000x128xf32, #tpu.memory_space<hbm>>
    tpu.enqueue_indirect_dma source(%dma_start3A_65 : memref<10000x128xf32, #tpu.memory_space<hbm>>) target(%arg7 : memref<128x128xf32, #tpu.memory_space<vmem>>) offsets(%dma_start3A_62 : memref<128xi32, #tpu.memory_space<vmem>>) semaphore(%arg8 : memref<!tpu.dma_semaphore, #tpu.memory_space<semaphore_mem>>)
    %dma_wait3A_66 = arith.constant 3 : i32
    %dma_wait3A_67 = arith.constant 0 : i32
    %dma_wait3A_68 = tpu.memref_slice %arg6[%dma_wait3A_66, %dma_wait3A_67] : memref<4x128xi32, #tpu.memory_space<vmem>> -> memref<1x128xi32, #tpu.memory_space<vmem>>
    %dma_wait3A_69 = tpu.memref_squeeze %dma_wait3A_68 : memref<1x128xi32, #tpu.memory_space<vmem>> -> memref<128xi32, #tpu.memory_space<vmem>>
    %dma_wait3A_70 = arith.constant 0 : i32
    %dma_wait3A_71 = arith.constant 0 : i32
    %dma_wait3A_72 = tpu.memref_slice %arg2[%dma_wait3A_70, %dma_wait3A_71] : memref<10000x128xf32, #tpu.memory_space<hbm>> -> memref<10000x128xf32, #tpu.memory_space<hbm>>
    tpu.wait_indirect_dma semaphore(%arg8 : memref<!tpu.dma_semaphore, #tpu.memory_space<semaphore_mem>>) src(%dma_wait3A_72 : memref<10000x128xf32, #tpu.memory_space<hbm>>) dst(%arg7 : memref<128x128xf32, #tpu.memory_space<vmem>>)
    %mul3A_73 = arith.constant 2 : i32
    %mul3A_74 = arith.muli %add3A, %mul3A_73 : i32
    %add3A_75 = arith.constant 1 : i32
    %add3A_76 = arith.addi %mul3A_74, %add3A_75 : i32
    %mul3A_77 = arith.constant 128 : i32
    %mul3A_78 = arith.muli %add3A_76, %mul3A_77 : i32
    "tpu.region"() ({
      %run_scoped3A = tpu.sem_alloc : memref<!tpu.dma_semaphore, #tpu.memory_space<semaphore_mem>>
      %dma_start3A_79 = arith.constant 0 : i32
      %dma_start3A_80 = tpu.memref_slice %arg5[%mul3A_78, %dma_start3A_79] : memref<8192x128xf32, #tpu.memory_space<hbm>> -> memref<128x128xf32, #tpu.memory_space<hbm>>
      %dma_start3A_81 = arith.constant 0 : i32
      %dma_start3A_82 = tpu.memref_slice %arg5[%mul3A_78, %dma_start3A_81] : memref<8192x128xf32, #tpu.memory_space<hbm>> -> memref<128x128xf32, #tpu.memory_space<hbm>>
      tpu.enqueue_dma source(%arg7 : memref<128x128xf32, #tpu.memory_space<vmem>>) target(%dma_start3A_82 : memref<128x128xf32, #tpu.memory_space<hbm>>) target_semaphore(%run_scoped3A : memref<!tpu.dma_semaphore, #tpu.memory_space<semaphore_mem>>)
      %dma_wait3A_83 = arith.constant 0 : i32
      %dma_wait3A_84 = tpu.memref_slice %arg5[%mul3A_78, %dma_wait3A_83] : memref<8192x128xf32, #tpu.memory_space<hbm>> -> memref<128x128xf32, #tpu.memory_space<hbm>>
      %dma_wait3A_85 = arith.constant 0 : i32
      %dma_wait3A_86 = tpu.memref_slice %arg5[%mul3A_78, %dma_wait3A_85] : memref<8192x128xf32, #tpu.memory_space<hbm>> -> memref<128x128xf32, #tpu.memory_space<hbm>>
      tpu.wait_dma2 semaphore(%run_scoped3A : memref<!tpu.dma_semaphore, #tpu.memory_space<semaphore_mem>>) src(%arg7 : memref<128x128xf32, #tpu.memory_space<vmem>>) dst(%dma_wait3A_86 : memref<128x128xf32, #tpu.memory_space<hbm>>)
      tpu.yield
    }) : () -> ()
    return
  }
}

#map = affine_map<(d0, d1) -> (0, 0, 0)>
#map1 = affine_map<(d0, d1) -> (0, 0)>
module attributes {stable_mosaic.version = 14 : i64} {
  func.func @body(%arg0: i32, %arg1: i32, %arg2: memref<2x10008x64xf32, #tpu.memory_space<hbm>>, %arg3: memref<16x252x80xi32, #tpu.memory_space<hbm>>, %arg4: memref<16x252x80xi32, #tpu.memory_space<hbm>>, %arg5: memref<2x10000x64xf32, #tpu.memory_space<hbm>>, %arg6: memref<2x10000xf32, #tpu.memory_space<hbm>>, %arg7: memref<252x80xi32, #tpu.memory_space<vmem>>, %arg8: memref<252x80xi32, #tpu.memory_space<vmem>>, %arg9: memref<80x64xf32, #tpu.memory_space<vmem>>, %arg10: memref<80x64xf32, #tpu.memory_space<vmem>>, %arg11: memref<80x64xf32, #tpu.memory_space<vmem>>, %arg12: memref<80x64xf32, #tpu.memory_space<vmem>>, %arg13: memref<208x64xf32, #tpu.memory_space<vmem>>, %arg14: memref<10000xf32, #tpu.memory_space<vmem>>, %arg15: memref<80xf32, #tpu.memory_space<vmem>>, %arg16: memref<10008xf32, #tpu.memory_space<vmem_shared>>, %arg17: memref<10008x64xf32, #tpu.memory_space<vmem_shared>>, %arg18: memref<!tpu.dma_semaphore, #tpu.memory_space<semaphore_mem>>, %arg19: memref<!tpu.dma_semaphore, #tpu.memory_space<semaphore_mem>>) attributes {dimension_semantics = [#tpu.dimension_semantics<core_parallel>, #tpu.dimension_semantics<subcore_parallel>], iteration_bounds = array<i64: 2, 16>, scalar_prefetch = 0 : i64, scratch_operands = 13 : i64, tpu.core_type = #tpu.core_type<sc_vector_subcore>, window_params = [{transform_indices = #map}, {transform_indices = #map}, {transform_indices = #map}, {transform_indices = #map}, {transform_indices = #map1}]} {
    %broadcast_in_dim3A = arith.constant 0.000000e+00 : f32
    %broadcast_in_dim3A_0 = vector.broadcast %broadcast_in_dim3A : f32 to vector<16xf32>
    %broadcast_in_dim3A_1 = arith.constant 1.000000e+00 : f32
    %broadcast_in_dim3A_2 = vector.broadcast %broadcast_in_dim3A_1 : f32 to vector<16xf32>
    %scan3A = arith.constant 0 : i32
    %scan3A_3 = arith.constant 0 : i32
    %scan3A_4 = arith.constant 208 : i32
    %scan3A_5 = arith.addi %scan3A_3, %scan3A_4 : i32
    %scan3A_6 = arith.constant 1 : i32
    scf.for %scan3A_254 = %scan3A_3 to %scan3A_5 step %scan3A_6  : i32 {
      %swap3A_255 = arith.index_cast %scan3A_254 : i32 to index
      %swap3A_256 = arith.constant 0 : index
      %swap3A_257 = tpu.vector_load %arg13[%swap3A_255, %swap3A_256] {strides = array<i32>} : memref<208x64xf32, #tpu.memory_space<vmem>>, vector<1x16xf32>,
      %swap3A_258 = vector.shape_cast %swap3A_257 : vector<1x16xf32> to vector<16xf32>
      %swap3A_259 = vector.shape_cast %broadcast_in_dim3A_0 : vector<16xf32> to vector<1x16xf32>
      tpu.vector_store %arg13[%swap3A_255, %swap3A_256], %swap3A_259 {strides = array<i32>} : memref<208x64xf32, #tpu.memory_space<vmem>>, vector<1x16xf32>,
      %swap3A_260 = arith.index_cast %scan3A_254 : i32 to index
      %swap3A_261 = arith.constant 16 : index
      %swap3A_262 = tpu.vector_load %arg13[%swap3A_260, %swap3A_261] {strides = array<i32>} : memref<208x64xf32, #tpu.memory_space<vmem>>, vector<1x16xf32>,
      %swap3A_263 = vector.shape_cast %swap3A_262 : vector<1x16xf32> to vector<16xf32>
      %swap3A_264 = vector.shape_cast %broadcast_in_dim3A_0 : vector<16xf32> to vector<1x16xf32>
      tpu.vector_store %arg13[%swap3A_260, %swap3A_261], %swap3A_264 {strides = array<i32>} : memref<208x64xf32, #tpu.memory_space<vmem>>, vector<1x16xf32>,
      %swap3A_265 = arith.index_cast %scan3A_254 : i32 to index
      %swap3A_266 = arith.constant 32 : index
      %swap3A_267 = tpu.vector_load %arg13[%swap3A_265, %swap3A_266] {strides = array<i32>} : memref<208x64xf32, #tpu.memory_space<vmem>>, vector<1x16xf32>,
      %swap3A_268 = vector.shape_cast %swap3A_267 : vector<1x16xf32> to vector<16xf32>
      %swap3A_269 = vector.shape_cast %broadcast_in_dim3A_0 : vector<16xf32> to vector<1x16xf32>
      tpu.vector_store %arg13[%swap3A_265, %swap3A_266], %swap3A_269 {strides = array<i32>} : memref<208x64xf32, #tpu.memory_space<vmem>>, vector<1x16xf32>,
      %swap3A_270 = arith.index_cast %scan3A_254 : i32 to index
      %swap3A_271 = arith.constant 48 : index
      %swap3A_272 = tpu.vector_load %arg13[%swap3A_270, %swap3A_271] {strides = array<i32>} : memref<208x64xf32, #tpu.memory_space<vmem>>, vector<1x16xf32>,
      %swap3A_273 = vector.shape_cast %swap3A_272 : vector<1x16xf32> to vector<16xf32>
      %swap3A_274 = vector.shape_cast %broadcast_in_dim3A_0 : vector<16xf32> to vector<1x16xf32>
      tpu.vector_store %arg13[%swap3A_270, %swap3A_271], %swap3A_274 {strides = array<i32>} : memref<208x64xf32, #tpu.memory_space<vmem>>, vector<1x16xf32>,
    }
    %scan3A_7 = arith.constant 208 : i32
    %mul3A = arith.constant 624 : i32
    %mul3A_8 = arith.muli %arg1, %mul3A : i32
    %add3A = arith.constant 0 : i32
    %add3A_9 = arith.addi %mul3A_8, %add3A : i32
    "tpu.region"() ({
      %run_scoped3A = tpu.sem_alloc : memref<!tpu.dma_semaphore, #tpu.memory_space<semaphore_mem>>
      %dma_start3A_254 = arith.constant 0 : i32
      %dma_start3A_255 = tpu.memref_slice %arg17[%add3A_9, %dma_start3A_254] : memref<10008x64xf32, #tpu.memory_space<vmem_shared>> -> memref<208x64xf32, #tpu.memory_space<vmem_shared>>
      %dma_start3A_256 = arith.constant 0 : i32
      %dma_start3A_257 = tpu.memref_slice %arg17[%add3A_9, %dma_start3A_256] : memref<10008x64xf32, #tpu.memory_space<vmem_shared>> -> memref<208x64xf32, #tpu.memory_space<vmem_shared>>
      tpu.enqueue_dma source(%arg13 : memref<208x64xf32, #tpu.memory_space<vmem>>) target(%dma_start3A_257 : memref<208x64xf32, #tpu.memory_space<vmem_shared>>) target_semaphore(%run_scoped3A : memref<!tpu.dma_semaphore, #tpu.memory_space<semaphore_mem>>)
      %dma_wait3A_258 = arith.constant 0 : i32
      %dma_wait3A_259 = tpu.memref_slice %arg17[%add3A_9, %dma_wait3A_258] : memref<10008x64xf32, #tpu.memory_space<vmem_shared>> -> memref<208x64xf32, #tpu.memory_space<vmem_shared>>
      %dma_wait3A_260 = arith.constant 0 : i32
      %dma_wait3A_261 = tpu.memref_slice %arg17[%add3A_9, %dma_wait3A_260] : memref<10008x64xf32, #tpu.memory_space<vmem_shared>> -> memref<208x64xf32, #tpu.memory_space<vmem_shared>>
      tpu.wait_dma2 semaphore(%run_scoped3A : memref<!tpu.dma_semaphore, #tpu.memory_space<semaphore_mem>>) src(%arg13 : memref<208x64xf32, #tpu.memory_space<vmem>>) dst(%dma_wait3A_261 : memref<208x64xf32, #tpu.memory_space<vmem_shared>>)
      tpu.yield
    }) : () -> ()
    %mul3A_10 = arith.constant 624 : i32
    %mul3A_11 = arith.muli %arg1, %mul3A_10 : i32
    %add3A_12 = arith.constant 208 : i32
    %add3A_13 = arith.addi %mul3A_11, %add3A_12 : i32
    "tpu.region"() ({
      %run_scoped3A = tpu.sem_alloc : memref<!tpu.dma_semaphore, #tpu.memory_space<semaphore_mem>>
      %dma_start3A_254 = arith.constant 0 : i32
      %dma_start3A_255 = tpu.memref_slice %arg17[%add3A_13, %dma_start3A_254] : memref<10008x64xf32, #tpu.memory_space<vmem_shared>> -> memref<208x64xf32, #tpu.memory_space<vmem_shared>>
      %dma_start3A_256 = arith.constant 0 : i32
      %dma_start3A_257 = tpu.memref_slice %arg17[%add3A_13, %dma_start3A_256] : memref<10008x64xf32, #tpu.memory_space<vmem_shared>> -> memref<208x64xf32, #tpu.memory_space<vmem_shared>>
      tpu.enqueue_dma source(%arg13 : memref<208x64xf32, #tpu.memory_space<vmem>>) target(%dma_start3A_257 : memref<208x64xf32, #tpu.memory_space<vmem_shared>>) target_semaphore(%run_scoped3A : memref<!tpu.dma_semaphore, #tpu.memory_space<semaphore_mem>>)
      %dma_wait3A_258 = arith.constant 0 : i32
      %dma_wait3A_259 = tpu.memref_slice %arg17[%add3A_13, %dma_wait3A_258] : memref<10008x64xf32, #tpu.memory_space<vmem_shared>> -> memref<208x64xf32, #tpu.memory_space<vmem_shared>>
      %dma_wait3A_260 = arith.constant 0 : i32
      %dma_wait3A_261 = tpu.memref_slice %arg17[%add3A_13, %dma_wait3A_260] : memref<10008x64xf32, #tpu.memory_space<vmem_shared>> -> memref<208x64xf32, #tpu.memory_space<vmem_shared>>
      tpu.wait_dma2 semaphore(%run_scoped3A : memref<!tpu.dma_semaphore, #tpu.memory_space<semaphore_mem>>) src(%arg13 : memref<208x64xf32, #tpu.memory_space<vmem>>) dst(%dma_wait3A_261 : memref<208x64xf32, #tpu.memory_space<vmem_shared>>)
      tpu.yield
    }) : () -> ()
    %mul3A_14 = arith.constant 624 : i32
    %mul3A_15 = arith.muli %arg1, %mul3A_14 : i32
    %add3A_16 = arith.constant 416 : i32
    %add3A_17 = arith.addi %mul3A_15, %add3A_16 : i32
    "tpu.region"() ({
      %run_scoped3A = tpu.sem_alloc : memref<!tpu.dma_semaphore, #tpu.memory_space<semaphore_mem>>
      %dma_start3A_254 = arith.constant 0 : i32
      %dma_start3A_255 = tpu.memref_slice %arg17[%add3A_17, %dma_start3A_254] : memref<10008x64xf32, #tpu.memory_space<vmem_shared>> -> memref<208x64xf32, #tpu.memory_space<vmem_shared>>
      %dma_start3A_256 = arith.constant 0 : i32
      %dma_start3A_257 = tpu.memref_slice %arg17[%add3A_17, %dma_start3A_256] : memref<10008x64xf32, #tpu.memory_space<vmem_shared>> -> memref<208x64xf32, #tpu.memory_space<vmem_shared>>
      tpu.enqueue_dma source(%arg13 : memref<208x64xf32, #tpu.memory_space<vmem>>) target(%dma_start3A_257 : memref<208x64xf32, #tpu.memory_space<vmem_shared>>) target_semaphore(%run_scoped3A : memref<!tpu.dma_semaphore, #tpu.memory_space<semaphore_mem>>)
      %dma_wait3A_258 = arith.constant 0 : i32
      %dma_wait3A_259 = tpu.memref_slice %arg17[%add3A_17, %dma_wait3A_258] : memref<10008x64xf32, #tpu.memory_space<vmem_shared>> -> memref<208x64xf32, #tpu.memory_space<vmem_shared>>
      %dma_wait3A_260 = arith.constant 0 : i32
      %dma_wait3A_261 = tpu.memref_slice %arg17[%add3A_17, %dma_wait3A_260] : memref<10008x64xf32, #tpu.memory_space<vmem_shared>> -> memref<208x64xf32, #tpu.memory_space<vmem_shared>>
      tpu.wait_dma2 semaphore(%run_scoped3A : memref<!tpu.dma_semaphore, #tpu.memory_space<semaphore_mem>>) src(%arg13 : memref<208x64xf32, #tpu.memory_space<vmem>>) dst(%dma_wait3A_261 : memref<208x64xf32, #tpu.memory_space<vmem_shared>>)
      tpu.yield
    }) : () -> ()
    %eq3A = arith.constant 15 : i32
    %eq3A_18 = arith.cmpi eq, %arg1, %eq3A : i32
    %convert_element_type3A = arith.extui %eq3A_18 : i1 to i32
    %cond3A = arith.constant 0 : i32
    %cond3A_19 = arith.cmpi ne, %convert_element_type3A, %cond3A : i32
    scf.if %cond3A_19 {
      "tpu.region"() ({
        %run_scoped3A = tpu.sem_alloc : memref<!tpu.dma_semaphore, #tpu.memory_space<semaphore_mem>>
        %dma_start3A_254 = arith.constant 0 : i32
        %dma_start3A_255 = arith.constant 0 : i32
        %dma_start3A_256 = tpu.memref_slice %arg13[%dma_start3A_254, %dma_start3A_255] : memref<208x64xf32, #tpu.memory_space<vmem>> -> memref<16x64xf32, #tpu.memory_space<vmem>>
        %dma_start3A_257 = arith.constant 9984 : i32
        %dma_start3A_258 = arith.constant 0 : i32
        %dma_start3A_259 = tpu.memref_slice %arg17[%dma_start3A_257, %dma_start3A_258] : memref<10008x64xf32, #tpu.memory_space<vmem_shared>> -> memref<16x64xf32, #tpu.memory_space<vmem_shared>>
        %dma_start3A_260 = arith.constant 9984 : i32
        %dma_start3A_261 = arith.constant 0 : i32
        %dma_start3A_262 = tpu.memref_slice %arg17[%dma_start3A_260, %dma_start3A_261] : memref<10008x64xf32, #tpu.memory_space<vmem_shared>> -> memref<16x64xf32, #tpu.memory_space<vmem_shared>>
        %dma_start3A_263 = arith.constant 0 : i32
        %dma_start3A_264 = arith.constant 0 : i32
        %dma_start3A_265 = tpu.memref_slice %arg13[%dma_start3A_263, %dma_start3A_264] : memref<208x64xf32, #tpu.memory_space<vmem>> -> memref<16x64xf32, #tpu.memory_space<vmem>>
        tpu.enqueue_dma source(%dma_start3A_265 : memref<16x64xf32, #tpu.memory_space<vmem>>) target(%dma_start3A_262 : memref<16x64xf32, #tpu.memory_space<vmem_shared>>) target_semaphore(%run_scoped3A : memref<!tpu.dma_semaphore, #tpu.memory_space<semaphore_mem>>)
        %dma_wait3A_266 = arith.constant 0 : i32
        %dma_wait3A_267 = arith.constant 0 : i32
        %dma_wait3A_268 = tpu.memref_slice %arg13[%dma_wait3A_266, %dma_wait3A_267] : memref<208x64xf32, #tpu.memory_space<vmem>> -> memref<16x64xf32, #tpu.memory_space<vmem>>
        %dma_wait3A_269 = arith.constant 9984 : i32
        %dma_wait3A_270 = arith.constant 0 : i32
        %dma_wait3A_271 = tpu.memref_slice %arg17[%dma_wait3A_269, %dma_wait3A_270] : memref<10008x64xf32, #tpu.memory_space<vmem_shared>> -> memref<16x64xf32, #tpu.memory_space<vmem_shared>>
        %dma_wait3A_272 = arith.constant 9984 : i32
        %dma_wait3A_273 = arith.constant 0 : i32
        %dma_wait3A_274 = tpu.memref_slice %arg17[%dma_wait3A_272, %dma_wait3A_273] : memref<10008x64xf32, #tpu.memory_space<vmem_shared>> -> memref<16x64xf32, #tpu.memory_space<vmem_shared>>
        %dma_wait3A_275 = arith.constant 0 : i32
        %dma_wait3A_276 = arith.constant 0 : i32
        %dma_wait3A_277 = tpu.memref_slice %arg13[%dma_wait3A_275, %dma_wait3A_276] : memref<208x64xf32, #tpu.memory_space<vmem>> -> memref<16x64xf32, #tpu.memory_space<vmem>>
        tpu.wait_dma2 semaphore(%run_scoped3A : memref<!tpu.dma_semaphore, #tpu.memory_space<semaphore_mem>>) src(%dma_wait3A_277 : memref<16x64xf32, #tpu.memory_space<vmem>>) dst(%dma_wait3A_274 : memref<16x64xf32, #tpu.memory_space<vmem_shared>>)
        tpu.yield
      }) : () -> ()
    } else {
    }
    %scan3A_20 = arith.constant 0 : i32
    %scan3A_21 = arith.constant 0 : i32
    %scan3A_22 = arith.constant 625 : i32
    %scan3A_23 = arith.addi %scan3A_21, %scan3A_22 : i32
    %scan3A_24 = arith.constant 1 : i32
    scf.for %scan3A_254 = %scan3A_21 to %scan3A_23 step %scan3A_24  : i32 {
      %mul3A_255 = arith.constant 16 : i32
      %mul3A_256 = arith.muli %scan3A_254, %mul3A_255 : i32
      %swap3A_257 = arith.index_cast %mul3A_256 : i32 to index
      %swap3A_258 = tpu.vector_load %arg14[%swap3A_257] {strides = array<i32>} : memref<10000xf32, #tpu.memory_space<vmem>>, vector<16xf32>,
      %swap3A_259 = vector.shape_cast %swap3A_258 : vector<16xf32> to vector<16xf32>
      %swap3A_260 = vector.shape_cast %broadcast_in_dim3A_0 : vector<16xf32> to vector<16xf32>
      tpu.vector_store %arg14[%swap3A_257], %swap3A_260 {strides = array<i32>} : memref<10000xf32, #tpu.memory_space<vmem>>, vector<16xf32>,
    }
    %scan3A_25 = arith.constant 625 : i32
    %swap3A = arith.constant 0 : index
    %swap3A_26 = tpu.vector_load %arg15[%swap3A] {strides = array<i32>} : memref<80xf32, #tpu.memory_space<vmem>>, vector<16xf32>,
    %swap3A_27 = vector.shape_cast %swap3A_26 : vector<16xf32> to vector<16xf32>
    %swap3A_28 = vector.shape_cast %broadcast_in_dim3A_2 : vector<16xf32> to vector<16xf32>
    tpu.vector_store %arg15[%swap3A], %swap3A_28 {strides = array<i32>} : memref<80xf32, #tpu.memory_space<vmem>>, vector<16xf32>,
    %swap3A_29 = arith.constant 16 : index
    %swap3A_30 = tpu.vector_load %arg15[%swap3A_29] {strides = array<i32>} : memref<80xf32, #tpu.memory_space<vmem>>, vector<16xf32>,
    %swap3A_31 = vector.shape_cast %swap3A_30 : vector<16xf32> to vector<16xf32>
    %swap3A_32 = vector.shape_cast %broadcast_in_dim3A_2 : vector<16xf32> to vector<16xf32>
    tpu.vector_store %arg15[%swap3A_29], %swap3A_32 {strides = array<i32>} : memref<80xf32, #tpu.memory_space<vmem>>, vector<16xf32>,
    %swap3A_33 = arith.constant 32 : index
    %swap3A_34 = tpu.vector_load %arg15[%swap3A_33] {strides = array<i32>} : memref<80xf32, #tpu.memory_space<vmem>>, vector<16xf32>,
    %swap3A_35 = vector.shape_cast %swap3A_34 : vector<16xf32> to vector<16xf32>
    %swap3A_36 = vector.shape_cast %broadcast_in_dim3A_2 : vector<16xf32> to vector<16xf32>
    tpu.vector_store %arg15[%swap3A_33], %swap3A_36 {strides = array<i32>} : memref<80xf32, #tpu.memory_space<vmem>>, vector<16xf32>,
    %swap3A_37 = arith.constant 48 : index
    %swap3A_38 = tpu.vector_load %arg15[%swap3A_37] {strides = array<i32>} : memref<80xf32, #tpu.memory_space<vmem>>, vector<16xf32>,
    %swap3A_39 = vector.shape_cast %swap3A_38 : vector<16xf32> to vector<16xf32>
    %swap3A_40 = vector.shape_cast %broadcast_in_dim3A_2 : vector<16xf32> to vector<16xf32>
    tpu.vector_store %arg15[%swap3A_37], %swap3A_40 {strides = array<i32>} : memref<80xf32, #tpu.memory_space<vmem>>, vector<16xf32>,
    %swap3A_41 = arith.constant 64 : index
    %swap3A_42 = tpu.vector_load %arg15[%swap3A_41] {strides = array<i32>} : memref<80xf32, #tpu.memory_space<vmem>>, vector<16xf32>,
    %swap3A_43 = vector.shape_cast %swap3A_42 : vector<16xf32> to vector<16xf32>
    %swap3A_44 = vector.shape_cast %broadcast_in_dim3A_2 : vector<16xf32> to vector<16xf32>
    tpu.vector_store %arg15[%swap3A_41], %swap3A_44 {strides = array<i32>} : memref<80xf32, #tpu.memory_space<vmem>>, vector<16xf32>,
    %eq3A_45 = arith.constant 0 : i32
    %eq3A_46 = arith.cmpi eq, %arg1, %eq3A_45 : i32
    %convert_element_type3A_47 = arith.extui %eq3A_46 : i1 to i32
    %cond3A_48 = arith.constant 0 : i32
    %cond3A_49 = arith.cmpi ne, %convert_element_type3A_47, %cond3A_48 : i32
    scf.if %cond3A_49 {
      "tpu.region"() ({
        %run_scoped3A = tpu.sem_alloc : memref<!tpu.dma_semaphore, #tpu.memory_space<semaphore_mem>>
        %dma_start3A_254 = arith.constant 0 : i32
        %dma_start3A_255 = tpu.memref_slice %arg16[%dma_start3A_254] : memref<10008xf32, #tpu.memory_space<vmem_shared>> -> memref<10000xf32, #tpu.memory_space<vmem_shared>>
        %dma_start3A_256 = arith.constant 0 : i32
        %dma_start3A_257 = tpu.memref_slice %arg16[%dma_start3A_256] : memref<10008xf32, #tpu.memory_space<vmem_shared>> -> memref<10000xf32, #tpu.memory_space<vmem_shared>>
        tpu.enqueue_dma source(%arg14 : memref<10000xf32, #tpu.memory_space<vmem>>) target(%dma_start3A_257 : memref<10000xf32, #tpu.memory_space<vmem_shared>>) target_semaphore(%run_scoped3A : memref<!tpu.dma_semaphore, #tpu.memory_space<semaphore_mem>>)
        %dma_wait3A_258 = arith.constant 0 : i32
        %dma_wait3A_259 = tpu.memref_slice %arg16[%dma_wait3A_258] : memref<10008xf32, #tpu.memory_space<vmem_shared>> -> memref<10000xf32, #tpu.memory_space<vmem_shared>>
        %dma_wait3A_260 = arith.constant 0 : i32
        %dma_wait3A_261 = tpu.memref_slice %arg16[%dma_wait3A_260] : memref<10008xf32, #tpu.memory_space<vmem_shared>> -> memref<10000xf32, #tpu.memory_space<vmem_shared>>
        tpu.wait_dma2 semaphore(%run_scoped3A : memref<!tpu.dma_semaphore, #tpu.memory_space<semaphore_mem>>) src(%arg14 : memref<10000xf32, #tpu.memory_space<vmem>>) dst(%dma_wait3A_261 : memref<10000xf32, #tpu.memory_space<vmem_shared>>)
        tpu.yield
      }) : () -> ()
    } else {
    }
    %barrier3A = arith.constant 0 : index
    tpu.barrier barrier_id(%barrier3A)
    "tpu.region"() ({
      %run_scoped3A = tpu.sem_alloc : memref<!tpu.dma_semaphore, #tpu.memory_space<semaphore_mem>>
      %dma_start3A_254 = arith.constant 0 : i32
      %dma_start3A_255 = arith.constant 0 : i32
      %dma_start3A_256 = tpu.memref_slice %arg3[%arg1, %dma_start3A_254, %dma_start3A_255] : memref<16x252x80xi32, #tpu.memory_space<hbm>> -> memref<1x252x80xi32, #tpu.memory_space<hbm>>
      %dma_start3A_257 = tpu.memref_squeeze %dma_start3A_256 : memref<1x252x80xi32, #tpu.memory_space<hbm>> -> memref<252x80xi32, #tpu.memory_space<hbm>>
      %dma_start3A_258 = arith.constant 0 : i32
      %dma_start3A_259 = arith.constant 0 : i32
      %dma_start3A_260 = tpu.memref_slice %arg3[%arg1, %dma_start3A_258, %dma_start3A_259] : memref<16x252x80xi32, #tpu.memory_space<hbm>> -> memref<1x252x80xi32, #tpu.memory_space<hbm>>
      %dma_start3A_261 = tpu.memref_squeeze %dma_start3A_260 : memref<1x252x80xi32, #tpu.memory_space<hbm>> -> memref<252x80xi32, #tpu.memory_space<hbm>>
      tpu.enqueue_dma source(%dma_start3A_261 : memref<252x80xi32, #tpu.memory_space<hbm>>) target(%arg7 : memref<252x80xi32, #tpu.memory_space<vmem>>) target_semaphore(%run_scoped3A : memref<!tpu.dma_semaphore, #tpu.memory_space<semaphore_mem>>)
      %dma_wait3A_262 = arith.constant 0 : i32
      %dma_wait3A_263 = arith.constant 0 : i32
      %dma_wait3A_264 = tpu.memref_slice %arg3[%arg1, %dma_wait3A_262, %dma_wait3A_263] : memref<16x252x80xi32, #tpu.memory_space<hbm>> -> memref<1x252x80xi32, #tpu.memory_space<hbm>>
      %dma_wait3A_265 = tpu.memref_squeeze %dma_wait3A_264 : memref<1x252x80xi32, #tpu.memory_space<hbm>> -> memref<252x80xi32, #tpu.memory_space<hbm>>
      %dma_wait3A_266 = arith.constant 0 : i32
      %dma_wait3A_267 = arith.constant 0 : i32
      %dma_wait3A_268 = tpu.memref_slice %arg3[%arg1, %dma_wait3A_266, %dma_wait3A_267] : memref<16x252x80xi32, #tpu.memory_space<hbm>> -> memref<1x252x80xi32, #tpu.memory_space<hbm>>
      %dma_wait3A_269 = tpu.memref_squeeze %dma_wait3A_268 : memref<1x252x80xi32, #tpu.memory_space<hbm>> -> memref<252x80xi32, #tpu.memory_space<hbm>>
      tpu.wait_dma2 semaphore(%run_scoped3A : memref<!tpu.dma_semaphore, #tpu.memory_space<semaphore_mem>>) src(%dma_wait3A_269 : memref<252x80xi32, #tpu.memory_space<hbm>>) dst(%arg7 : memref<252x80xi32, #tpu.memory_space<vmem>>)
      tpu.yield
    }) : () -> ()
    "tpu.region"() ({
      %run_scoped3A = tpu.sem_alloc : memref<!tpu.dma_semaphore, #tpu.memory_space<semaphore_mem>>
      %dma_start3A_254 = arith.constant 0 : i32
      %dma_start3A_255 = arith.constant 0 : i32
      %dma_start3A_256 = tpu.memref_slice %arg4[%arg1, %dma_start3A_254, %dma_start3A_255] : memref<16x252x80xi32, #tpu.memory_space<hbm>> -> memref<1x252x80xi32, #tpu.memory_space<hbm>>
      %dma_start3A_257 = tpu.memref_squeeze %dma_start3A_256 : memref<1x252x80xi32, #tpu.memory_space<hbm>> -> memref<252x80xi32, #tpu.memory_space<hbm>>
      %dma_start3A_258 = arith.constant 0 : i32
      %dma_start3A_259 = arith.constant 0 : i32
      %dma_start3A_260 = tpu.memref_slice %arg4[%arg1, %dma_start3A_258, %dma_start3A_259] : memref<16x252x80xi32, #tpu.memory_space<hbm>> -> memref<1x252x80xi32, #tpu.memory_space<hbm>>
      %dma_start3A_261 = tpu.memref_squeeze %dma_start3A_260 : memref<1x252x80xi32, #tpu.memory_space<hbm>> -> memref<252x80xi32, #tpu.memory_space<hbm>>
      tpu.enqueue_dma source(%dma_start3A_261 : memref<252x80xi32, #tpu.memory_space<hbm>>) target(%arg8 : memref<252x80xi32, #tpu.memory_space<vmem>>) target_semaphore(%run_scoped3A : memref<!tpu.dma_semaphore, #tpu.memory_space<semaphore_mem>>)
      %dma_wait3A_262 = arith.constant 0 : i32
      %dma_wait3A_263 = arith.constant 0 : i32
      %dma_wait3A_264 = tpu.memref_slice %arg4[%arg1, %dma_wait3A_262, %dma_wait3A_263] : memref<16x252x80xi32, #tpu.memory_space<hbm>> -> memref<1x252x80xi32, #tpu.memory_space<hbm>>
      %dma_wait3A_265 = tpu.memref_squeeze %dma_wait3A_264 : memref<1x252x80xi32, #tpu.memory_space<hbm>> -> memref<252x80xi32, #tpu.memory_space<hbm>>
      %dma_wait3A_266 = arith.constant 0 : i32
      %dma_wait3A_267 = arith.constant 0 : i32
      %dma_wait3A_268 = tpu.memref_slice %arg4[%arg1, %dma_wait3A_266, %dma_wait3A_267] : memref<16x252x80xi32, #tpu.memory_space<hbm>> -> memref<1x252x80xi32, #tpu.memory_space<hbm>>
      %dma_wait3A_269 = tpu.memref_squeeze %dma_wait3A_268 : memref<1x252x80xi32, #tpu.memory_space<hbm>> -> memref<252x80xi32, #tpu.memory_space<hbm>>
      tpu.wait_dma2 semaphore(%run_scoped3A : memref<!tpu.dma_semaphore, #tpu.memory_space<semaphore_mem>>) src(%dma_wait3A_269 : memref<252x80xi32, #tpu.memory_space<hbm>>) dst(%arg8 : memref<252x80xi32, #tpu.memory_space<vmem>>)
      tpu.yield
    }) : () -> ()
    %dma_start3A = arith.constant 0 : i32
    %dma_start3A_50 = arith.constant 0 : i32
    %dma_start3A_51 = tpu.memref_slice %arg7[%dma_start3A, %dma_start3A_50] : memref<252x80xi32, #tpu.memory_space<vmem>> -> memref<1x80xi32, #tpu.memory_space<vmem>>
    %dma_start3A_52 = tpu.memref_squeeze %dma_start3A_51 : memref<1x80xi32, #tpu.memory_space<vmem>> -> memref<80xi32, #tpu.memory_space<vmem>>
    %dma_start3A_53 = arith.constant 0 : i32
    %dma_start3A_54 = arith.constant 0 : i32
    %dma_start3A_55 = tpu.memref_slice %arg2[%arg0, %dma_start3A_53, %dma_start3A_54] : memref<2x10008x64xf32, #tpu.memory_space<hbm>> -> memref<1x10008x64xf32, #tpu.memory_space<hbm>>
    %dma_start3A_56 = tpu.memref_squeeze %dma_start3A_55 : memref<1x10008x64xf32, #tpu.memory_space<hbm>> -> memref<10008x64xf32, #tpu.memory_space<hbm>>
    %dma_start3A_57 = arith.constant 0 : i32
    %dma_start3A_58 = arith.constant 0 : i32
    %dma_start3A_59 = tpu.memref_slice %dma_start3A_56[%dma_start3A_57, %dma_start3A_58] : memref<10008x64xf32, #tpu.memory_space<hbm>> -> memref<10008x64xf32, #tpu.memory_space<hbm>>
    tpu.enqueue_indirect_dma source(%dma_start3A_59 : memref<10008x64xf32, #tpu.memory_space<hbm>>) target(%arg9 : memref<80x64xf32, #tpu.memory_space<vmem>>) offsets(%dma_start3A_52 : memref<80xi32, #tpu.memory_space<vmem>>) semaphore(%arg18 : memref<!tpu.dma_semaphore, #tpu.memory_space<semaphore_mem>>)
    %dma_start3A_60 = arith.constant 1 : i32
    %dma_start3A_61 = arith.constant 0 : i32
    %dma_start3A_62 = tpu.memref_slice %arg7[%dma_start3A_60, %dma_start3A_61] : memref<252x80xi32, #tpu.memory_space<vmem>> -> memref<1x80xi32, #tpu.memory_space<vmem>>
    %dma_start3A_63 = tpu.memref_squeeze %dma_start3A_62 : memref<1x80xi32, #tpu.memory_space<vmem>> -> memref<80xi32, #tpu.memory_space<vmem>>
    %dma_start3A_64 = arith.constant 0 : i32
    %dma_start3A_65 = arith.constant 0 : i32
    %dma_start3A_66 = tpu.memref_slice %arg2[%arg0, %dma_start3A_64, %dma_start3A_65] : memref<2x10008x64xf32, #tpu.memory_space<hbm>> -> memref<1x10008x64xf32, #tpu.memory_space<hbm>>
    %dma_start3A_67 = tpu.memref_squeeze %dma_start3A_66 : memref<1x10008x64xf32, #tpu.memory_space<hbm>> -> memref<10008x64xf32, #tpu.memory_space<hbm>>
    %dma_start3A_68 = arith.constant 0 : i32
    %dma_start3A_69 = arith.constant 0 : i32
    %dma_start3A_70 = tpu.memref_slice %dma_start3A_67[%dma_start3A_68, %dma_start3A_69] : memref<10008x64xf32, #tpu.memory_space<hbm>> -> memref<10008x64xf32, #tpu.memory_space<hbm>>
    tpu.enqueue_indirect_dma source(%dma_start3A_70 : memref<10008x64xf32, #tpu.memory_space<hbm>>) target(%arg10 : memref<80x64xf32, #tpu.memory_space<vmem>>) offsets(%dma_start3A_63 : memref<80xi32, #tpu.memory_space<vmem>>) semaphore(%arg18 : memref<!tpu.dma_semaphore, #tpu.memory_space<semaphore_mem>>)
    %scan3A_71 = arith.constant 0 : i32
    %scan3A_72 = arith.constant 0 : i32
    %scan3A_73 = arith.constant 62 : i32
    %scan3A_74 = arith.addi %scan3A_72, %scan3A_73 : i32
    %scan3A_75 = arith.constant 1 : i32
    scf.for %scan3A_254 = %scan3A_72 to %scan3A_74 step %scan3A_75  : i32 {
      %mul3A_255 = arith.constant 2 : i32
      %mul3A_256 = arith.muli %scan3A_254, %mul3A_255 : i32
      %mul3A_257 = arith.constant 2 : i32
      %mul3A_258 = arith.muli %mul3A_257, %mul3A_256 : i32
      %add3A_259 = arith.constant 0 : i32
      %add3A_260 = arith.addi %mul3A_258, %add3A_259 : i32
      %dma_wait3A_261 = arith.constant 0 : i32
      %dma_wait3A_262 = tpu.memref_slice %arg7[%add3A_260, %dma_wait3A_261] : memref<252x80xi32, #tpu.memory_space<vmem>> -> memref<1x80xi32, #tpu.memory_space<vmem>>
      %dma_wait3A_263 = tpu.memref_squeeze %dma_wait3A_262 : memref<1x80xi32, #tpu.memory_space<vmem>> -> memref<80xi32, #tpu.memory_space<vmem>>
      %dma_wait3A_264 = arith.constant 0 : i32
      %dma_wait3A_265 = arith.constant 0 : i32
      %dma_wait3A_266 = tpu.memref_slice %arg2[%arg0, %dma_wait3A_264, %dma_wait3A_265] : memref<2x10008x64xf32, #tpu.memory_space<hbm>> -> memref<1x10008x64xf32, #tpu.memory_space<hbm>>
      %dma_wait3A_267 = tpu.memref_squeeze %dma_wait3A_266 : memref<1x10008x64xf32, #tpu.memory_space<hbm>> -> memref<10008x64xf32, #tpu.memory_space<hbm>>
      %dma_wait3A_268 = arith.constant 0 : i32
      %dma_wait3A_269 = arith.constant 0 : i32
      %dma_wait3A_270 = tpu.memref_slice %dma_wait3A_267[%dma_wait3A_268, %dma_wait3A_269] : memref<10008x64xf32, #tpu.memory_space<hbm>> -> memref<10008x64xf32, #tpu.memory_space<hbm>>
      tpu.wait_indirect_dma semaphore(%arg18 : memref<!tpu.dma_semaphore, #tpu.memory_space<semaphore_mem>>) src(%dma_wait3A_270 : memref<10008x64xf32, #tpu.memory_space<hbm>>) dst(%arg9 : memref<80x64xf32, #tpu.memory_space<vmem>>)
      %add3A_271 = arith.constant 1 : i32
      %add3A_272 = arith.addi %mul3A_258, %add3A_271 : i32
      %dma_wait3A_273 = arith.constant 0 : i32
      %dma_wait3A_274 = tpu.memref_slice %arg7[%add3A_272, %dma_wait3A_273] : memref<252x80xi32, #tpu.memory_space<vmem>> -> memref<1x80xi32, #tpu.memory_space<vmem>>
      %dma_wait3A_275 = tpu.memref_squeeze %dma_wait3A_274 : memref<1x80xi32, #tpu.memory_space<vmem>> -> memref<80xi32, #tpu.memory_space<vmem>>
      %dma_wait3A_276 = arith.constant 0 : i32
      %dma_wait3A_277 = arith.constant 0 : i32
      %dma_wait3A_278 = tpu.memref_slice %arg2[%arg0, %dma_wait3A_276, %dma_wait3A_277] : memref<2x10008x64xf32, #tpu.memory_space<hbm>> -> memref<1x10008x64xf32, #tpu.memory_space<hbm>>
      %dma_wait3A_279 = tpu.memref_squeeze %dma_wait3A_278 : memref<1x10008x64xf32, #tpu.memory_space<hbm>> -> memref<10008x64xf32, #tpu.memory_space<hbm>>
      %dma_wait3A_280 = arith.constant 0 : i32
      %dma_wait3A_281 = arith.constant 0 : i32
      %dma_wait3A_282 = tpu.memref_slice %dma_wait3A_279[%dma_wait3A_280, %dma_wait3A_281] : memref<10008x64xf32, #tpu.memory_space<hbm>> -> memref<10008x64xf32, #tpu.memory_space<hbm>>
      tpu.wait_indirect_dma semaphore(%arg18 : memref<!tpu.dma_semaphore, #tpu.memory_space<semaphore_mem>>) src(%dma_wait3A_282 : memref<10008x64xf32, #tpu.memory_space<hbm>>) dst(%arg10 : memref<80x64xf32, #tpu.memory_space<vmem>>)
      %gt3A = arith.constant 0 : i32
      %gt3A_283 = arith.cmpi sgt, %mul3A_256, %gt3A : i32
      %convert_element_type3A_284 = arith.extui %gt3A_283 : i1 to i32
      %cond3A_285 = arith.constant 0 : i32
      %cond3A_286 = arith.cmpi ne, %convert_element_type3A_284, %cond3A_285 : i32
      scf.if %cond3A_286 {
        %dma_wait3A_448 = arith.constant 0 : i32
        %dma_wait3A_449 = tpu.memref_slice %arg8[%mul3A_258, %dma_wait3A_448] : memref<252x80xi32, #tpu.memory_space<vmem>> -> memref<1x80xi32, #tpu.memory_space<vmem>>
        %dma_wait3A_450 = tpu.memref_squeeze %dma_wait3A_449 : memref<1x80xi32, #tpu.memory_space<vmem>> -> memref<80xi32, #tpu.memory_space<vmem>>
        %dma_wait3A_451 = arith.constant 0 : i32
        %dma_wait3A_452 = arith.constant 0 : i32
        %dma_wait3A_453 = tpu.memref_slice %arg17[%dma_wait3A_451, %dma_wait3A_452] : memref<10008x64xf32, #tpu.memory_space<vmem_shared>> -> memref<10008x64xf32, #tpu.memory_space<vmem_shared>>
        tpu.wait_indirect_dma semaphore(%arg19 : memref<!tpu.dma_semaphore, #tpu.memory_space<semaphore_mem>>) src(%arg11 : memref<80x64xf32, #tpu.memory_space<vmem>>) dst(%dma_wait3A_453 : memref<10008x64xf32, #tpu.memory_space<vmem_shared>>)
        %dma_wait3A_454 = arith.constant 0 : i32
        %dma_wait3A_455 = tpu.memref_slice %arg8[%mul3A_258, %dma_wait3A_454] : memref<252x80xi32, #tpu.memory_space<vmem>> -> memref<1x80xi32, #tpu.memory_space<vmem>>
        %dma_wait3A_456 = tpu.memref_squeeze %dma_wait3A_455 : memref<1x80xi32, #tpu.memory_space<vmem>> -> memref<80xi32, #tpu.memory_space<vmem>>
        %dma_wait3A_457 = arith.constant 0 : i32
        %dma_wait3A_458 = arith.constant 0 : i32
        %dma_wait3A_459 = tpu.memref_slice %arg17[%dma_wait3A_457, %dma_wait3A_458] : memref<10008x64xf32, #tpu.memory_space<vmem_shared>> -> memref<10008x64xf32, #tpu.memory_space<vmem_shared>>
        tpu.wait_indirect_dma semaphore(%arg19 : memref<!tpu.dma_semaphore, #tpu.memory_space<semaphore_mem>>) src(%arg12 : memref<80x64xf32, #tpu.memory_space<vmem>>) dst(%dma_wait3A_459 : memref<10008x64xf32, #tpu.memory_space<vmem_shared>>)
      } else {
      }
      %add3A_287 = arith.constant 2 : i32
      %add3A_288 = arith.addi %mul3A_258, %add3A_287 : i32
      %add3A_289 = arith.constant 0 : i32
      %add3A_290 = arith.addi %add3A_288, %add3A_289 : i32
      %dma_start3A_291 = arith.constant 0 : i32
      %dma_start3A_292 = tpu.memref_slice %arg7[%add3A_290, %dma_start3A_291] : memref<252x80xi32, #tpu.memory_space<vmem>> -> memref<1x80xi32, #tpu.memory_space<vmem>>
      %dma_start3A_293 = tpu.memref_squeeze %dma_start3A_292 : memref<1x80xi32, #tpu.memory_space<vmem>> -> memref<80xi32, #tpu.memory_space<vmem>>
      %dma_start3A_294 = arith.constant 0 : i32
      %dma_start3A_295 = arith.constant 0 : i32
      %dma_start3A_296 = tpu.memref_slice %arg2[%arg0, %dma_start3A_294, %dma_start3A_295] : memref<2x10008x64xf32, #tpu.memory_space<hbm>> -> memref<1x10008x64xf32, #tpu.memory_space<hbm>>
      %dma_start3A_297 = tpu.memref_squeeze %dma_start3A_296 : memref<1x10008x64xf32, #tpu.memory_space<hbm>> -> memref<10008x64xf32, #tpu.memory_space<hbm>>
      %dma_start3A_298 = arith.constant 0 : i32
      %dma_start3A_299 = arith.constant 0 : i32
      %dma_start3A_300 = tpu.memref_slice %dma_start3A_297[%dma_start3A_298, %dma_start3A_299] : memref<10008x64xf32, #tpu.memory_space<hbm>> -> memref<10008x64xf32, #tpu.memory_space<hbm>>
      tpu.enqueue_indirect_dma source(%dma_start3A_300 : memref<10008x64xf32, #tpu.memory_space<hbm>>) target(%arg11 : memref<80x64xf32, #tpu.memory_space<vmem>>) offsets(%dma_start3A_293 : memref<80xi32, #tpu.memory_space<vmem>>) semaphore(%arg18 : memref<!tpu.dma_semaphore, #tpu.memory_space<semaphore_mem>>)
      %add3A_301 = arith.constant 2 : i32
      %add3A_302 = arith.addi %mul3A_258, %add3A_301 : i32
      %add3A_303 = arith.constant 1 : i32
      %add3A_304 = arith.addi %add3A_302, %add3A_303 : i32
      %dma_start3A_305 = arith.constant 0 : i32
      %dma_start3A_306 = tpu.memref_slice %arg7[%add3A_304, %dma_start3A_305] : memref<252x80xi32, #tpu.memory_space<vmem>> -> memref<1x80xi32, #tpu.memory_space<vmem>>
      %dma_start3A_307 = tpu.memref_squeeze %dma_start3A_306 : memref<1x80xi32, #tpu.memory_space<vmem>> -> memref<80xi32, #tpu.memory_space<vmem>>
      %dma_start3A_308 = arith.constant 0 : i32
      %dma_start3A_309 = arith.constant 0 : i32
      %dma_start3A_310 = tpu.memref_slice %arg2[%arg0, %dma_start3A_308, %dma_start3A_309] : memref<2x10008x64xf32, #tpu.memory_space<hbm>> -> memref<1x10008x64xf32, #tpu.memory_space<hbm>>
      %dma_start3A_311 = tpu.memref_squeeze %dma_start3A_310 : memref<1x10008x64xf32, #tpu.memory_space<hbm>> -> memref<10008x64xf32, #tpu.memory_space<hbm>>
      %dma_start3A_312 = arith.constant 0 : i32
      %dma_start3A_313 = arith.constant 0 : i32
      %dma_start3A_314 = tpu.memref_slice %dma_start3A_311[%dma_start3A_312, %dma_start3A_313] : memref<10008x64xf32, #tpu.memory_space<hbm>> -> memref<10008x64xf32, #tpu.memory_space<hbm>>
      tpu.enqueue_indirect_dma source(%dma_start3A_314 : memref<10008x64xf32, #tpu.memory_space<hbm>>) target(%arg12 : memref<80x64xf32, #tpu.memory_space<vmem>>) offsets(%dma_start3A_307 : memref<80xi32, #tpu.memory_space<vmem>>) semaphore(%arg18 : memref<!tpu.dma_semaphore, #tpu.memory_space<semaphore_mem>>)
      %add3A_315 = arith.constant 0 : i32
      %add3A_316 = arith.addi %mul3A_258, %add3A_315 : i32
      %dma_start3A_317 = arith.constant 0 : i32
      %dma_start3A_318 = tpu.memref_slice %arg8[%add3A_316, %dma_start3A_317] : memref<252x80xi32, #tpu.memory_space<vmem>> -> memref<1x80xi32, #tpu.memory_space<vmem>>
      %dma_start3A_319 = tpu.memref_squeeze %dma_start3A_318 : memref<1x80xi32, #tpu.memory_space<vmem>> -> memref<80xi32, #tpu.memory_space<vmem>>
      %dma_start3A_320 = arith.constant 0 : i32
      %dma_start3A_321 = arith.constant 0 : i32
      %dma_start3A_322 = tpu.memref_slice %arg17[%dma_start3A_320, %dma_start3A_321] : memref<10008x64xf32, #tpu.memory_space<vmem_shared>> -> memref<10008x64xf32, #tpu.memory_space<vmem_shared>>
      tpu.enqueue_indirect_dma source(%arg9 : memref<80x64xf32, #tpu.memory_space<vmem>>) target(%dma_start3A_322 : memref<10008x64xf32, #tpu.memory_space<vmem_shared>>) offsets(%dma_start3A_319 : memref<80xi32, #tpu.memory_space<vmem>>) semaphore(%arg19 : memref<!tpu.dma_semaphore, #tpu.memory_space<semaphore_mem>>) {add = true}
      %add3A_323 = arith.constant 1 : i32
      %add3A_324 = arith.addi %mul3A_258, %add3A_323 : i32
      %dma_start3A_325 = arith.constant 0 : i32
      %dma_start3A_326 = tpu.memref_slice %arg8[%add3A_324, %dma_start3A_325] : memref<252x80xi32, #tpu.memory_space<vmem>> -> memref<1x80xi32, #tpu.memory_space<vmem>>
      %dma_start3A_327 = tpu.memref_squeeze %dma_start3A_326 : memref<1x80xi32, #tpu.memory_space<vmem>> -> memref<80xi32, #tpu.memory_space<vmem>>
      %dma_start3A_328 = arith.constant 0 : i32
      %dma_start3A_329 = arith.constant 0 : i32
      %dma_start3A_330 = tpu.memref_slice %arg17[%dma_start3A_328, %dma_start3A_329] : memref<10008x64xf32, #tpu.memory_space<vmem_shared>> -> memref<10008x64xf32, #tpu.memory_space<vmem_shared>>
      tpu.enqueue_indirect_dma source(%arg10 : memref<80x64xf32, #tpu.memory_space<vmem>>) target(%dma_start3A_330 : memref<10008x64xf32, #tpu.memory_space<vmem_shared>>) offsets(%dma_start3A_327 : memref<80xi32, #tpu.memory_space<vmem>>) semaphore(%arg19 : memref<!tpu.dma_semaphore, #tpu.memory_space<semaphore_mem>>) {add = true}
      %add3A_331 = arith.constant 0 : i32
      %add3A_332 = arith.addi %mul3A_258, %add3A_331 : i32
      %rem3A_333 = arith.constant 2 : i32
      %rem3A_334 = arith.remsi %add3A_332, %rem3A_333 : i32
      %eq3A_335 = arith.cmpi eq, %rem3A_334, %arg0 : i32
      %add3A_336 = arith.constant 0 : i32
      %add3A_337 = arith.addi %mul3A_258, %add3A_336 : i32
      %convert_element_type3A_338 = arith.extui %eq3A_335 : i1 to i32
      %cond3A_339 = arith.constant 0 : i32
      %cond3A_340 = arith.cmpi ne, %convert_element_type3A_338, %cond3A_339 : i32
      scf.if %cond3A_340 {
        "tpu.region"() ({
          %run_scoped3A = tpu.sem_alloc : memref<!tpu.dma_semaphore, #tpu.memory_space<semaphore_mem>>
          %dma_start3A_448 = arith.constant 0 : i32
          %dma_start3A_449 = tpu.memref_slice %arg8[%add3A_337, %dma_start3A_448] : memref<252x80xi32, #tpu.memory_space<vmem>> -> memref<1x80xi32, #tpu.memory_space<vmem>>
          %dma_start3A_450 = tpu.memref_squeeze %dma_start3A_449 : memref<1x80xi32, #tpu.memory_space<vmem>> -> memref<80xi32, #tpu.memory_space<vmem>>
          %dma_start3A_451 = arith.constant 0 : i32
          %dma_start3A_452 = tpu.memref_slice %arg16[%dma_start3A_451] : memref<10008xf32, #tpu.memory_space<vmem_shared>> -> memref<10008xf32, #tpu.memory_space<vmem_shared>>
          tpu.enqueue_indirect_dma source(%arg15 : memref<80xf32, #tpu.memory_space<vmem>>) target(%dma_start3A_452 : memref<10008xf32, #tpu.memory_space<vmem_shared>>) offsets(%dma_start3A_450 : memref<80xi32, #tpu.memory_space<vmem>>) semaphore(%run_scoped3A : memref<!tpu.dma_semaphore, #tpu.memory_space<semaphore_mem>>) {add = true}
          %dma_wait3A_453 = arith.constant 0 : i32
          %dma_wait3A_454 = tpu.memref_slice %arg8[%add3A_337, %dma_wait3A_453] : memref<252x80xi32, #tpu.memory_space<vmem>> -> memref<1x80xi32, #tpu.memory_space<vmem>>
          %dma_wait3A_455 = tpu.memref_squeeze %dma_wait3A_454 : memref<1x80xi32, #tpu.memory_space<vmem>> -> memref<80xi32, #tpu.memory_space<vmem>>
          %dma_wait3A_456 = arith.constant 0 : i32
          %dma_wait3A_457 = tpu.memref_slice %arg16[%dma_wait3A_456] : memref<10008xf32, #tpu.memory_space<vmem_shared>> -> memref<10008xf32, #tpu.memory_space<vmem_shared>>
          tpu.wait_indirect_dma semaphore(%run_scoped3A : memref<!tpu.dma_semaphore, #tpu.memory_space<semaphore_mem>>) src(%arg15 : memref<80xf32, #tpu.memory_space<vmem>>) dst(%dma_wait3A_457 : memref<10008xf32, #tpu.memory_space<vmem_shared>>)
          tpu.yield
        }) : () -> ()
      } else {
      }
      %add3A_341 = arith.constant 1 : i32
      %add3A_342 = arith.addi %mul3A_258, %add3A_341 : i32
      %rem3A_343 = arith.constant 2 : i32
      %rem3A_344 = arith.remsi %add3A_342, %rem3A_343 : i32
      %eq3A_345 = arith.cmpi eq, %rem3A_344, %arg0 : i32
      %add3A_346 = arith.constant 1 : i32
      %add3A_347 = arith.addi %mul3A_258, %add3A_346 : i32
      %convert_element_type3A_348 = arith.extui %eq3A_345 : i1 to i32
      %cond3A_349 = arith.constant 0 : i32
      %cond3A_350 = arith.cmpi ne, %convert_element_type3A_348, %cond3A_349 : i32
      scf.if %cond3A_350 {
        "tpu.region"() ({
          %run_scoped3A = tpu.sem_alloc : memref<!tpu.dma_semaphore, #tpu.memory_space<semaphore_mem>>
          %dma_start3A_448 = arith.constant 0 : i32
          %dma_start3A_449 = tpu.memref_slice %arg8[%add3A_347, %dma_start3A_448] : memref<252x80xi32, #tpu.memory_space<vmem>> -> memref<1x80xi32, #tpu.memory_space<vmem>>
          %dma_start3A_450 = tpu.memref_squeeze %dma_start3A_449 : memref<1x80xi32, #tpu.memory_space<vmem>> -> memref<80xi32, #tpu.memory_space<vmem>>
          %dma_start3A_451 = arith.constant 0 : i32
          %dma_start3A_452 = tpu.memref_slice %arg16[%dma_start3A_451] : memref<10008xf32, #tpu.memory_space<vmem_shared>> -> memref<10008xf32, #tpu.memory_space<vmem_shared>>
          tpu.enqueue_indirect_dma source(%arg15 : memref<80xf32, #tpu.memory_space<vmem>>) target(%dma_start3A_452 : memref<10008xf32, #tpu.memory_space<vmem_shared>>) offsets(%dma_start3A_450 : memref<80xi32, #tpu.memory_space<vmem>>) semaphore(%run_scoped3A : memref<!tpu.dma_semaphore, #tpu.memory_space<semaphore_mem>>) {add = true}
          %dma_wait3A_453 = arith.constant 0 : i32
          %dma_wait3A_454 = tpu.memref_slice %arg8[%add3A_347, %dma_wait3A_453] : memref<252x80xi32, #tpu.memory_space<vmem>> -> memref<1x80xi32, #tpu.memory_space<vmem>>
          %dma_wait3A_455 = tpu.memref_squeeze %dma_wait3A_454 : memref<1x80xi32, #tpu.memory_space<vmem>> -> memref<80xi32, #tpu.memory_space<vmem>>
          %dma_wait3A_456 = arith.constant 0 : i32
          %dma_wait3A_457 = tpu.memref_slice %arg16[%dma_wait3A_456] : memref<10008xf32, #tpu.memory_space<vmem_shared>> -> memref<10008xf32, #tpu.memory_space<vmem_shared>>
          tpu.wait_indirect_dma semaphore(%run_scoped3A : memref<!tpu.dma_semaphore, #tpu.memory_space<semaphore_mem>>) src(%arg15 : memref<80xf32, #tpu.memory_space<vmem>>) dst(%dma_wait3A_457 : memref<10008xf32, #tpu.memory_space<vmem_shared>>)
          tpu.yield
        }) : () -> ()
      } else {
      }
      %add3A_351 = arith.constant 1 : i32
      %add3A_352 = arith.addi %mul3A_256, %add3A_351 : i32
      %mul3A_353 = arith.constant 2 : i32
      %mul3A_354 = arith.muli %mul3A_353, %add3A_352 : i32
      %add3A_355 = arith.constant 0 : i32
      %add3A_356 = arith.addi %mul3A_354, %add3A_355 : i32
      %dma_wait3A_357 = arith.constant 0 : i32
      %dma_wait3A_358 = tpu.memref_slice %arg7[%add3A_356, %dma_wait3A_357] : memref<252x80xi32, #tpu.memory_space<vmem>> -> memref<1x80xi32, #tpu.memory_space<vmem>>
      %dma_wait3A_359 = tpu.memref_squeeze %dma_wait3A_358 : memref<1x80xi32, #tpu.memory_space<vmem>> -> memref<80xi32, #tpu.memory_space<vmem>>
      %dma_wait3A_360 = arith.constant 0 : i32
      %dma_wait3A_361 = arith.constant 0 : i32
      %dma_wait3A_362 = tpu.memref_slice %arg2[%arg0, %dma_wait3A_360, %dma_wait3A_361] : memref<2x10008x64xf32, #tpu.memory_space<hbm>> -> memref<1x10008x64xf32, #tpu.memory_space<hbm>>
      %dma_wait3A_363 = tpu.memref_squeeze %dma_wait3A_362 : memref<1x10008x64xf32, #tpu.memory_space<hbm>> -> memref<10008x64xf32, #tpu.memory_space<hbm>>
      %dma_wait3A_364 = arith.constant 0 : i32
      %dma_wait3A_365 = arith.constant 0 : i32
      %dma_wait3A_366 = tpu.memref_slice %dma_wait3A_363[%dma_wait3A_364, %dma_wait3A_365] : memref<10008x64xf32, #tpu.memory_space<hbm>> -> memref<10008x64xf32, #tpu.memory_space<hbm>>
      tpu.wait_indirect_dma semaphore(%arg18 : memref<!tpu.dma_semaphore, #tpu.memory_space<semaphore_mem>>) src(%dma_wait3A_366 : memref<10008x64xf32, #tpu.memory_space<hbm>>) dst(%arg11 : memref<80x64xf32, #tpu.memory_space<vmem>>)
      %add3A_367 = arith.constant 1 : i32
      %add3A_368 = arith.addi %mul3A_354, %add3A_367 : i32
      %dma_wait3A_369 = arith.constant 0 : i32
      %dma_wait3A_370 = tpu.memref_slice %arg7[%add3A_368, %dma_wait3A_369] : memref<252x80xi32, #tpu.memory_space<vmem>> -> memref<1x80xi32, #tpu.memory_space<vmem>>
      %dma_wait3A_371 = tpu.memref_squeeze %dma_wait3A_370 : memref<1x80xi32, #tpu.memory_space<vmem>> -> memref<80xi32, #tpu.memory_space<vmem>>
      %dma_wait3A_372 = arith.constant 0 : i32
      %dma_wait3A_373 = arith.constant 0 : i32
      %dma_wait3A_374 = tpu.memref_slice %arg2[%arg0, %dma_wait3A_372, %dma_wait3A_373] : memref<2x10008x64xf32, #tpu.memory_space<hbm>> -> memref<1x10008x64xf32, #tpu.memory_space<hbm>>
      %dma_wait3A_375 = tpu.memref_squeeze %dma_wait3A_374 : memref<1x10008x64xf32, #tpu.memory_space<hbm>> -> memref<10008x64xf32, #tpu.memory_space<hbm>>
      %dma_wait3A_376 = arith.constant 0 : i32
      %dma_wait3A_377 = arith.constant 0 : i32
      %dma_wait3A_378 = tpu.memref_slice %dma_wait3A_375[%dma_wait3A_376, %dma_wait3A_377] : memref<10008x64xf32, #tpu.memory_space<hbm>> -> memref<10008x64xf32, #tpu.memory_space<hbm>>
      tpu.wait_indirect_dma semaphore(%arg18 : memref<!tpu.dma_semaphore, #tpu.memory_space<semaphore_mem>>) src(%dma_wait3A_378 : memref<10008x64xf32, #tpu.memory_space<hbm>>) dst(%arg12 : memref<80x64xf32, #tpu.memory_space<vmem>>)
      %gt3A_379 = arith.constant 0 : i32
      %gt3A_380 = arith.cmpi sgt, %add3A_352, %gt3A_379 : i32
      %convert_element_type3A_381 = arith.extui %gt3A_380 : i1 to i32
      %cond3A_382 = arith.constant 0 : i32
      %cond3A_383 = arith.cmpi ne, %convert_element_type3A_381, %cond3A_382 : i32
      scf.if %cond3A_383 {
        %dma_wait3A_448 = arith.constant 0 : i32
        %dma_wait3A_449 = tpu.memref_slice %arg8[%mul3A_354, %dma_wait3A_448] : memref<252x80xi32, #tpu.memory_space<vmem>> -> memref<1x80xi32, #tpu.memory_space<vmem>>
        %dma_wait3A_450 = tpu.memref_squeeze %dma_wait3A_449 : memref<1x80xi32, #tpu.memory_space<vmem>> -> memref<80xi32, #tpu.memory_space<vmem>>
        %dma_wait3A_451 = arith.constant 0 : i32
        %dma_wait3A_452 = arith.constant 0 : i32
        %dma_wait3A_453 = tpu.memref_slice %arg17[%dma_wait3A_451, %dma_wait3A_452] : memref<10008x64xf32, #tpu.memory_space<vmem_shared>> -> memref<10008x64xf32, #tpu.memory_space<vmem_shared>>
        tpu.wait_indirect_dma semaphore(%arg19 : memref<!tpu.dma_semaphore, #tpu.memory_space<semaphore_mem>>) src(%arg9 : memref<80x64xf32, #tpu.memory_space<vmem>>) dst(%dma_wait3A_453 : memref<10008x64xf32, #tpu.memory_space<vmem_shared>>)
        %dma_wait3A_454 = arith.constant 0 : i32
        %dma_wait3A_455 = tpu.memref_slice %arg8[%mul3A_354, %dma_wait3A_454] : memref<252x80xi32, #tpu.memory_space<vmem>> -> memref<1x80xi32, #tpu.memory_space<vmem>>
        %dma_wait3A_456 = tpu.memref_squeeze %dma_wait3A_455 : memref<1x80xi32, #tpu.memory_space<vmem>> -> memref<80xi32, #tpu.memory_space<vmem>>
        %dma_wait3A_457 = arith.constant 0 : i32
        %dma_wait3A_458 = arith.constant 0 : i32
        %dma_wait3A_459 = tpu.memref_slice %arg17[%dma_wait3A_457, %dma_wait3A_458] : memref<10008x64xf32, #tpu.memory_space<vmem_shared>> -> memref<10008x64xf32, #tpu.memory_space<vmem_shared>>
        tpu.wait_indirect_dma semaphore(%arg19 : memref<!tpu.dma_semaphore, #tpu.memory_space<semaphore_mem>>) src(%arg10 : memref<80x64xf32, #tpu.memory_space<vmem>>) dst(%dma_wait3A_459 : memref<10008x64xf32, #tpu.memory_space<vmem_shared>>)
      } else {
      }
      %add3A_384 = arith.constant 2 : i32
      %add3A_385 = arith.addi %mul3A_354, %add3A_384 : i32
      %add3A_386 = arith.constant 0 : i32
      %add3A_387 = arith.addi %add3A_385, %add3A_386 : i32
      %dma_start3A_388 = arith.constant 0 : i32
      %dma_start3A_389 = tpu.memref_slice %arg7[%add3A_387, %dma_start3A_388] : memref<252x80xi32, #tpu.memory_space<vmem>> -> memref<1x80xi32, #tpu.memory_space<vmem>>
      %dma_start3A_390 = tpu.memref_squeeze %dma_start3A_389 : memref<1x80xi32, #tpu.memory_space<vmem>> -> memref<80xi32, #tpu.memory_space<vmem>>
      %dma_start3A_391 = arith.constant 0 : i32
      %dma_start3A_392 = arith.constant 0 : i32
      %dma_start3A_393 = tpu.memref_slice %arg2[%arg0, %dma_start3A_391, %dma_start3A_392] : memref<2x10008x64xf32, #tpu.memory_space<hbm>> -> memref<1x10008x64xf32, #tpu.memory_space<hbm>>
      %dma_start3A_394 = tpu.memref_squeeze %dma_start3A_393 : memref<1x10008x64xf32, #tpu.memory_space<hbm>> -> memref<10008x64xf32, #tpu.memory_space<hbm>>
      %dma_start3A_395 = arith.constant 0 : i32
      %dma_start3A_396 = arith.constant 0 : i32
      %dma_start3A_397 = tpu.memref_slice %dma_start3A_394[%dma_start3A_395, %dma_start3A_396] : memref<10008x64xf32, #tpu.memory_space<hbm>> -> memref<10008x64xf32, #tpu.memory_space<hbm>>
      tpu.enqueue_indirect_dma source(%dma_start3A_397 : memref<10008x64xf32, #tpu.memory_space<hbm>>) target(%arg9 : memref<80x64xf32, #tpu.memory_space<vmem>>) offsets(%dma_start3A_390 : memref<80xi32, #tpu.memory_space<vmem>>) semaphore(%arg18 : memref<!tpu.dma_semaphore, #tpu.memory_space<semaphore_mem>>)
      %add3A_398 = arith.constant 2 : i32
      %add3A_399 = arith.addi %mul3A_354, %add3A_398 : i32
      %add3A_400 = arith.constant 1 : i32
      %add3A_401 = arith.addi %add3A_399, %add3A_400 : i32
      %dma_start3A_402 = arith.constant 0 : i32
      %dma_start3A_403 = tpu.memref_slice %arg7[%add3A_401, %dma_start3A_402] : memref<252x80xi32, #tpu.memory_space<vmem>> -> memref<1x80xi32, #tpu.memory_space<vmem>>
      %dma_start3A_404 = tpu.memref_squeeze %dma_start3A_403 : memref<1x80xi32, #tpu.memory_space<vmem>> -> memref<80xi32, #tpu.memory_space<vmem>>
      %dma_start3A_405 = arith.constant 0 : i32
      %dma_start3A_406 = arith.constant 0 : i32
      %dma_start3A_407 = tpu.memref_slice %arg2[%arg0, %dma_start3A_405, %dma_start3A_406] : memref<2x10008x64xf32, #tpu.memory_space<hbm>> -> memref<1x10008x64xf32, #tpu.memory_space<hbm>>
      %dma_start3A_408 = tpu.memref_squeeze %dma_start3A_407 : memref<1x10008x64xf32, #tpu.memory_space<hbm>> -> memref<10008x64xf32, #tpu.memory_space<hbm>>
      %dma_start3A_409 = arith.constant 0 : i32
      %dma_start3A_410 = arith.constant 0 : i32
      %dma_start3A_411 = tpu.memref_slice %dma_start3A_408[%dma_start3A_409, %dma_start3A_410] : memref<10008x64xf32, #tpu.memory_space<hbm>> -> memref<10008x64xf32, #tpu.memory_space<hbm>>
      tpu.enqueue_indirect_dma source(%dma_start3A_411 : memref<10008x64xf32, #tpu.memory_space<hbm>>) target(%arg10 : memref<80x64xf32, #tpu.memory_space<vmem>>) offsets(%dma_start3A_404 : memref<80xi32, #tpu.memory_space<vmem>>) semaphore(%arg18 : memref<!tpu.dma_semaphore, #tpu.memory_space<semaphore_mem>>)
      %add3A_412 = arith.constant 0 : i32
      %add3A_413 = arith.addi %mul3A_354, %add3A_412 : i32
      %dma_start3A_414 = arith.constant 0 : i32
      %dma_start3A_415 = tpu.memref_slice %arg8[%add3A_413, %dma_start3A_414] : memref<252x80xi32, #tpu.memory_space<vmem>> -> memref<1x80xi32, #tpu.memory_space<vmem>>
      %dma_start3A_416 = tpu.memref_squeeze %dma_start3A_415 : memref<1x80xi32, #tpu.memory_space<vmem>> -> memref<80xi32, #tpu.memory_space<vmem>>
      %dma_start3A_417 = arith.constant 0 : i32
      %dma_start3A_418 = arith.constant 0 : i32
      %dma_start3A_419 = tpu.memref_slice %arg17[%dma_start3A_417, %dma_start3A_418] : memref<10008x64xf32, #tpu.memory_space<vmem_shared>> -> memref<10008x64xf32, #tpu.memory_space<vmem_shared>>
      tpu.enqueue_indirect_dma source(%arg11 : memref<80x64xf32, #tpu.memory_space<vmem>>) target(%dma_start3A_419 : memref<10008x64xf32, #tpu.memory_space<vmem_shared>>) offsets(%dma_start3A_416 : memref<80xi32, #tpu.memory_space<vmem>>) semaphore(%arg19 : memref<!tpu.dma_semaphore, #tpu.memory_space<semaphore_mem>>) {add = true}
      %add3A_420 = arith.constant 1 : i32
      %add3A_421 = arith.addi %mul3A_354, %add3A_420 : i32
      %dma_start3A_422 = arith.constant 0 : i32
      %dma_start3A_423 = tpu.memref_slice %arg8[%add3A_421, %dma_start3A_422] : memref<252x80xi32, #tpu.memory_space<vmem>> -> memref<1x80xi32, #tpu.memory_space<vmem>>
      %dma_start3A_424 = tpu.memref_squeeze %dma_start3A_423 : memref<1x80xi32, #tpu.memory_space<vmem>> -> memref<80xi32, #tpu.memory_space<vmem>>
      %dma_start3A_425 = arith.constant 0 : i32
      %dma_start3A_426 = arith.constant 0 : i32
      %dma_start3A_427 = tpu.memref_slice %arg17[%dma_start3A_425, %dma_start3A_426] : memref<10008x64xf32, #tpu.memory_space<vmem_shared>> -> memref<10008x64xf32, #tpu.memory_space<vmem_shared>>
      tpu.enqueue_indirect_dma source(%arg12 : memref<80x64xf32, #tpu.memory_space<vmem>>) target(%dma_start3A_427 : memref<10008x64xf32, #tpu.memory_space<vmem_shared>>) offsets(%dma_start3A_424 : memref<80xi32, #tpu.memory_space<vmem>>) semaphore(%arg19 : memref<!tpu.dma_semaphore, #tpu.memory_space<semaphore_mem>>) {add = true}
      %add3A_428 = arith.constant 0 : i32
      %add3A_429 = arith.addi %mul3A_354, %add3A_428 : i32
      %rem3A_430 = arith.constant 2 : i32
      %rem3A_431 = arith.remsi %add3A_429, %rem3A_430 : i32
      %eq3A_432 = arith.cmpi eq, %rem3A_431, %arg0 : i32
      %add3A_433 = arith.constant 0 : i32
      %add3A_434 = arith.addi %mul3A_354, %add3A_433 : i32
      %convert_element_type3A_435 = arith.extui %eq3A_432 : i1 to i32
      %cond3A_436 = arith.constant 0 : i32
      %cond3A_437 = arith.cmpi ne, %convert_element_type3A_435, %cond3A_436 : i32
      scf.if %cond3A_437 {
        "tpu.region"() ({
          %run_scoped3A = tpu.sem_alloc : memref<!tpu.dma_semaphore, #tpu.memory_space<semaphore_mem>>
          %dma_start3A_448 = arith.constant 0 : i32
          %dma_start3A_449 = tpu.memref_slice %arg8[%add3A_434, %dma_start3A_448] : memref<252x80xi32, #tpu.memory_space<vmem>> -> memref<1x80xi32, #tpu.memory_space<vmem>>
          %dma_start3A_450 = tpu.memref_squeeze %dma_start3A_449 : memref<1x80xi32, #tpu.memory_space<vmem>> -> memref<80xi32, #tpu.memory_space<vmem>>
          %dma_start3A_451 = arith.constant 0 : i32
          %dma_start3A_452 = tpu.memref_slice %arg16[%dma_start3A_451] : memref<10008xf32, #tpu.memory_space<vmem_shared>> -> memref<10008xf32, #tpu.memory_space<vmem_shared>>
          tpu.enqueue_indirect_dma source(%arg15 : memref<80xf32, #tpu.memory_space<vmem>>) target(%dma_start3A_452 : memref<10008xf32, #tpu.memory_space<vmem_shared>>) offsets(%dma_start3A_450 : memref<80xi32, #tpu.memory_space<vmem>>) semaphore(%run_scoped3A : memref<!tpu.dma_semaphore, #tpu.memory_space<semaphore_mem>>) {add = true}
          %dma_wait3A_453 = arith.constant 0 : i32
          %dma_wait3A_454 = tpu.memref_slice %arg8[%add3A_434, %dma_wait3A_453] : memref<252x80xi32, #tpu.memory_space<vmem>> -> memref<1x80xi32, #tpu.memory_space<vmem>>
          %dma_wait3A_455 = tpu.memref_squeeze %dma_wait3A_454 : memref<1x80xi32, #tpu.memory_space<vmem>> -> memref<80xi32, #tpu.memory_space<vmem>>
          %dma_wait3A_456 = arith.constant 0 : i32
          %dma_wait3A_457 = tpu.memref_slice %arg16[%dma_wait3A_456] : memref<10008xf32, #tpu.memory_space<vmem_shared>> -> memref<10008xf32, #tpu.memory_space<vmem_shared>>
          tpu.wait_indirect_dma semaphore(%run_scoped3A : memref<!tpu.dma_semaphore, #tpu.memory_space<semaphore_mem>>) src(%arg15 : memref<80xf32, #tpu.memory_space<vmem>>) dst(%dma_wait3A_457 : memref<10008xf32, #tpu.memory_space<vmem_shared>>)
          tpu.yield
        }) : () -> ()
      } else {
      }
      %add3A_438 = arith.constant 1 : i32
      %add3A_439 = arith.addi %mul3A_354, %add3A_438 : i32
      %rem3A_440 = arith.constant 2 : i32
      %rem3A_441 = arith.remsi %add3A_439, %rem3A_440 : i32
      %eq3A_442 = arith.cmpi eq, %rem3A_441, %arg0 : i32
      %add3A_443 = arith.constant 1 : i32
      %add3A_444 = arith.addi %mul3A_354, %add3A_443 : i32
      %convert_element_type3A_445 = arith.extui %eq3A_442 : i1 to i32
      %cond3A_446 = arith.constant 0 : i32
      %cond3A_447 = arith.cmpi ne, %convert_element_type3A_445, %cond3A_446 : i32
      scf.if %cond3A_447 {
        "tpu.region"() ({
          %run_scoped3A = tpu.sem_alloc : memref<!tpu.dma_semaphore, #tpu.memory_space<semaphore_mem>>
          %dma_start3A_448 = arith.constant 0 : i32
          %dma_start3A_449 = tpu.memref_slice %arg8[%add3A_444, %dma_start3A_448] : memref<252x80xi32, #tpu.memory_space<vmem>> -> memref<1x80xi32, #tpu.memory_space<vmem>>
          %dma_start3A_450 = tpu.memref_squeeze %dma_start3A_449 : memref<1x80xi32, #tpu.memory_space<vmem>> -> memref<80xi32, #tpu.memory_space<vmem>>
          %dma_start3A_451 = arith.constant 0 : i32
          %dma_start3A_452 = tpu.memref_slice %arg16[%dma_start3A_451] : memref<10008xf32, #tpu.memory_space<vmem_shared>> -> memref<10008xf32, #tpu.memory_space<vmem_shared>>
          tpu.enqueue_indirect_dma source(%arg15 : memref<80xf32, #tpu.memory_space<vmem>>) target(%dma_start3A_452 : memref<10008xf32, #tpu.memory_space<vmem_shared>>) offsets(%dma_start3A_450 : memref<80xi32, #tpu.memory_space<vmem>>) semaphore(%run_scoped3A : memref<!tpu.dma_semaphore, #tpu.memory_space<semaphore_mem>>) {add = true}
          %dma_wait3A_453 = arith.constant 0 : i32
          %dma_wait3A_454 = tpu.memref_slice %arg8[%add3A_444, %dma_wait3A_453] : memref<252x80xi32, #tpu.memory_space<vmem>> -> memref<1x80xi32, #tpu.memory_space<vmem>>
          %dma_wait3A_455 = tpu.memref_squeeze %dma_wait3A_454 : memref<1x80xi32, #tpu.memory_space<vmem>> -> memref<80xi32, #tpu.memory_space<vmem>>
          %dma_wait3A_456 = arith.constant 0 : i32
          %dma_wait3A_457 = tpu.memref_slice %arg16[%dma_wait3A_456] : memref<10008xf32, #tpu.memory_space<vmem_shared>> -> memref<10008xf32, #tpu.memory_space<vmem_shared>>
          tpu.wait_indirect_dma semaphore(%run_scoped3A : memref<!tpu.dma_semaphore, #tpu.memory_space<semaphore_mem>>) src(%arg15 : memref<80xf32, #tpu.memory_space<vmem>>) dst(%dma_wait3A_457 : memref<10008xf32, #tpu.memory_space<vmem_shared>>)
          tpu.yield
        }) : () -> ()
      } else {
      }
    }
    %scan3A_76 = arith.constant 62 : i32
    %dma_wait3A = arith.constant 248 : i32
    %dma_wait3A_77 = arith.constant 0 : i32
    %dma_wait3A_78 = tpu.memref_slice %arg7[%dma_wait3A, %dma_wait3A_77] : memref<252x80xi32, #tpu.memory_space<vmem>> -> memref<1x80xi32, #tpu.memory_space<vmem>>
    %dma_wait3A_79 = tpu.memref_squeeze %dma_wait3A_78 : memref<1x80xi32, #tpu.memory_space<vmem>> -> memref<80xi32, #tpu.memory_space<vmem>>
    %dma_wait3A_80 = arith.constant 0 : i32
    %dma_wait3A_81 = arith.constant 0 : i32
    %dma_wait3A_82 = tpu.memref_slice %arg2[%arg0, %dma_wait3A_80, %dma_wait3A_81] : memref<2x10008x64xf32, #tpu.memory_space<hbm>> -> memref<1x10008x64xf32, #tpu.memory_space<hbm>>
    %dma_wait3A_83 = tpu.memref_squeeze %dma_wait3A_82 : memref<1x10008x64xf32, #tpu.memory_space<hbm>> -> memref<10008x64xf32, #tpu.memory_space<hbm>>
    %dma_wait3A_84 = arith.constant 0 : i32
    %dma_wait3A_85 = arith.constant 0 : i32
    %dma_wait3A_86 = tpu.memref_slice %dma_wait3A_83[%dma_wait3A_84, %dma_wait3A_85] : memref<10008x64xf32, #tpu.memory_space<hbm>> -> memref<10008x64xf32, #tpu.memory_space<hbm>>
    tpu.wait_indirect_dma semaphore(%arg18 : memref<!tpu.dma_semaphore, #tpu.memory_space<semaphore_mem>>) src(%dma_wait3A_86 : memref<10008x64xf32, #tpu.memory_space<hbm>>) dst(%arg9 : memref<80x64xf32, #tpu.memory_space<vmem>>)
    %dma_wait3A_87 = arith.constant 249 : i32
    %dma_wait3A_88 = arith.constant 0 : i32
    %dma_wait3A_89 = tpu.memref_slice %arg7[%dma_wait3A_87, %dma_wait3A_88] : memref<252x80xi32, #tpu.memory_space<vmem>> -> memref<1x80xi32, #tpu.memory_space<vmem>>
    %dma_wait3A_90 = tpu.memref_squeeze %dma_wait3A_89 : memref<1x80xi32, #tpu.memory_space<vmem>> -> memref<80xi32, #tpu.memory_space<vmem>>
    %dma_wait3A_91 = arith.constant 0 : i32
    %dma_wait3A_92 = arith.constant 0 : i32
    %dma_wait3A_93 = tpu.memref_slice %arg2[%arg0, %dma_wait3A_91, %dma_wait3A_92] : memref<2x10008x64xf32, #tpu.memory_space<hbm>> -> memref<1x10008x64xf32, #tpu.memory_space<hbm>>
    %dma_wait3A_94 = tpu.memref_squeeze %dma_wait3A_93 : memref<1x10008x64xf32, #tpu.memory_space<hbm>> -> memref<10008x64xf32, #tpu.memory_space<hbm>>
    %dma_wait3A_95 = arith.constant 0 : i32
    %dma_wait3A_96 = arith.constant 0 : i32
    %dma_wait3A_97 = tpu.memref_slice %dma_wait3A_94[%dma_wait3A_95, %dma_wait3A_96] : memref<10008x64xf32, #tpu.memory_space<hbm>> -> memref<10008x64xf32, #tpu.memory_space<hbm>>
    tpu.wait_indirect_dma semaphore(%arg18 : memref<!tpu.dma_semaphore, #tpu.memory_space<semaphore_mem>>) src(%dma_wait3A_97 : memref<10008x64xf32, #tpu.memory_space<hbm>>) dst(%arg10 : memref<80x64xf32, #tpu.memory_space<vmem>>)
    %dma_wait3A_98 = arith.constant 248 : i32
    %dma_wait3A_99 = arith.constant 0 : i32
    %dma_wait3A_100 = tpu.memref_slice %arg8[%dma_wait3A_98, %dma_wait3A_99] : memref<252x80xi32, #tpu.memory_space<vmem>> -> memref<1x80xi32, #tpu.memory_space<vmem>>
    %dma_wait3A_101 = tpu.memref_squeeze %dma_wait3A_100 : memref<1x80xi32, #tpu.memory_space<vmem>> -> memref<80xi32, #tpu.memory_space<vmem>>
    %dma_wait3A_102 = arith.constant 0 : i32
    %dma_wait3A_103 = arith.constant 0 : i32
    %dma_wait3A_104 = tpu.memref_slice %arg17[%dma_wait3A_102, %dma_wait3A_103] : memref<10008x64xf32, #tpu.memory_space<vmem_shared>> -> memref<10008x64xf32, #tpu.memory_space<vmem_shared>>
    tpu.wait_indirect_dma semaphore(%arg19 : memref<!tpu.dma_semaphore, #tpu.memory_space<semaphore_mem>>) src(%arg11 : memref<80x64xf32, #tpu.memory_space<vmem>>) dst(%dma_wait3A_104 : memref<10008x64xf32, #tpu.memory_space<vmem_shared>>)
    %dma_wait3A_105 = arith.constant 248 : i32
    %dma_wait3A_106 = arith.constant 0 : i32
    %dma_wait3A_107 = tpu.memref_slice %arg8[%dma_wait3A_105, %dma_wait3A_106] : memref<252x80xi32, #tpu.memory_space<vmem>> -> memref<1x80xi32, #tpu.memory_space<vmem>>
    %dma_wait3A_108 = tpu.memref_squeeze %dma_wait3A_107 : memref<1x80xi32, #tpu.memory_space<vmem>> -> memref<80xi32, #tpu.memory_space<vmem>>
    %dma_wait3A_109 = arith.constant 0 : i32
    %dma_wait3A_110 = arith.constant 0 : i32
    %dma_wait3A_111 = tpu.memref_slice %arg17[%dma_wait3A_109, %dma_wait3A_110] : memref<10008x64xf32, #tpu.memory_space<vmem_shared>> -> memref<10008x64xf32, #tpu.memory_space<vmem_shared>>
    tpu.wait_indirect_dma semaphore(%arg19 : memref<!tpu.dma_semaphore, #tpu.memory_space<semaphore_mem>>) src(%arg12 : memref<80x64xf32, #tpu.memory_space<vmem>>) dst(%dma_wait3A_111 : memref<10008x64xf32, #tpu.memory_space<vmem_shared>>)
    %dma_start3A_112 = arith.constant 250 : i32
    %dma_start3A_113 = arith.constant 0 : i32
    %dma_start3A_114 = tpu.memref_slice %arg7[%dma_start3A_112, %dma_start3A_113] : memref<252x80xi32, #tpu.memory_space<vmem>> -> memref<1x80xi32, #tpu.memory_space<vmem>>
    %dma_start3A_115 = tpu.memref_squeeze %dma_start3A_114 : memref<1x80xi32, #tpu.memory_space<vmem>> -> memref<80xi32, #tpu.memory_space<vmem>>
    %dma_start3A_116 = arith.constant 0 : i32
    %dma_start3A_117 = arith.constant 0 : i32
    %dma_start3A_118 = tpu.memref_slice %arg2[%arg0, %dma_start3A_116, %dma_start3A_117] : memref<2x10008x64xf32, #tpu.memory_space<hbm>> -> memref<1x10008x64xf32, #tpu.memory_space<hbm>>
    %dma_start3A_119 = tpu.memref_squeeze %dma_start3A_118 : memref<1x10008x64xf32, #tpu.memory_space<hbm>> -> memref<10008x64xf32, #tpu.memory_space<hbm>>
    %dma_start3A_120 = arith.constant 0 : i32
    %dma_start3A_121 = arith.constant 0 : i32
    %dma_start3A_122 = tpu.memref_slice %dma_start3A_119[%dma_start3A_120, %dma_start3A_121] : memref<10008x64xf32, #tpu.memory_space<hbm>> -> memref<10008x64xf32, #tpu.memory_space<hbm>>
    tpu.enqueue_indirect_dma source(%dma_start3A_122 : memref<10008x64xf32, #tpu.memory_space<hbm>>) target(%arg11 : memref<80x64xf32, #tpu.memory_space<vmem>>) offsets(%dma_start3A_115 : memref<80xi32, #tpu.memory_space<vmem>>) semaphore(%arg18 : memref<!tpu.dma_semaphore, #tpu.memory_space<semaphore_mem>>)
    %dma_start3A_123 = arith.constant 251 : i32
    %dma_start3A_124 = arith.constant 0 : i32
    %dma_start3A_125 = tpu.memref_slice %arg7[%dma_start3A_123, %dma_start3A_124] : memref<252x80xi32, #tpu.memory_space<vmem>> -> memref<1x80xi32, #tpu.memory_space<vmem>>
    %dma_start3A_126 = tpu.memref_squeeze %dma_start3A_125 : memref<1x80xi32, #tpu.memory_space<vmem>> -> memref<80xi32, #tpu.memory_space<vmem>>
    %dma_start3A_127 = arith.constant 0 : i32
    %dma_start3A_128 = arith.constant 0 : i32
    %dma_start3A_129 = tpu.memref_slice %arg2[%arg0, %dma_start3A_127, %dma_start3A_128] : memref<2x10008x64xf32, #tpu.memory_space<hbm>> -> memref<1x10008x64xf32, #tpu.memory_space<hbm>>
    %dma_start3A_130 = tpu.memref_squeeze %dma_start3A_129 : memref<1x10008x64xf32, #tpu.memory_space<hbm>> -> memref<10008x64xf32, #tpu.memory_space<hbm>>
    %dma_start3A_131 = arith.constant 0 : i32
    %dma_start3A_132 = arith.constant 0 : i32
    %dma_start3A_133 = tpu.memref_slice %dma_start3A_130[%dma_start3A_131, %dma_start3A_132] : memref<10008x64xf32, #tpu.memory_space<hbm>> -> memref<10008x64xf32, #tpu.memory_space<hbm>>
    tpu.enqueue_indirect_dma source(%dma_start3A_133 : memref<10008x64xf32, #tpu.memory_space<hbm>>) target(%arg12 : memref<80x64xf32, #tpu.memory_space<vmem>>) offsets(%dma_start3A_126 : memref<80xi32, #tpu.memory_space<vmem>>) semaphore(%arg18 : memref<!tpu.dma_semaphore, #tpu.memory_space<semaphore_mem>>)
    %dma_start3A_134 = arith.constant 248 : i32
    %dma_start3A_135 = arith.constant 0 : i32
    %dma_start3A_136 = tpu.memref_slice %arg8[%dma_start3A_134, %dma_start3A_135] : memref<252x80xi32, #tpu.memory_space<vmem>> -> memref<1x80xi32, #tpu.memory_space<vmem>>
    %dma_start3A_137 = tpu.memref_squeeze %dma_start3A_136 : memref<1x80xi32, #tpu.memory_space<vmem>> -> memref<80xi32, #tpu.memory_space<vmem>>
    %dma_start3A_138 = arith.constant 0 : i32
    %dma_start3A_139 = arith.constant 0 : i32
    %dma_start3A_140 = tpu.memref_slice %arg17[%dma_start3A_138, %dma_start3A_139] : memref<10008x64xf32, #tpu.memory_space<vmem_shared>> -> memref<10008x64xf32, #tpu.memory_space<vmem_shared>>
    tpu.enqueue_indirect_dma source(%arg9 : memref<80x64xf32, #tpu.memory_space<vmem>>) target(%dma_start3A_140 : memref<10008x64xf32, #tpu.memory_space<vmem_shared>>) offsets(%dma_start3A_137 : memref<80xi32, #tpu.memory_space<vmem>>) semaphore(%arg19 : memref<!tpu.dma_semaphore, #tpu.memory_space<semaphore_mem>>) {add = true}
    %dma_start3A_141 = arith.constant 249 : i32
    %dma_start3A_142 = arith.constant 0 : i32
    %dma_start3A_143 = tpu.memref_slice %arg8[%dma_start3A_141, %dma_start3A_142] : memref<252x80xi32, #tpu.memory_space<vmem>> -> memref<1x80xi32, #tpu.memory_space<vmem>>
    %dma_start3A_144 = tpu.memref_squeeze %dma_start3A_143 : memref<1x80xi32, #tpu.memory_space<vmem>> -> memref<80xi32, #tpu.memory_space<vmem>>
    %dma_start3A_145 = arith.constant 0 : i32
    %dma_start3A_146 = arith.constant 0 : i32
    %dma_start3A_147 = tpu.memref_slice %arg17[%dma_start3A_145, %dma_start3A_146] : memref<10008x64xf32, #tpu.memory_space<vmem_shared>> -> memref<10008x64xf32, #tpu.memory_space<vmem_shared>>
    tpu.enqueue_indirect_dma source(%arg10 : memref<80x64xf32, #tpu.memory_space<vmem>>) target(%dma_start3A_147 : memref<10008x64xf32, #tpu.memory_space<vmem_shared>>) offsets(%dma_start3A_144 : memref<80xi32, #tpu.memory_space<vmem>>) semaphore(%arg19 : memref<!tpu.dma_semaphore, #tpu.memory_space<semaphore_mem>>) {add = true}
    %rem3A = arith.constant 248 : i32
    %rem3A_148 = arith.constant 2 : i32
    %rem3A_149 = arith.remsi %rem3A, %rem3A_148 : i32
    %eq3A_150 = arith.cmpi eq, %rem3A_149, %arg0 : i32
    %convert_element_type3A_151 = arith.extui %eq3A_150 : i1 to i32
    %cond3A_152 = arith.constant 0 : i32
    %cond3A_153 = arith.cmpi ne, %convert_element_type3A_151, %cond3A_152 : i32
    scf.if %cond3A_153 {
      %run_scoped3A = arith.constant 248 : i32
      "tpu.region"() ({
        %run_scoped3A_254 = tpu.sem_alloc : memref<!tpu.dma_semaphore, #tpu.memory_space<semaphore_mem>>
        %dma_start3A_255 = arith.constant 0 : i32
        %dma_start3A_256 = tpu.memref_slice %arg8[%run_scoped3A, %dma_start3A_255] : memref<252x80xi32, #tpu.memory_space<vmem>> -> memref<1x80xi32, #tpu.memory_space<vmem>>
        %dma_start3A_257 = tpu.memref_squeeze %dma_start3A_256 : memref<1x80xi32, #tpu.memory_space<vmem>> -> memref<80xi32, #tpu.memory_space<vmem>>
        %dma_start3A_258 = arith.constant 0 : i32
        %dma_start3A_259 = tpu.memref_slice %arg16[%dma_start3A_258] : memref<10008xf32, #tpu.memory_space<vmem_shared>> -> memref<10008xf32, #tpu.memory_space<vmem_shared>>
        tpu.enqueue_indirect_dma source(%arg15 : memref<80xf32, #tpu.memory_space<vmem>>) target(%dma_start3A_259 : memref<10008xf32, #tpu.memory_space<vmem_shared>>) offsets(%dma_start3A_257 : memref<80xi32, #tpu.memory_space<vmem>>) semaphore(%run_scoped3A_254 : memref<!tpu.dma_semaphore, #tpu.memory_space<semaphore_mem>>) {add = true}
        %dma_wait3A_260 = arith.constant 0 : i32
        %dma_wait3A_261 = tpu.memref_slice %arg8[%run_scoped3A, %dma_wait3A_260] : memref<252x80xi32, #tpu.memory_space<vmem>> -> memref<1x80xi32, #tpu.memory_space<vmem>>
        %dma_wait3A_262 = tpu.memref_squeeze %dma_wait3A_261 : memref<1x80xi32, #tpu.memory_space<vmem>> -> memref<80xi32, #tpu.memory_space<vmem>>
        %dma_wait3A_263 = arith.constant 0 : i32
        %dma_wait3A_264 = tpu.memref_slice %arg16[%dma_wait3A_263] : memref<10008xf32, #tpu.memory_space<vmem_shared>> -> memref<10008xf32, #tpu.memory_space<vmem_shared>>
        tpu.wait_indirect_dma semaphore(%run_scoped3A_254 : memref<!tpu.dma_semaphore, #tpu.memory_space<semaphore_mem>>) src(%arg15 : memref<80xf32, #tpu.memory_space<vmem>>) dst(%dma_wait3A_264 : memref<10008xf32, #tpu.memory_space<vmem_shared>>)
        tpu.yield
      }) : () -> ()
    } else {
    }
    %rem3A_154 = arith.constant 249 : i32
    %rem3A_155 = arith.constant 2 : i32
    %rem3A_156 = arith.remsi %rem3A_154, %rem3A_155 : i32
    %eq3A_157 = arith.cmpi eq, %rem3A_156, %arg0 : i32
    %convert_element_type3A_158 = arith.extui %eq3A_157 : i1 to i32
    %cond3A_159 = arith.constant 0 : i32
    %cond3A_160 = arith.cmpi ne, %convert_element_type3A_158, %cond3A_159 : i32
    scf.if %cond3A_160 {
      %run_scoped3A = arith.constant 249 : i32
      "tpu.region"() ({
        %run_scoped3A_254 = tpu.sem_alloc : memref<!tpu.dma_semaphore, #tpu.memory_space<semaphore_mem>>
        %dma_start3A_255 = arith.constant 0 : i32
        %dma_start3A_256 = tpu.memref_slice %arg8[%run_scoped3A, %dma_start3A_255] : memref<252x80xi32, #tpu.memory_space<vmem>> -> memref<1x80xi32, #tpu.memory_space<vmem>>
        %dma_start3A_257 = tpu.memref_squeeze %dma_start3A_256 : memref<1x80xi32, #tpu.memory_space<vmem>> -> memref<80xi32, #tpu.memory_space<vmem>>
        %dma_start3A_258 = arith.constant 0 : i32
        %dma_start3A_259 = tpu.memref_slice %arg16[%dma_start3A_258] : memref<10008xf32, #tpu.memory_space<vmem_shared>> -> memref<10008xf32, #tpu.memory_space<vmem_shared>>
        tpu.enqueue_indirect_dma source(%arg15 : memref<80xf32, #tpu.memory_space<vmem>>) target(%dma_start3A_259 : memref<10008xf32, #tpu.memory_space<vmem_shared>>) offsets(%dma_start3A_257 : memref<80xi32, #tpu.memory_space<vmem>>) semaphore(%run_scoped3A_254 : memref<!tpu.dma_semaphore, #tpu.memory_space<semaphore_mem>>) {add = true}
        %dma_wait3A_260 = arith.constant 0 : i32
        %dma_wait3A_261 = tpu.memref_slice %arg8[%run_scoped3A, %dma_wait3A_260] : memref<252x80xi32, #tpu.memory_space<vmem>> -> memref<1x80xi32, #tpu.memory_space<vmem>>
        %dma_wait3A_262 = tpu.memref_squeeze %dma_wait3A_261 : memref<1x80xi32, #tpu.memory_space<vmem>> -> memref<80xi32, #tpu.memory_space<vmem>>
        %dma_wait3A_263 = arith.constant 0 : i32
        %dma_wait3A_264 = tpu.memref_slice %arg16[%dma_wait3A_263] : memref<10008xf32, #tpu.memory_space<vmem_shared>> -> memref<10008xf32, #tpu.memory_space<vmem_shared>>
        tpu.wait_indirect_dma semaphore(%run_scoped3A_254 : memref<!tpu.dma_semaphore, #tpu.memory_space<semaphore_mem>>) src(%arg15 : memref<80xf32, #tpu.memory_space<vmem>>) dst(%dma_wait3A_264 : memref<10008xf32, #tpu.memory_space<vmem_shared>>)
        tpu.yield
      }) : () -> ()
    } else {
    }
    %dma_wait3A_161 = arith.constant 250 : i32
    %dma_wait3A_162 = arith.constant 0 : i32
    %dma_wait3A_163 = tpu.memref_slice %arg7[%dma_wait3A_161, %dma_wait3A_162] : memref<252x80xi32, #tpu.memory_space<vmem>> -> memref<1x80xi32, #tpu.memory_space<vmem>>
    %dma_wait3A_164 = tpu.memref_squeeze %dma_wait3A_163 : memref<1x80xi32, #tpu.memory_space<vmem>> -> memref<80xi32, #tpu.memory_space<vmem>>
    %dma_wait3A_165 = arith.constant 0 : i32
    %dma_wait3A_166 = arith.constant 0 : i32
    %dma_wait3A_167 = tpu.memref_slice %arg2[%arg0, %dma_wait3A_165, %dma_wait3A_166] : memref<2x10008x64xf32, #tpu.memory_space<hbm>> -> memref<1x10008x64xf32, #tpu.memory_space<hbm>>
    %dma_wait3A_168 = tpu.memref_squeeze %dma_wait3A_167 : memref<1x10008x64xf32, #tpu.memory_space<hbm>> -> memref<10008x64xf32, #tpu.memory_space<hbm>>
    %dma_wait3A_169 = arith.constant 0 : i32
    %dma_wait3A_170 = arith.constant 0 : i32
    %dma_wait3A_171 = tpu.memref_slice %dma_wait3A_168[%dma_wait3A_169, %dma_wait3A_170] : memref<10008x64xf32, #tpu.memory_space<hbm>> -> memref<10008x64xf32, #tpu.memory_space<hbm>>
    tpu.wait_indirect_dma semaphore(%arg18 : memref<!tpu.dma_semaphore, #tpu.memory_space<semaphore_mem>>) src(%dma_wait3A_171 : memref<10008x64xf32, #tpu.memory_space<hbm>>) dst(%arg11 : memref<80x64xf32, #tpu.memory_space<vmem>>)
    %dma_wait3A_172 = arith.constant 251 : i32
    %dma_wait3A_173 = arith.constant 0 : i32
    %dma_wait3A_174 = tpu.memref_slice %arg7[%dma_wait3A_172, %dma_wait3A_173] : memref<252x80xi32, #tpu.memory_space<vmem>> -> memref<1x80xi32, #tpu.memory_space<vmem>>
    %dma_wait3A_175 = tpu.memref_squeeze %dma_wait3A_174 : memref<1x80xi32, #tpu.memory_space<vmem>> -> memref<80xi32, #tpu.memory_space<vmem>>
    %dma_wait3A_176 = arith.constant 0 : i32
    %dma_wait3A_177 = arith.constant 0 : i32
    %dma_wait3A_178 = tpu.memref_slice %arg2[%arg0, %dma_wait3A_176, %dma_wait3A_177] : memref<2x10008x64xf32, #tpu.memory_space<hbm>> -> memref<1x10008x64xf32, #tpu.memory_space<hbm>>
    %dma_wait3A_179 = tpu.memref_squeeze %dma_wait3A_178 : memref<1x10008x64xf32, #tpu.memory_space<hbm>> -> memref<10008x64xf32, #tpu.memory_space<hbm>>
    %dma_wait3A_180 = arith.constant 0 : i32
    %dma_wait3A_181 = arith.constant 0 : i32
    %dma_wait3A_182 = tpu.memref_slice %dma_wait3A_179[%dma_wait3A_180, %dma_wait3A_181] : memref<10008x64xf32, #tpu.memory_space<hbm>> -> memref<10008x64xf32, #tpu.memory_space<hbm>>
    tpu.wait_indirect_dma semaphore(%arg18 : memref<!tpu.dma_semaphore, #tpu.memory_space<semaphore_mem>>) src(%dma_wait3A_182 : memref<10008x64xf32, #tpu.memory_space<hbm>>) dst(%arg12 : memref<80x64xf32, #tpu.memory_space<vmem>>)
    %dma_wait3A_183 = arith.constant 250 : i32
    %dma_wait3A_184 = arith.constant 0 : i32
    %dma_wait3A_185 = tpu.memref_slice %arg8[%dma_wait3A_183, %dma_wait3A_184] : memref<252x80xi32, #tpu.memory_space<vmem>> -> memref<1x80xi32, #tpu.memory_space<vmem>>
    %dma_wait3A_186 = tpu.memref_squeeze %dma_wait3A_185 : memref<1x80xi32, #tpu.memory_space<vmem>> -> memref<80xi32, #tpu.memory_space<vmem>>
    %dma_wait3A_187 = arith.constant 0 : i32
    %dma_wait3A_188 = arith.constant 0 : i32
    %dma_wait3A_189 = tpu.memref_slice %arg17[%dma_wait3A_187, %dma_wait3A_188] : memref<10008x64xf32, #tpu.memory_space<vmem_shared>> -> memref<10008x64xf32, #tpu.memory_space<vmem_shared>>
    tpu.wait_indirect_dma semaphore(%arg19 : memref<!tpu.dma_semaphore, #tpu.memory_space<semaphore_mem>>) src(%arg9 : memref<80x64xf32, #tpu.memory_space<vmem>>) dst(%dma_wait3A_189 : memref<10008x64xf32, #tpu.memory_space<vmem_shared>>)
    %dma_wait3A_190 = arith.constant 250 : i32
    %dma_wait3A_191 = arith.constant 0 : i32
    %dma_wait3A_192 = tpu.memref_slice %arg8[%dma_wait3A_190, %dma_wait3A_191] : memref<252x80xi32, #tpu.memory_space<vmem>> -> memref<1x80xi32, #tpu.memory_space<vmem>>
    %dma_wait3A_193 = tpu.memref_squeeze %dma_wait3A_192 : memref<1x80xi32, #tpu.memory_space<vmem>> -> memref<80xi32, #tpu.memory_space<vmem>>
    %dma_wait3A_194 = arith.constant 0 : i32
    %dma_wait3A_195 = arith.constant 0 : i32
    %dma_wait3A_196 = tpu.memref_slice %arg17[%dma_wait3A_194, %dma_wait3A_195] : memref<10008x64xf32, #tpu.memory_space<vmem_shared>> -> memref<10008x64xf32, #tpu.memory_space<vmem_shared>>
    tpu.wait_indirect_dma semaphore(%arg19 : memref<!tpu.dma_semaphore, #tpu.memory_space<semaphore_mem>>) src(%arg10 : memref<80x64xf32, #tpu.memory_space<vmem>>) dst(%dma_wait3A_196 : memref<10008x64xf32, #tpu.memory_space<vmem_shared>>)
    %dma_start3A_197 = arith.constant 250 : i32
    %dma_start3A_198 = arith.constant 0 : i32
    %dma_start3A_199 = tpu.memref_slice %arg8[%dma_start3A_197, %dma_start3A_198] : memref<252x80xi32, #tpu.memory_space<vmem>> -> memref<1x80xi32, #tpu.memory_space<vmem>>
    %dma_start3A_200 = tpu.memref_squeeze %dma_start3A_199 : memref<1x80xi32, #tpu.memory_space<vmem>> -> memref<80xi32, #tpu.memory_space<vmem>>
    %dma_start3A_201 = arith.constant 0 : i32
    %dma_start3A_202 = arith.constant 0 : i32
    %dma_start3A_203 = tpu.memref_slice %arg17[%dma_start3A_201, %dma_start3A_202] : memref<10008x64xf32, #tpu.memory_space<vmem_shared>> -> memref<10008x64xf32, #tpu.memory_space<vmem_shared>>
    tpu.enqueue_indirect_dma source(%arg11 : memref<80x64xf32, #tpu.memory_space<vmem>>) target(%dma_start3A_203 : memref<10008x64xf32, #tpu.memory_space<vmem_shared>>) offsets(%dma_start3A_200 : memref<80xi32, #tpu.memory_space<vmem>>) semaphore(%arg19 : memref<!tpu.dma_semaphore, #tpu.memory_space<semaphore_mem>>) {add = true}
    %dma_start3A_204 = arith.constant 251 : i32
    %dma_start3A_205 = arith.constant 0 : i32
    %dma_start3A_206 = tpu.memref_slice %arg8[%dma_start3A_204, %dma_start3A_205] : memref<252x80xi32, #tpu.memory_space<vmem>> -> memref<1x80xi32, #tpu.memory_space<vmem>>
    %dma_start3A_207 = tpu.memref_squeeze %dma_start3A_206 : memref<1x80xi32, #tpu.memory_space<vmem>> -> memref<80xi32, #tpu.memory_space<vmem>>
    %dma_start3A_208 = arith.constant 0 : i32
    %dma_start3A_209 = arith.constant 0 : i32
    %dma_start3A_210 = tpu.memref_slice %arg17[%dma_start3A_208, %dma_start3A_209] : memref<10008x64xf32, #tpu.memory_space<vmem_shared>> -> memref<10008x64xf32, #tpu.memory_space<vmem_shared>>
    tpu.enqueue_indirect_dma source(%arg12 : memref<80x64xf32, #tpu.memory_space<vmem>>) target(%dma_start3A_210 : memref<10008x64xf32, #tpu.memory_space<vmem_shared>>) offsets(%dma_start3A_207 : memref<80xi32, #tpu.memory_space<vmem>>) semaphore(%arg19 : memref<!tpu.dma_semaphore, #tpu.memory_space<semaphore_mem>>) {add = true}
    %rem3A_211 = arith.constant 250 : i32
    %rem3A_212 = arith.constant 2 : i32
    %rem3A_213 = arith.remsi %rem3A_211, %rem3A_212 : i32
    %eq3A_214 = arith.cmpi eq, %rem3A_213, %arg0 : i32
    %convert_element_type3A_215 = arith.extui %eq3A_214 : i1 to i32
    %cond3A_216 = arith.constant 0 : i32
    %cond3A_217 = arith.cmpi ne, %convert_element_type3A_215, %cond3A_216 : i32
    scf.if %cond3A_217 {
      %run_scoped3A = arith.constant 250 : i32
      "tpu.region"() ({
        %run_scoped3A_254 = tpu.sem_alloc : memref<!tpu.dma_semaphore, #tpu.memory_space<semaphore_mem>>
        %dma_start3A_255 = arith.constant 0 : i32
        %dma_start3A_256 = tpu.memref_slice %arg8[%run_scoped3A, %dma_start3A_255] : memref<252x80xi32, #tpu.memory_space<vmem>> -> memref<1x80xi32, #tpu.memory_space<vmem>>
        %dma_start3A_257 = tpu.memref_squeeze %dma_start3A_256 : memref<1x80xi32, #tpu.memory_space<vmem>> -> memref<80xi32, #tpu.memory_space<vmem>>
        %dma_start3A_258 = arith.constant 0 : i32
        %dma_start3A_259 = tpu.memref_slice %arg16[%dma_start3A_258] : memref<10008xf32, #tpu.memory_space<vmem_shared>> -> memref<10008xf32, #tpu.memory_space<vmem_shared>>
        tpu.enqueue_indirect_dma source(%arg15 : memref<80xf32, #tpu.memory_space<vmem>>) target(%dma_start3A_259 : memref<10008xf32, #tpu.memory_space<vmem_shared>>) offsets(%dma_start3A_257 : memref<80xi32, #tpu.memory_space<vmem>>) semaphore(%run_scoped3A_254 : memref<!tpu.dma_semaphore, #tpu.memory_space<semaphore_mem>>) {add = true}
        %dma_wait3A_260 = arith.constant 0 : i32
        %dma_wait3A_261 = tpu.memref_slice %arg8[%run_scoped3A, %dma_wait3A_260] : memref<252x80xi32, #tpu.memory_space<vmem>> -> memref<1x80xi32, #tpu.memory_space<vmem>>
        %dma_wait3A_262 = tpu.memref_squeeze %dma_wait3A_261 : memref<1x80xi32, #tpu.memory_space<vmem>> -> memref<80xi32, #tpu.memory_space<vmem>>
        %dma_wait3A_263 = arith.constant 0 : i32
        %dma_wait3A_264 = tpu.memref_slice %arg16[%dma_wait3A_263] : memref<10008xf32, #tpu.memory_space<vmem_shared>> -> memref<10008xf32, #tpu.memory_space<vmem_shared>>
        tpu.wait_indirect_dma semaphore(%run_scoped3A_254 : memref<!tpu.dma_semaphore, #tpu.memory_space<semaphore_mem>>) src(%arg15 : memref<80xf32, #tpu.memory_space<vmem>>) dst(%dma_wait3A_264 : memref<10008xf32, #tpu.memory_space<vmem_shared>>)
        tpu.yield
      }) : () -> ()
    } else {
    }
    %rem3A_218 = arith.constant 251 : i32
    %rem3A_219 = arith.constant 2 : i32
    %rem3A_220 = arith.remsi %rem3A_218, %rem3A_219 : i32
    %eq3A_221 = arith.cmpi eq, %rem3A_220, %arg0 : i32
    %convert_element_type3A_222 = arith.extui %eq3A_221 : i1 to i32
    %cond3A_223 = arith.constant 0 : i32
    %cond3A_224 = arith.cmpi ne, %convert_element_type3A_222, %cond3A_223 : i32
    scf.if %cond3A_224 {
      %run_scoped3A = arith.constant 251 : i32
      "tpu.region"() ({
        %run_scoped3A_254 = tpu.sem_alloc : memref<!tpu.dma_semaphore, #tpu.memory_space<semaphore_mem>>
        %dma_start3A_255 = arith.constant 0 : i32
        %dma_start3A_256 = tpu.memref_slice %arg8[%run_scoped3A, %dma_start3A_255] : memref<252x80xi32, #tpu.memory_space<vmem>> -> memref<1x80xi32, #tpu.memory_space<vmem>>
        %dma_start3A_257 = tpu.memref_squeeze %dma_start3A_256 : memref<1x80xi32, #tpu.memory_space<vmem>> -> memref<80xi32, #tpu.memory_space<vmem>>
        %dma_start3A_258 = arith.constant 0 : i32
        %dma_start3A_259 = tpu.memref_slice %arg16[%dma_start3A_258] : memref<10008xf32, #tpu.memory_space<vmem_shared>> -> memref<10008xf32, #tpu.memory_space<vmem_shared>>
        tpu.enqueue_indirect_dma source(%arg15 : memref<80xf32, #tpu.memory_space<vmem>>) target(%dma_start3A_259 : memref<10008xf32, #tpu.memory_space<vmem_shared>>) offsets(%dma_start3A_257 : memref<80xi32, #tpu.memory_space<vmem>>) semaphore(%run_scoped3A_254 : memref<!tpu.dma_semaphore, #tpu.memory_space<semaphore_mem>>) {add = true}
        %dma_wait3A_260 = arith.constant 0 : i32
        %dma_wait3A_261 = tpu.memref_slice %arg8[%run_scoped3A, %dma_wait3A_260] : memref<252x80xi32, #tpu.memory_space<vmem>> -> memref<1x80xi32, #tpu.memory_space<vmem>>
        %dma_wait3A_262 = tpu.memref_squeeze %dma_wait3A_261 : memref<1x80xi32, #tpu.memory_space<vmem>> -> memref<80xi32, #tpu.memory_space<vmem>>
        %dma_wait3A_263 = arith.constant 0 : i32
        %dma_wait3A_264 = tpu.memref_slice %arg16[%dma_wait3A_263] : memref<10008xf32, #tpu.memory_space<vmem_shared>> -> memref<10008xf32, #tpu.memory_space<vmem_shared>>
        tpu.wait_indirect_dma semaphore(%run_scoped3A_254 : memref<!tpu.dma_semaphore, #tpu.memory_space<semaphore_mem>>) src(%arg15 : memref<80xf32, #tpu.memory_space<vmem>>) dst(%dma_wait3A_264 : memref<10008xf32, #tpu.memory_space<vmem_shared>>)
        tpu.yield
      }) : () -> ()
    } else {
    }
    %dma_wait3A_225 = arith.constant 0 : i32
    %dma_wait3A_226 = arith.constant 0 : i32
    %dma_wait3A_227 = tpu.memref_slice %arg8[%dma_wait3A_225, %dma_wait3A_226] : memref<252x80xi32, #tpu.memory_space<vmem>> -> memref<1x80xi32, #tpu.memory_space<vmem>>
    %dma_wait3A_228 = tpu.memref_squeeze %dma_wait3A_227 : memref<1x80xi32, #tpu.memory_space<vmem>> -> memref<80xi32, #tpu.memory_space<vmem>>
    %dma_wait3A_229 = arith.constant 0 : i32
    %dma_wait3A_230 = arith.constant 0 : i32
    %dma_wait3A_231 = tpu.memref_slice %arg17[%dma_wait3A_229, %dma_wait3A_230] : memref<10008x64xf32, #tpu.memory_space<vmem_shared>> -> memref<10008x64xf32, #tpu.memory_space<vmem_shared>>
    tpu.wait_indirect_dma semaphore(%arg19 : memref<!tpu.dma_semaphore, #tpu.memory_space<semaphore_mem>>) src(%arg11 : memref<80x64xf32, #tpu.memory_space<vmem>>) dst(%dma_wait3A_231 : memref<10008x64xf32, #tpu.memory_space<vmem_shared>>)
    %dma_wait3A_232 = arith.constant 0 : i32
    %dma_wait3A_233 = arith.constant 0 : i32
    %dma_wait3A_234 = tpu.memref_slice %arg8[%dma_wait3A_232, %dma_wait3A_233] : memref<252x80xi32, #tpu.memory_space<vmem>> -> memref<1x80xi32, #tpu.memory_space<vmem>>
    %dma_wait3A_235 = tpu.memref_squeeze %dma_wait3A_234 : memref<1x80xi32, #tpu.memory_space<vmem>> -> memref<80xi32, #tpu.memory_space<vmem>>
    %dma_wait3A_236 = arith.constant 0 : i32
    %dma_wait3A_237 = arith.constant 0 : i32
    %dma_wait3A_238 = tpu.memref_slice %arg17[%dma_wait3A_236, %dma_wait3A_237] : memref<10008x64xf32, #tpu.memory_space<vmem_shared>> -> memref<10008x64xf32, #tpu.memory_space<vmem_shared>>
    tpu.wait_indirect_dma semaphore(%arg19 : memref<!tpu.dma_semaphore, #tpu.memory_space<semaphore_mem>>) src(%arg12 : memref<80x64xf32, #tpu.memory_space<vmem>>) dst(%dma_wait3A_238 : memref<10008x64xf32, #tpu.memory_space<vmem_shared>>)
    %barrier3A_239 = arith.constant 0 : index
    tpu.barrier barrier_id(%barrier3A_239)
    %mul3A_240 = arith.constant 624 : i32
    %mul3A_241 = arith.muli %arg1, %mul3A_240 : i32
    %mul3A_242 = arith.constant 624 : i32
    %mul3A_243 = arith.muli %arg1, %mul3A_242 : i32
    "tpu.region"() ({
      %run_scoped3A = tpu.sem_alloc : memref<!tpu.dma_semaphore, #tpu.memory_space<semaphore_mem>>
      %dma_start3A_254 = arith.constant 0 : i32
      %dma_start3A_255 = arith.constant 0 : i32
      %dma_start3A_256 = tpu.memref_slice %arg5[%arg0, %dma_start3A_254, %dma_start3A_255] : memref<2x10000x64xf32, #tpu.memory_space<hbm>> -> memref<1x10000x64xf32, #tpu.memory_space<hbm>>
      %dma_start3A_257 = tpu.memref_squeeze %dma_start3A_256 : memref<1x10000x64xf32, #tpu.memory_space<hbm>> -> memref<10000x64xf32, #tpu.memory_space<hbm>>
      %dma_start3A_258 = arith.constant 0 : i32
      %dma_start3A_259 = tpu.memref_slice %dma_start3A_257[%mul3A_243, %dma_start3A_258] : memref<10000x64xf32, #tpu.memory_space<hbm>> -> memref<624x64xf32, #tpu.memory_space<hbm>>
      %dma_start3A_260 = arith.constant 0 : i32
      %dma_start3A_261 = tpu.memref_slice %arg17[%mul3A_241, %dma_start3A_260] : memref<10008x64xf32, #tpu.memory_space<vmem_shared>> -> memref<624x64xf32, #tpu.memory_space<vmem_shared>>
      tpu.enqueue_dma source(%dma_start3A_261 : memref<624x64xf32, #tpu.memory_space<vmem_shared>>) target(%dma_start3A_259 : memref<624x64xf32, #tpu.memory_space<hbm>>) target_semaphore(%run_scoped3A : memref<!tpu.dma_semaphore, #tpu.memory_space<semaphore_mem>>)
      %dma_wait3A_262 = arith.constant 0 : i32
      %dma_wait3A_263 = arith.constant 0 : i32
      %dma_wait3A_264 = tpu.memref_slice %arg5[%arg0, %dma_wait3A_262, %dma_wait3A_263] : memref<2x10000x64xf32, #tpu.memory_space<hbm>> -> memref<1x10000x64xf32, #tpu.memory_space<hbm>>
      %dma_wait3A_265 = tpu.memref_squeeze %dma_wait3A_264 : memref<1x10000x64xf32, #tpu.memory_space<hbm>> -> memref<10000x64xf32, #tpu.memory_space<hbm>>
      %dma_wait3A_266 = arith.constant 0 : i32
      %dma_wait3A_267 = tpu.memref_slice %dma_wait3A_265[%mul3A_243, %dma_wait3A_266] : memref<10000x64xf32, #tpu.memory_space<hbm>> -> memref<624x64xf32, #tpu.memory_space<hbm>>
      %dma_wait3A_268 = arith.constant 0 : i32
      %dma_wait3A_269 = tpu.memref_slice %arg17[%mul3A_241, %dma_wait3A_268] : memref<10008x64xf32, #tpu.memory_space<vmem_shared>> -> memref<624x64xf32, #tpu.memory_space<vmem_shared>>
      tpu.wait_dma2 semaphore(%run_scoped3A : memref<!tpu.dma_semaphore, #tpu.memory_space<semaphore_mem>>) src(%dma_wait3A_269 : memref<624x64xf32, #tpu.memory_space<vmem_shared>>) dst(%dma_wait3A_267 : memref<624x64xf32, #tpu.memory_space<hbm>>)
      tpu.yield
    }) : () -> ()
    %eq3A_244 = arith.constant 15 : i32
    %eq3A_245 = arith.cmpi eq, %arg1, %eq3A_244 : i32
    %convert_element_type3A_246 = arith.extui %eq3A_245 : i1 to i32
    %cond3A_247 = arith.constant 0 : i32
    %cond3A_248 = arith.cmpi ne, %convert_element_type3A_246, %cond3A_247 : i32
    scf.if %cond3A_248 {
      "tpu.region"() ({
        %run_scoped3A = tpu.sem_alloc : memref<!tpu.dma_semaphore, #tpu.memory_space<semaphore_mem>>
        %dma_start3A_254 = arith.constant 0 : i32
        %dma_start3A_255 = arith.constant 0 : i32
        %dma_start3A_256 = tpu.memref_slice %arg5[%arg0, %dma_start3A_254, %dma_start3A_255] : memref<2x10000x64xf32, #tpu.memory_space<hbm>> -> memref<1x10000x64xf32, #tpu.memory_space<hbm>>
        %dma_start3A_257 = tpu.memref_squeeze %dma_start3A_256 : memref<1x10000x64xf32, #tpu.memory_space<hbm>> -> memref<10000x64xf32, #tpu.memory_space<hbm>>
        %dma_start3A_258 = arith.constant 9984 : i32
        %dma_start3A_259 = arith.constant 0 : i32
        %dma_start3A_260 = tpu.memref_slice %dma_start3A_257[%dma_start3A_258, %dma_start3A_259] : memref<10000x64xf32, #tpu.memory_space<hbm>> -> memref<16x64xf32, #tpu.memory_space<hbm>>
        %dma_start3A_261 = arith.constant 9984 : i32
        %dma_start3A_262 = arith.constant 0 : i32
        %dma_start3A_263 = tpu.memref_slice %arg17[%dma_start3A_261, %dma_start3A_262] : memref<10008x64xf32, #tpu.memory_space<vmem_shared>> -> memref<16x64xf32, #tpu.memory_space<vmem_shared>>
        tpu.enqueue_dma source(%dma_start3A_263 : memref<16x64xf32, #tpu.memory_space<vmem_shared>>) target(%dma_start3A_260 : memref<16x64xf32, #tpu.memory_space<hbm>>) target_semaphore(%run_scoped3A : memref<!tpu.dma_semaphore, #tpu.memory_space<semaphore_mem>>)
        %dma_wait3A_264 = arith.constant 0 : i32
        %dma_wait3A_265 = arith.constant 0 : i32
        %dma_wait3A_266 = tpu.memref_slice %arg5[%arg0, %dma_wait3A_264, %dma_wait3A_265] : memref<2x10000x64xf32, #tpu.memory_space<hbm>> -> memref<1x10000x64xf32, #tpu.memory_space<hbm>>
        %dma_wait3A_267 = tpu.memref_squeeze %dma_wait3A_266 : memref<1x10000x64xf32, #tpu.memory_space<hbm>> -> memref<10000x64xf32, #tpu.memory_space<hbm>>
        %dma_wait3A_268 = arith.constant 9984 : i32
        %dma_wait3A_269 = arith.constant 0 : i32
        %dma_wait3A_270 = tpu.memref_slice %dma_wait3A_267[%dma_wait3A_268, %dma_wait3A_269] : memref<10000x64xf32, #tpu.memory_space<hbm>> -> memref<16x64xf32, #tpu.memory_space<hbm>>
        %dma_wait3A_271 = arith.constant 9984 : i32
        %dma_wait3A_272 = arith.constant 0 : i32
        %dma_wait3A_273 = tpu.memref_slice %arg17[%dma_wait3A_271, %dma_wait3A_272] : memref<10008x64xf32, #tpu.memory_space<vmem_shared>> -> memref<16x64xf32, #tpu.memory_space<vmem_shared>>
        tpu.wait_dma2 semaphore(%run_scoped3A : memref<!tpu.dma_semaphore, #tpu.memory_space<semaphore_mem>>) src(%dma_wait3A_273 : memref<16x64xf32, #tpu.memory_space<vmem_shared>>) dst(%dma_wait3A_270 : memref<16x64xf32, #tpu.memory_space<hbm>>)
        tpu.yield
      }) : () -> ()
    } else {
    }
    %eq3A_249 = arith.constant 0 : i32
    %eq3A_250 = arith.cmpi eq, %arg1, %eq3A_249 : i32
    %convert_element_type3A_251 = arith.extui %eq3A_250 : i1 to i32
    %cond3A_252 = arith.constant 0 : i32
    %cond3A_253 = arith.cmpi ne, %convert_element_type3A_251, %cond3A_252 : i32
    scf.if %cond3A_253 {
      "tpu.region"() ({
        %run_scoped3A = tpu.sem_alloc : memref<!tpu.dma_semaphore, #tpu.memory_space<semaphore_mem>>
        %dma_start3A_254 = arith.constant 0 : i32
        %dma_start3A_255 = tpu.memref_slice %arg16[%dma_start3A_254] : memref<10008xf32, #tpu.memory_space<vmem_shared>> -> memref<10000xf32, #tpu.memory_space<vmem_shared>>
        %dma_start3A_256 = arith.constant 0 : i32
        %dma_start3A_257 = tpu.memref_slice %arg16[%dma_start3A_256] : memref<10008xf32, #tpu.memory_space<vmem_shared>> -> memref<10000xf32, #tpu.memory_space<vmem_shared>>
        tpu.enqueue_dma source(%dma_start3A_257 : memref<10000xf32, #tpu.memory_space<vmem_shared>>) target(%arg14 : memref<10000xf32, #tpu.memory_space<vmem>>) target_semaphore(%run_scoped3A : memref<!tpu.dma_semaphore, #tpu.memory_space<semaphore_mem>>)
        %dma_wait3A_258 = arith.constant 0 : i32
        %dma_wait3A_259 = tpu.memref_slice %arg16[%dma_wait3A_258] : memref<10008xf32, #tpu.memory_space<vmem_shared>> -> memref<10000xf32, #tpu.memory_space<vmem_shared>>
        %dma_wait3A_260 = arith.constant 0 : i32
        %dma_wait3A_261 = tpu.memref_slice %arg16[%dma_wait3A_260] : memref<10008xf32, #tpu.memory_space<vmem_shared>> -> memref<10000xf32, #tpu.memory_space<vmem_shared>>
        tpu.wait_dma2 semaphore(%run_scoped3A : memref<!tpu.dma_semaphore, #tpu.memory_space<semaphore_mem>>) src(%dma_wait3A_261 : memref<10000xf32, #tpu.memory_space<vmem_shared>>) dst(%arg14 : memref<10000xf32, #tpu.memory_space<vmem>>)
        tpu.yield
      }) : () -> ()
      "tpu.region"() ({
        %run_scoped3A = tpu.sem_alloc : memref<!tpu.dma_semaphore, #tpu.memory_space<semaphore_mem>>
        %dma_start3A_254 = arith.constant 0 : i32
        %dma_start3A_255 = tpu.memref_slice %arg6[%arg0, %dma_start3A_254] : memref<2x10000xf32, #tpu.memory_space<hbm>> -> memref<1x10000xf32, #tpu.memory_space<hbm>>
        %dma_start3A_256 = tpu.memref_squeeze %dma_start3A_255 : memref<1x10000xf32, #tpu.memory_space<hbm>> -> memref<10000xf32, #tpu.memory_space<hbm>>
        %dma_start3A_257 = arith.constant 0 : i32
        %dma_start3A_258 = tpu.memref_slice %arg6[%arg0, %dma_start3A_257] : memref<2x10000xf32, #tpu.memory_space<hbm>> -> memref<1x10000xf32, #tpu.memory_space<hbm>>
        %dma_start3A_259 = tpu.memref_squeeze %dma_start3A_258 : memref<1x10000xf32, #tpu.memory_space<hbm>> -> memref<10000xf32, #tpu.memory_space<hbm>>
        tpu.enqueue_dma source(%arg14 : memref<10000xf32, #tpu.memory_space<vmem>>) target(%dma_start3A_259 : memref<10000xf32, #tpu.memory_space<hbm>>) target_semaphore(%run_scoped3A : memref<!tpu.dma_semaphore, #tpu.memory_space<semaphore_mem>>)
        %dma_wait3A_260 = arith.constant 0 : i32
        %dma_wait3A_261 = tpu.memref_slice %arg6[%arg0, %dma_wait3A_260] : memref<2x10000xf32, #tpu.memory_space<hbm>> -> memref<1x10000xf32, #tpu.memory_space<hbm>>
        %dma_wait3A_262 = tpu.memref_squeeze %dma_wait3A_261 : memref<1x10000xf32, #tpu.memory_space<hbm>> -> memref<10000xf32, #tpu.memory_space<hbm>>
        %dma_wait3A_263 = arith.constant 0 : i32
        %dma_wait3A_264 = tpu.memref_slice %arg6[%arg0, %dma_wait3A_263] : memref<2x10000xf32, #tpu.memory_space<hbm>> -> memref<1x10000xf32, #tpu.memory_space<hbm>>
        %dma_wait3A_265 = tpu.memref_squeeze %dma_wait3A_264 : memref<1x10000xf32, #tpu.memory_space<hbm>> -> memref<10000xf32, #tpu.memory_space<hbm>>
        tpu.wait_dma2 semaphore(%run_scoped3A : memref<!tpu.dma_semaphore, #tpu.memory_space<semaphore_mem>>) src(%arg14 : memref<10000xf32, #tpu.memory_space<vmem>>) dst(%dma_wait3A_265 : memref<10000xf32, #tpu.memory_space<hbm>>)
        tpu.yield
      }) : () -> ()
    } else {
    }
    return
  }
}

#map = affine_map<(d0, d1) -> (0, 0, 0)>
module attributes {stable_mosaic.version = 14 : i64} {
  func.func @body(%arg0: i32, %arg1: i32, %arg2: memref<2x10008x64xf32, #tpu.memory_space<hbm>>, %arg3: memref<16x252x80xi32, #tpu.memory_space<hbm>>, %arg4: memref<16x252x80xi32, #tpu.memory_space<hbm>>, %arg5: memref<2x10000x64xf32, #tpu.memory_space<hbm>>, %arg6: memref<252x80xi32, #tpu.memory_space<vmem>>, %arg7: memref<252x80xi32, #tpu.memory_space<vmem>>, %arg8: memref<80x64xf32, #tpu.memory_space<vmem>>, %arg9: memref<80x64xf32, #tpu.memory_space<vmem>>, %arg10: memref<80x64xf32, #tpu.memory_space<vmem>>, %arg11: memref<80x64xf32, #tpu.memory_space<vmem>>, %arg12: memref<208x64xf32, #tpu.memory_space<vmem>>, %arg13: memref<10008x64xf32, #tpu.memory_space<vmem_shared>>, %arg14: memref<!tpu.dma_semaphore, #tpu.memory_space<semaphore_mem>>, %arg15: memref<!tpu.dma_semaphore, #tpu.memory_space<semaphore_mem>>) attributes {dimension_semantics = [#tpu.dimension_semantics<core_parallel>, #tpu.dimension_semantics<subcore_parallel>], iteration_bounds = array<i64: 2, 16>, scalar_prefetch = 0 : i64, scratch_operands = 10 : i64, tpu.core_type = #tpu.core_type<sc_vector_subcore>, window_params = [{transform_indices = #map}, {transform_indices = #map}, {transform_indices = #map}, {transform_indices = #map}]} {
    %broadcast_in_dim3A = arith.constant 0.000000e+00 : f32
    %broadcast_in_dim3A_0 = vector.broadcast %broadcast_in_dim3A : f32 to vector<16xf32>
    %broadcast_in_dim3A_1 = arith.constant 1.000000e+00 : f32
    %broadcast_in_dim3A_2 = vector.broadcast %broadcast_in_dim3A_1 : f32 to vector<16xf32>
    %scan3A = arith.constant 0 : i32
    %scan3A_3 = arith.constant 0 : i32
    %scan3A_4 = arith.constant 208 : i32
    %scan3A_5 = arith.addi %scan3A_3, %scan3A_4 : i32
    %scan3A_6 = arith.constant 1 : i32
    scf.for %scan3A_192 = %scan3A_3 to %scan3A_5 step %scan3A_6  : i32 {
      %swap3A = arith.index_cast %scan3A_192 : i32 to index
      %swap3A_193 = arith.constant 0 : index
      %swap3A_194 = tpu.vector_load %arg12[%swap3A, %swap3A_193] {strides = array<i32>} : memref<208x64xf32, #tpu.memory_space<vmem>>, vector<1x16xf32>,
      %swap3A_195 = vector.shape_cast %swap3A_194 : vector<1x16xf32> to vector<16xf32>
      %swap3A_196 = vector.shape_cast %broadcast_in_dim3A_0 : vector<16xf32> to vector<1x16xf32>
      tpu.vector_store %arg12[%swap3A, %swap3A_193], %swap3A_196 {strides = array<i32>} : memref<208x64xf32, #tpu.memory_space<vmem>>, vector<1x16xf32>,
      %swap3A_197 = arith.index_cast %scan3A_192 : i32 to index
      %swap3A_198 = arith.constant 16 : index
      %swap3A_199 = tpu.vector_load %arg12[%swap3A_197, %swap3A_198] {strides = array<i32>} : memref<208x64xf32, #tpu.memory_space<vmem>>, vector<1x16xf32>,
      %swap3A_200 = vector.shape_cast %swap3A_199 : vector<1x16xf32> to vector<16xf32>
      %swap3A_201 = vector.shape_cast %broadcast_in_dim3A_0 : vector<16xf32> to vector<1x16xf32>
      tpu.vector_store %arg12[%swap3A_197, %swap3A_198], %swap3A_201 {strides = array<i32>} : memref<208x64xf32, #tpu.memory_space<vmem>>, vector<1x16xf32>,
      %swap3A_202 = arith.index_cast %scan3A_192 : i32 to index
      %swap3A_203 = arith.constant 32 : index
      %swap3A_204 = tpu.vector_load %arg12[%swap3A_202, %swap3A_203] {strides = array<i32>} : memref<208x64xf32, #tpu.memory_space<vmem>>, vector<1x16xf32>,
      %swap3A_205 = vector.shape_cast %swap3A_204 : vector<1x16xf32> to vector<16xf32>
      %swap3A_206 = vector.shape_cast %broadcast_in_dim3A_0 : vector<16xf32> to vector<1x16xf32>
      tpu.vector_store %arg12[%swap3A_202, %swap3A_203], %swap3A_206 {strides = array<i32>} : memref<208x64xf32, #tpu.memory_space<vmem>>, vector<1x16xf32>,
      %swap3A_207 = arith.index_cast %scan3A_192 : i32 to index
      %swap3A_208 = arith.constant 48 : index
      %swap3A_209 = tpu.vector_load %arg12[%swap3A_207, %swap3A_208] {strides = array<i32>} : memref<208x64xf32, #tpu.memory_space<vmem>>, vector<1x16xf32>,
      %swap3A_210 = vector.shape_cast %swap3A_209 : vector<1x16xf32> to vector<16xf32>
      %swap3A_211 = vector.shape_cast %broadcast_in_dim3A_0 : vector<16xf32> to vector<1x16xf32>
      tpu.vector_store %arg12[%swap3A_207, %swap3A_208], %swap3A_211 {strides = array<i32>} : memref<208x64xf32, #tpu.memory_space<vmem>>, vector<1x16xf32>,
    }
    %scan3A_7 = arith.constant 208 : i32
    %mul3A = arith.constant 624 : i32
    %mul3A_8 = arith.muli %arg1, %mul3A : i32
    %add3A = arith.constant 0 : i32
    %add3A_9 = arith.addi %mul3A_8, %add3A : i32
    "tpu.region"() ({
      %run_scoped3A = tpu.sem_alloc : memref<!tpu.dma_semaphore, #tpu.memory_space<semaphore_mem>>
      %dma_start3A_192 = arith.constant 0 : i32
      %dma_start3A_193 = tpu.memref_slice %arg13[%add3A_9, %dma_start3A_192] : memref<10008x64xf32, #tpu.memory_space<vmem_shared>> -> memref<208x64xf32, #tpu.memory_space<vmem_shared>>
      %dma_start3A_194 = arith.constant 0 : i32
      %dma_start3A_195 = tpu.memref_slice %arg13[%add3A_9, %dma_start3A_194] : memref<10008x64xf32, #tpu.memory_space<vmem_shared>> -> memref<208x64xf32, #tpu.memory_space<vmem_shared>>
      tpu.enqueue_dma source(%arg12 : memref<208x64xf32, #tpu.memory_space<vmem>>) target(%dma_start3A_195 : memref<208x64xf32, #tpu.memory_space<vmem_shared>>) target_semaphore(%run_scoped3A : memref<!tpu.dma_semaphore, #tpu.memory_space<semaphore_mem>>)
      %dma_wait3A_196 = arith.constant 0 : i32
      %dma_wait3A_197 = tpu.memref_slice %arg13[%add3A_9, %dma_wait3A_196] : memref<10008x64xf32, #tpu.memory_space<vmem_shared>> -> memref<208x64xf32, #tpu.memory_space<vmem_shared>>
      %dma_wait3A_198 = arith.constant 0 : i32
      %dma_wait3A_199 = tpu.memref_slice %arg13[%add3A_9, %dma_wait3A_198] : memref<10008x64xf32, #tpu.memory_space<vmem_shared>> -> memref<208x64xf32, #tpu.memory_space<vmem_shared>>
      tpu.wait_dma2 semaphore(%run_scoped3A : memref<!tpu.dma_semaphore, #tpu.memory_space<semaphore_mem>>) src(%arg12 : memref<208x64xf32, #tpu.memory_space<vmem>>) dst(%dma_wait3A_199 : memref<208x64xf32, #tpu.memory_space<vmem_shared>>)
      tpu.yield
    }) : () -> ()
    %mul3A_10 = arith.constant 624 : i32
    %mul3A_11 = arith.muli %arg1, %mul3A_10 : i32
    %add3A_12 = arith.constant 208 : i32
    %add3A_13 = arith.addi %mul3A_11, %add3A_12 : i32
    "tpu.region"() ({
      %run_scoped3A = tpu.sem_alloc : memref<!tpu.dma_semaphore, #tpu.memory_space<semaphore_mem>>
      %dma_start3A_192 = arith.constant 0 : i32
      %dma_start3A_193 = tpu.memref_slice %arg13[%add3A_13, %dma_start3A_192] : memref<10008x64xf32, #tpu.memory_space<vmem_shared>> -> memref<208x64xf32, #tpu.memory_space<vmem_shared>>
      %dma_start3A_194 = arith.constant 0 : i32
      %dma_start3A_195 = tpu.memref_slice %arg13[%add3A_13, %dma_start3A_194] : memref<10008x64xf32, #tpu.memory_space<vmem_shared>> -> memref<208x64xf32, #tpu.memory_space<vmem_shared>>
      tpu.enqueue_dma source(%arg12 : memref<208x64xf32, #tpu.memory_space<vmem>>) target(%dma_start3A_195 : memref<208x64xf32, #tpu.memory_space<vmem_shared>>) target_semaphore(%run_scoped3A : memref<!tpu.dma_semaphore, #tpu.memory_space<semaphore_mem>>)
      %dma_wait3A_196 = arith.constant 0 : i32
      %dma_wait3A_197 = tpu.memref_slice %arg13[%add3A_13, %dma_wait3A_196] : memref<10008x64xf32, #tpu.memory_space<vmem_shared>> -> memref<208x64xf32, #tpu.memory_space<vmem_shared>>
      %dma_wait3A_198 = arith.constant 0 : i32
      %dma_wait3A_199 = tpu.memref_slice %arg13[%add3A_13, %dma_wait3A_198] : memref<10008x64xf32, #tpu.memory_space<vmem_shared>> -> memref<208x64xf32, #tpu.memory_space<vmem_shared>>
      tpu.wait_dma2 semaphore(%run_scoped3A : memref<!tpu.dma_semaphore, #tpu.memory_space<semaphore_mem>>) src(%arg12 : memref<208x64xf32, #tpu.memory_space<vmem>>) dst(%dma_wait3A_199 : memref<208x64xf32, #tpu.memory_space<vmem_shared>>)
      tpu.yield
    }) : () -> ()
    %mul3A_14 = arith.constant 624 : i32
    %mul3A_15 = arith.muli %arg1, %mul3A_14 : i32
    %add3A_16 = arith.constant 416 : i32
    %add3A_17 = arith.addi %mul3A_15, %add3A_16 : i32
    "tpu.region"() ({
      %run_scoped3A = tpu.sem_alloc : memref<!tpu.dma_semaphore, #tpu.memory_space<semaphore_mem>>
      %dma_start3A_192 = arith.constant 0 : i32
      %dma_start3A_193 = tpu.memref_slice %arg13[%add3A_17, %dma_start3A_192] : memref<10008x64xf32, #tpu.memory_space<vmem_shared>> -> memref<208x64xf32, #tpu.memory_space<vmem_shared>>
      %dma_start3A_194 = arith.constant 0 : i32
      %dma_start3A_195 = tpu.memref_slice %arg13[%add3A_17, %dma_start3A_194] : memref<10008x64xf32, #tpu.memory_space<vmem_shared>> -> memref<208x64xf32, #tpu.memory_space<vmem_shared>>
      tpu.enqueue_dma source(%arg12 : memref<208x64xf32, #tpu.memory_space<vmem>>) target(%dma_start3A_195 : memref<208x64xf32, #tpu.memory_space<vmem_shared>>) target_semaphore(%run_scoped3A : memref<!tpu.dma_semaphore, #tpu.memory_space<semaphore_mem>>)
      %dma_wait3A_196 = arith.constant 0 : i32
      %dma_wait3A_197 = tpu.memref_slice %arg13[%add3A_17, %dma_wait3A_196] : memref<10008x64xf32, #tpu.memory_space<vmem_shared>> -> memref<208x64xf32, #tpu.memory_space<vmem_shared>>
      %dma_wait3A_198 = arith.constant 0 : i32
      %dma_wait3A_199 = tpu.memref_slice %arg13[%add3A_17, %dma_wait3A_198] : memref<10008x64xf32, #tpu.memory_space<vmem_shared>> -> memref<208x64xf32, #tpu.memory_space<vmem_shared>>
      tpu.wait_dma2 semaphore(%run_scoped3A : memref<!tpu.dma_semaphore, #tpu.memory_space<semaphore_mem>>) src(%arg12 : memref<208x64xf32, #tpu.memory_space<vmem>>) dst(%dma_wait3A_199 : memref<208x64xf32, #tpu.memory_space<vmem_shared>>)
      tpu.yield
    }) : () -> ()
    %eq3A = arith.constant 15 : i32
    %eq3A_18 = arith.cmpi eq, %arg1, %eq3A : i32
    %convert_element_type3A = arith.extui %eq3A_18 : i1 to i32
    %cond3A = arith.constant 0 : i32
    %cond3A_19 = arith.cmpi ne, %convert_element_type3A, %cond3A : i32
    scf.if %cond3A_19 {
      "tpu.region"() ({
        %run_scoped3A = tpu.sem_alloc : memref<!tpu.dma_semaphore, #tpu.memory_space<semaphore_mem>>
        %dma_start3A_192 = arith.constant 0 : i32
        %dma_start3A_193 = arith.constant 0 : i32
        %dma_start3A_194 = tpu.memref_slice %arg12[%dma_start3A_192, %dma_start3A_193] : memref<208x64xf32, #tpu.memory_space<vmem>> -> memref<16x64xf32, #tpu.memory_space<vmem>>
        %dma_start3A_195 = arith.constant 9984 : i32
        %dma_start3A_196 = arith.constant 0 : i32
        %dma_start3A_197 = tpu.memref_slice %arg13[%dma_start3A_195, %dma_start3A_196] : memref<10008x64xf32, #tpu.memory_space<vmem_shared>> -> memref<16x64xf32, #tpu.memory_space<vmem_shared>>
        %dma_start3A_198 = arith.constant 9984 : i32
        %dma_start3A_199 = arith.constant 0 : i32
        %dma_start3A_200 = tpu.memref_slice %arg13[%dma_start3A_198, %dma_start3A_199] : memref<10008x64xf32, #tpu.memory_space<vmem_shared>> -> memref<16x64xf32, #tpu.memory_space<vmem_shared>>
        %dma_start3A_201 = arith.constant 0 : i32
        %dma_start3A_202 = arith.constant 0 : i32
        %dma_start3A_203 = tpu.memref_slice %arg12[%dma_start3A_201, %dma_start3A_202] : memref<208x64xf32, #tpu.memory_space<vmem>> -> memref<16x64xf32, #tpu.memory_space<vmem>>
        tpu.enqueue_dma source(%dma_start3A_203 : memref<16x64xf32, #tpu.memory_space<vmem>>) target(%dma_start3A_200 : memref<16x64xf32, #tpu.memory_space<vmem_shared>>) target_semaphore(%run_scoped3A : memref<!tpu.dma_semaphore, #tpu.memory_space<semaphore_mem>>)
        %dma_wait3A_204 = arith.constant 0 : i32
        %dma_wait3A_205 = arith.constant 0 : i32
        %dma_wait3A_206 = tpu.memref_slice %arg12[%dma_wait3A_204, %dma_wait3A_205] : memref<208x64xf32, #tpu.memory_space<vmem>> -> memref<16x64xf32, #tpu.memory_space<vmem>>
        %dma_wait3A_207 = arith.constant 9984 : i32
        %dma_wait3A_208 = arith.constant 0 : i32
        %dma_wait3A_209 = tpu.memref_slice %arg13[%dma_wait3A_207, %dma_wait3A_208] : memref<10008x64xf32, #tpu.memory_space<vmem_shared>> -> memref<16x64xf32, #tpu.memory_space<vmem_shared>>
        %dma_wait3A_210 = arith.constant 9984 : i32
        %dma_wait3A_211 = arith.constant 0 : i32
        %dma_wait3A_212 = tpu.memref_slice %arg13[%dma_wait3A_210, %dma_wait3A_211] : memref<10008x64xf32, #tpu.memory_space<vmem_shared>> -> memref<16x64xf32, #tpu.memory_space<vmem_shared>>
        %dma_wait3A_213 = arith.constant 0 : i32
        %dma_wait3A_214 = arith.constant 0 : i32
        %dma_wait3A_215 = tpu.memref_slice %arg12[%dma_wait3A_213, %dma_wait3A_214] : memref<208x64xf32, #tpu.memory_space<vmem>> -> memref<16x64xf32, #tpu.memory_space<vmem>>
        tpu.wait_dma2 semaphore(%run_scoped3A : memref<!tpu.dma_semaphore, #tpu.memory_space<semaphore_mem>>) src(%dma_wait3A_215 : memref<16x64xf32, #tpu.memory_space<vmem>>) dst(%dma_wait3A_212 : memref<16x64xf32, #tpu.memory_space<vmem_shared>>)
        tpu.yield
      }) : () -> ()
    } else {
    }
    %barrier3A = arith.constant 0 : index
    tpu.barrier barrier_id(%barrier3A)
    "tpu.region"() ({
      %run_scoped3A = tpu.sem_alloc : memref<!tpu.dma_semaphore, #tpu.memory_space<semaphore_mem>>
      %dma_start3A_192 = arith.constant 0 : i32
      %dma_start3A_193 = arith.constant 0 : i32
      %dma_start3A_194 = tpu.memref_slice %arg3[%arg1, %dma_start3A_192, %dma_start3A_193] : memref<16x252x80xi32, #tpu.memory_space<hbm>> -> memref<1x252x80xi32, #tpu.memory_space<hbm>>
      %dma_start3A_195 = tpu.memref_squeeze %dma_start3A_194 : memref<1x252x80xi32, #tpu.memory_space<hbm>> -> memref<252x80xi32, #tpu.memory_space<hbm>>
      %dma_start3A_196 = arith.constant 0 : i32
      %dma_start3A_197 = arith.constant 0 : i32
      %dma_start3A_198 = tpu.memref_slice %arg3[%arg1, %dma_start3A_196, %dma_start3A_197] : memref<16x252x80xi32, #tpu.memory_space<hbm>> -> memref<1x252x80xi32, #tpu.memory_space<hbm>>
      %dma_start3A_199 = tpu.memref_squeeze %dma_start3A_198 : memref<1x252x80xi32, #tpu.memory_space<hbm>> -> memref<252x80xi32, #tpu.memory_space<hbm>>
      tpu.enqueue_dma source(%dma_start3A_199 : memref<252x80xi32, #tpu.memory_space<hbm>>) target(%arg6 : memref<252x80xi32, #tpu.memory_space<vmem>>) target_semaphore(%run_scoped3A : memref<!tpu.dma_semaphore, #tpu.memory_space<semaphore_mem>>)
      %dma_wait3A_200 = arith.constant 0 : i32
      %dma_wait3A_201 = arith.constant 0 : i32
      %dma_wait3A_202 = tpu.memref_slice %arg3[%arg1, %dma_wait3A_200, %dma_wait3A_201] : memref<16x252x80xi32, #tpu.memory_space<hbm>> -> memref<1x252x80xi32, #tpu.memory_space<hbm>>
      %dma_wait3A_203 = tpu.memref_squeeze %dma_wait3A_202 : memref<1x252x80xi32, #tpu.memory_space<hbm>> -> memref<252x80xi32, #tpu.memory_space<hbm>>
      %dma_wait3A_204 = arith.constant 0 : i32
      %dma_wait3A_205 = arith.constant 0 : i32
      %dma_wait3A_206 = tpu.memref_slice %arg3[%arg1, %dma_wait3A_204, %dma_wait3A_205] : memref<16x252x80xi32, #tpu.memory_space<hbm>> -> memref<1x252x80xi32, #tpu.memory_space<hbm>>
      %dma_wait3A_207 = tpu.memref_squeeze %dma_wait3A_206 : memref<1x252x80xi32, #tpu.memory_space<hbm>> -> memref<252x80xi32, #tpu.memory_space<hbm>>
      tpu.wait_dma2 semaphore(%run_scoped3A : memref<!tpu.dma_semaphore, #tpu.memory_space<semaphore_mem>>) src(%dma_wait3A_207 : memref<252x80xi32, #tpu.memory_space<hbm>>) dst(%arg6 : memref<252x80xi32, #tpu.memory_space<vmem>>)
      tpu.yield
    }) : () -> ()
    "tpu.region"() ({
      %run_scoped3A = tpu.sem_alloc : memref<!tpu.dma_semaphore, #tpu.memory_space<semaphore_mem>>
      %dma_start3A_192 = arith.constant 0 : i32
      %dma_start3A_193 = arith.constant 0 : i32
      %dma_start3A_194 = tpu.memref_slice %arg4[%arg1, %dma_start3A_192, %dma_start3A_193] : memref<16x252x80xi32, #tpu.memory_space<hbm>> -> memref<1x252x80xi32, #tpu.memory_space<hbm>>
      %dma_start3A_195 = tpu.memref_squeeze %dma_start3A_194 : memref<1x252x80xi32, #tpu.memory_space<hbm>> -> memref<252x80xi32, #tpu.memory_space<hbm>>
      %dma_start3A_196 = arith.constant 0 : i32
      %dma_start3A_197 = arith.constant 0 : i32
      %dma_start3A_198 = tpu.memref_slice %arg4[%arg1, %dma_start3A_196, %dma_start3A_197] : memref<16x252x80xi32, #tpu.memory_space<hbm>> -> memref<1x252x80xi32, #tpu.memory_space<hbm>>
      %dma_start3A_199 = tpu.memref_squeeze %dma_start3A_198 : memref<1x252x80xi32, #tpu.memory_space<hbm>> -> memref<252x80xi32, #tpu.memory_space<hbm>>
      tpu.enqueue_dma source(%dma_start3A_199 : memref<252x80xi32, #tpu.memory_space<hbm>>) target(%arg7 : memref<252x80xi32, #tpu.memory_space<vmem>>) target_semaphore(%run_scoped3A : memref<!tpu.dma_semaphore, #tpu.memory_space<semaphore_mem>>)
      %dma_wait3A_200 = arith.constant 0 : i32
      %dma_wait3A_201 = arith.constant 0 : i32
      %dma_wait3A_202 = tpu.memref_slice %arg4[%arg1, %dma_wait3A_200, %dma_wait3A_201] : memref<16x252x80xi32, #tpu.memory_space<hbm>> -> memref<1x252x80xi32, #tpu.memory_space<hbm>>
      %dma_wait3A_203 = tpu.memref_squeeze %dma_wait3A_202 : memref<1x252x80xi32, #tpu.memory_space<hbm>> -> memref<252x80xi32, #tpu.memory_space<hbm>>
      %dma_wait3A_204 = arith.constant 0 : i32
      %dma_wait3A_205 = arith.constant 0 : i32
      %dma_wait3A_206 = tpu.memref_slice %arg4[%arg1, %dma_wait3A_204, %dma_wait3A_205] : memref<16x252x80xi32, #tpu.memory_space<hbm>> -> memref<1x252x80xi32, #tpu.memory_space<hbm>>
      %dma_wait3A_207 = tpu.memref_squeeze %dma_wait3A_206 : memref<1x252x80xi32, #tpu.memory_space<hbm>> -> memref<252x80xi32, #tpu.memory_space<hbm>>
      tpu.wait_dma2 semaphore(%run_scoped3A : memref<!tpu.dma_semaphore, #tpu.memory_space<semaphore_mem>>) src(%dma_wait3A_207 : memref<252x80xi32, #tpu.memory_space<hbm>>) dst(%arg7 : memref<252x80xi32, #tpu.memory_space<vmem>>)
      tpu.yield
    }) : () -> ()
    %dma_start3A = arith.constant 0 : i32
    %dma_start3A_20 = arith.constant 0 : i32
    %dma_start3A_21 = tpu.memref_slice %arg6[%dma_start3A, %dma_start3A_20] : memref<252x80xi32, #tpu.memory_space<vmem>> -> memref<1x80xi32, #tpu.memory_space<vmem>>
    %dma_start3A_22 = tpu.memref_squeeze %dma_start3A_21 : memref<1x80xi32, #tpu.memory_space<vmem>> -> memref<80xi32, #tpu.memory_space<vmem>>
    %dma_start3A_23 = arith.constant 0 : i32
    %dma_start3A_24 = arith.constant 0 : i32
    %dma_start3A_25 = tpu.memref_slice %arg2[%arg0, %dma_start3A_23, %dma_start3A_24] : memref<2x10008x64xf32, #tpu.memory_space<hbm>> -> memref<1x10008x64xf32, #tpu.memory_space<hbm>>
    %dma_start3A_26 = tpu.memref_squeeze %dma_start3A_25 : memref<1x10008x64xf32, #tpu.memory_space<hbm>> -> memref<10008x64xf32, #tpu.memory_space<hbm>>
    %dma_start3A_27 = arith.constant 0 : i32
    %dma_start3A_28 = arith.constant 0 : i32
    %dma_start3A_29 = tpu.memref_slice %dma_start3A_26[%dma_start3A_27, %dma_start3A_28] : memref<10008x64xf32, #tpu.memory_space<hbm>> -> memref<10008x64xf32, #tpu.memory_space<hbm>>
    tpu.enqueue_indirect_dma source(%dma_start3A_29 : memref<10008x64xf32, #tpu.memory_space<hbm>>) target(%arg8 : memref<80x64xf32, #tpu.memory_space<vmem>>) offsets(%dma_start3A_22 : memref<80xi32, #tpu.memory_space<vmem>>) semaphore(%arg14 : memref<!tpu.dma_semaphore, #tpu.memory_space<semaphore_mem>>)
    %dma_start3A_30 = arith.constant 1 : i32
    %dma_start3A_31 = arith.constant 0 : i32
    %dma_start3A_32 = tpu.memref_slice %arg6[%dma_start3A_30, %dma_start3A_31] : memref<252x80xi32, #tpu.memory_space<vmem>> -> memref<1x80xi32, #tpu.memory_space<vmem>>
    %dma_start3A_33 = tpu.memref_squeeze %dma_start3A_32 : memref<1x80xi32, #tpu.memory_space<vmem>> -> memref<80xi32, #tpu.memory_space<vmem>>
    %dma_start3A_34 = arith.constant 0 : i32
    %dma_start3A_35 = arith.constant 0 : i32
    %dma_start3A_36 = tpu.memref_slice %arg2[%arg0, %dma_start3A_34, %dma_start3A_35] : memref<2x10008x64xf32, #tpu.memory_space<hbm>> -> memref<1x10008x64xf32, #tpu.memory_space<hbm>>
    %dma_start3A_37 = tpu.memref_squeeze %dma_start3A_36 : memref<1x10008x64xf32, #tpu.memory_space<hbm>> -> memref<10008x64xf32, #tpu.memory_space<hbm>>
    %dma_start3A_38 = arith.constant 0 : i32
    %dma_start3A_39 = arith.constant 0 : i32
    %dma_start3A_40 = tpu.memref_slice %dma_start3A_37[%dma_start3A_38, %dma_start3A_39] : memref<10008x64xf32, #tpu.memory_space<hbm>> -> memref<10008x64xf32, #tpu.memory_space<hbm>>
    tpu.enqueue_indirect_dma source(%dma_start3A_40 : memref<10008x64xf32, #tpu.memory_space<hbm>>) target(%arg9 : memref<80x64xf32, #tpu.memory_space<vmem>>) offsets(%dma_start3A_33 : memref<80xi32, #tpu.memory_space<vmem>>) semaphore(%arg14 : memref<!tpu.dma_semaphore, #tpu.memory_space<semaphore_mem>>)
    %scan3A_41 = arith.constant 0 : i32
    %scan3A_42 = arith.constant 0 : i32
    %scan3A_43 = arith.constant 62 : i32
    %scan3A_44 = arith.addi %scan3A_42, %scan3A_43 : i32
    %scan3A_45 = arith.constant 1 : i32
    scf.for %scan3A_192 = %scan3A_42 to %scan3A_44 step %scan3A_45  : i32 {
      %mul3A_193 = arith.constant 2 : i32
      %mul3A_194 = arith.muli %scan3A_192, %mul3A_193 : i32
      %mul3A_195 = arith.constant 2 : i32
      %mul3A_196 = arith.muli %mul3A_195, %mul3A_194 : i32
      %add3A_197 = arith.constant 0 : i32
      %add3A_198 = arith.addi %mul3A_196, %add3A_197 : i32
      %dma_wait3A_199 = arith.constant 0 : i32
      %dma_wait3A_200 = tpu.memref_slice %arg6[%add3A_198, %dma_wait3A_199] : memref<252x80xi32, #tpu.memory_space<vmem>> -> memref<1x80xi32, #tpu.memory_space<vmem>>
      %dma_wait3A_201 = tpu.memref_squeeze %dma_wait3A_200 : memref<1x80xi32, #tpu.memory_space<vmem>> -> memref<80xi32, #tpu.memory_space<vmem>>
      %dma_wait3A_202 = arith.constant 0 : i32
      %dma_wait3A_203 = arith.constant 0 : i32
      %dma_wait3A_204 = tpu.memref_slice %arg2[%arg0, %dma_wait3A_202, %dma_wait3A_203] : memref<2x10008x64xf32, #tpu.memory_space<hbm>> -> memref<1x10008x64xf32, #tpu.memory_space<hbm>>
      %dma_wait3A_205 = tpu.memref_squeeze %dma_wait3A_204 : memref<1x10008x64xf32, #tpu.memory_space<hbm>> -> memref<10008x64xf32, #tpu.memory_space<hbm>>
      %dma_wait3A_206 = arith.constant 0 : i32
      %dma_wait3A_207 = arith.constant 0 : i32
      %dma_wait3A_208 = tpu.memref_slice %dma_wait3A_205[%dma_wait3A_206, %dma_wait3A_207] : memref<10008x64xf32, #tpu.memory_space<hbm>> -> memref<10008x64xf32, #tpu.memory_space<hbm>>
      tpu.wait_indirect_dma semaphore(%arg14 : memref<!tpu.dma_semaphore, #tpu.memory_space<semaphore_mem>>) src(%dma_wait3A_208 : memref<10008x64xf32, #tpu.memory_space<hbm>>) dst(%arg8 : memref<80x64xf32, #tpu.memory_space<vmem>>)
      %add3A_209 = arith.constant 1 : i32
      %add3A_210 = arith.addi %mul3A_196, %add3A_209 : i32
      %dma_wait3A_211 = arith.constant 0 : i32
      %dma_wait3A_212 = tpu.memref_slice %arg6[%add3A_210, %dma_wait3A_211] : memref<252x80xi32, #tpu.memory_space<vmem>> -> memref<1x80xi32, #tpu.memory_space<vmem>>
      %dma_wait3A_213 = tpu.memref_squeeze %dma_wait3A_212 : memref<1x80xi32, #tpu.memory_space<vmem>> -> memref<80xi32, #tpu.memory_space<vmem>>
      %dma_wait3A_214 = arith.constant 0 : i32
      %dma_wait3A_215 = arith.constant 0 : i32
      %dma_wait3A_216 = tpu.memref_slice %arg2[%arg0, %dma_wait3A_214, %dma_wait3A_215] : memref<2x10008x64xf32, #tpu.memory_space<hbm>> -> memref<1x10008x64xf32, #tpu.memory_space<hbm>>
      %dma_wait3A_217 = tpu.memref_squeeze %dma_wait3A_216 : memref<1x10008x64xf32, #tpu.memory_space<hbm>> -> memref<10008x64xf32, #tpu.memory_space<hbm>>
      %dma_wait3A_218 = arith.constant 0 : i32
      %dma_wait3A_219 = arith.constant 0 : i32
      %dma_wait3A_220 = tpu.memref_slice %dma_wait3A_217[%dma_wait3A_218, %dma_wait3A_219] : memref<10008x64xf32, #tpu.memory_space<hbm>> -> memref<10008x64xf32, #tpu.memory_space<hbm>>
      tpu.wait_indirect_dma semaphore(%arg14 : memref<!tpu.dma_semaphore, #tpu.memory_space<semaphore_mem>>) src(%dma_wait3A_220 : memref<10008x64xf32, #tpu.memory_space<hbm>>) dst(%arg9 : memref<80x64xf32, #tpu.memory_space<vmem>>)
      %gt3A = arith.constant 0 : i32
      %gt3A_221 = arith.cmpi sgt, %mul3A_194, %gt3A : i32
      %convert_element_type3A_222 = arith.extui %gt3A_221 : i1 to i32
      %cond3A_223 = arith.constant 0 : i32
      %cond3A_224 = arith.cmpi ne, %convert_element_type3A_222, %cond3A_223 : i32
      scf.if %cond3A_224 {
        %dma_wait3A_346 = arith.constant 0 : i32
        %dma_wait3A_347 = tpu.memref_slice %arg7[%mul3A_196, %dma_wait3A_346] : memref<252x80xi32, #tpu.memory_space<vmem>> -> memref<1x80xi32, #tpu.memory_space<vmem>>
        %dma_wait3A_348 = tpu.memref_squeeze %dma_wait3A_347 : memref<1x80xi32, #tpu.memory_space<vmem>> -> memref<80xi32, #tpu.memory_space<vmem>>
        %dma_wait3A_349 = arith.constant 0 : i32
        %dma_wait3A_350 = arith.constant 0 : i32
        %dma_wait3A_351 = tpu.memref_slice %arg13[%dma_wait3A_349, %dma_wait3A_350] : memref<10008x64xf32, #tpu.memory_space<vmem_shared>> -> memref<10008x64xf32, #tpu.memory_space<vmem_shared>>
        tpu.wait_indirect_dma semaphore(%arg15 : memref<!tpu.dma_semaphore, #tpu.memory_space<semaphore_mem>>) src(%arg10 : memref<80x64xf32, #tpu.memory_space<vmem>>) dst(%dma_wait3A_351 : memref<10008x64xf32, #tpu.memory_space<vmem_shared>>)
        %dma_wait3A_352 = arith.constant 0 : i32
        %dma_wait3A_353 = tpu.memref_slice %arg7[%mul3A_196, %dma_wait3A_352] : memref<252x80xi32, #tpu.memory_space<vmem>> -> memref<1x80xi32, #tpu.memory_space<vmem>>
        %dma_wait3A_354 = tpu.memref_squeeze %dma_wait3A_353 : memref<1x80xi32, #tpu.memory_space<vmem>> -> memref<80xi32, #tpu.memory_space<vmem>>
        %dma_wait3A_355 = arith.constant 0 : i32
        %dma_wait3A_356 = arith.constant 0 : i32
        %dma_wait3A_357 = tpu.memref_slice %arg13[%dma_wait3A_355, %dma_wait3A_356] : memref<10008x64xf32, #tpu.memory_space<vmem_shared>> -> memref<10008x64xf32, #tpu.memory_space<vmem_shared>>
        tpu.wait_indirect_dma semaphore(%arg15 : memref<!tpu.dma_semaphore, #tpu.memory_space<semaphore_mem>>) src(%arg11 : memref<80x64xf32, #tpu.memory_space<vmem>>) dst(%dma_wait3A_357 : memref<10008x64xf32, #tpu.memory_space<vmem_shared>>)
      } else {
      }
      %add3A_225 = arith.constant 2 : i32
      %add3A_226 = arith.addi %mul3A_196, %add3A_225 : i32
      %add3A_227 = arith.constant 0 : i32
      %add3A_228 = arith.addi %add3A_226, %add3A_227 : i32
      %dma_start3A_229 = arith.constant 0 : i32
      %dma_start3A_230 = tpu.memref_slice %arg6[%add3A_228, %dma_start3A_229] : memref<252x80xi32, #tpu.memory_space<vmem>> -> memref<1x80xi32, #tpu.memory_space<vmem>>
      %dma_start3A_231 = tpu.memref_squeeze %dma_start3A_230 : memref<1x80xi32, #tpu.memory_space<vmem>> -> memref<80xi32, #tpu.memory_space<vmem>>
      %dma_start3A_232 = arith.constant 0 : i32
      %dma_start3A_233 = arith.constant 0 : i32
      %dma_start3A_234 = tpu.memref_slice %arg2[%arg0, %dma_start3A_232, %dma_start3A_233] : memref<2x10008x64xf32, #tpu.memory_space<hbm>> -> memref<1x10008x64xf32, #tpu.memory_space<hbm>>
      %dma_start3A_235 = tpu.memref_squeeze %dma_start3A_234 : memref<1x10008x64xf32, #tpu.memory_space<hbm>> -> memref<10008x64xf32, #tpu.memory_space<hbm>>
      %dma_start3A_236 = arith.constant 0 : i32
      %dma_start3A_237 = arith.constant 0 : i32
      %dma_start3A_238 = tpu.memref_slice %dma_start3A_235[%dma_start3A_236, %dma_start3A_237] : memref<10008x64xf32, #tpu.memory_space<hbm>> -> memref<10008x64xf32, #tpu.memory_space<hbm>>
      tpu.enqueue_indirect_dma source(%dma_start3A_238 : memref<10008x64xf32, #tpu.memory_space<hbm>>) target(%arg10 : memref<80x64xf32, #tpu.memory_space<vmem>>) offsets(%dma_start3A_231 : memref<80xi32, #tpu.memory_space<vmem>>) semaphore(%arg14 : memref<!tpu.dma_semaphore, #tpu.memory_space<semaphore_mem>>)
      %add3A_239 = arith.constant 2 : i32
      %add3A_240 = arith.addi %mul3A_196, %add3A_239 : i32
      %add3A_241 = arith.constant 1 : i32
      %add3A_242 = arith.addi %add3A_240, %add3A_241 : i32
      %dma_start3A_243 = arith.constant 0 : i32
      %dma_start3A_244 = tpu.memref_slice %arg6[%add3A_242, %dma_start3A_243] : memref<252x80xi32, #tpu.memory_space<vmem>> -> memref<1x80xi32, #tpu.memory_space<vmem>>
      %dma_start3A_245 = tpu.memref_squeeze %dma_start3A_244 : memref<1x80xi32, #tpu.memory_space<vmem>> -> memref<80xi32, #tpu.memory_space<vmem>>
      %dma_start3A_246 = arith.constant 0 : i32
      %dma_start3A_247 = arith.constant 0 : i32
      %dma_start3A_248 = tpu.memref_slice %arg2[%arg0, %dma_start3A_246, %dma_start3A_247] : memref<2x10008x64xf32, #tpu.memory_space<hbm>> -> memref<1x10008x64xf32, #tpu.memory_space<hbm>>
      %dma_start3A_249 = tpu.memref_squeeze %dma_start3A_248 : memref<1x10008x64xf32, #tpu.memory_space<hbm>> -> memref<10008x64xf32, #tpu.memory_space<hbm>>
      %dma_start3A_250 = arith.constant 0 : i32
      %dma_start3A_251 = arith.constant 0 : i32
      %dma_start3A_252 = tpu.memref_slice %dma_start3A_249[%dma_start3A_250, %dma_start3A_251] : memref<10008x64xf32, #tpu.memory_space<hbm>> -> memref<10008x64xf32, #tpu.memory_space<hbm>>
      tpu.enqueue_indirect_dma source(%dma_start3A_252 : memref<10008x64xf32, #tpu.memory_space<hbm>>) target(%arg11 : memref<80x64xf32, #tpu.memory_space<vmem>>) offsets(%dma_start3A_245 : memref<80xi32, #tpu.memory_space<vmem>>) semaphore(%arg14 : memref<!tpu.dma_semaphore, #tpu.memory_space<semaphore_mem>>)
      %add3A_253 = arith.constant 0 : i32
      %add3A_254 = arith.addi %mul3A_196, %add3A_253 : i32
      %dma_start3A_255 = arith.constant 0 : i32
      %dma_start3A_256 = tpu.memref_slice %arg7[%add3A_254, %dma_start3A_255] : memref<252x80xi32, #tpu.memory_space<vmem>> -> memref<1x80xi32, #tpu.memory_space<vmem>>
      %dma_start3A_257 = tpu.memref_squeeze %dma_start3A_256 : memref<1x80xi32, #tpu.memory_space<vmem>> -> memref<80xi32, #tpu.memory_space<vmem>>
      %dma_start3A_258 = arith.constant 0 : i32
      %dma_start3A_259 = arith.constant 0 : i32
      %dma_start3A_260 = tpu.memref_slice %arg13[%dma_start3A_258, %dma_start3A_259] : memref<10008x64xf32, #tpu.memory_space<vmem_shared>> -> memref<10008x64xf32, #tpu.memory_space<vmem_shared>>
      tpu.enqueue_indirect_dma source(%arg8 : memref<80x64xf32, #tpu.memory_space<vmem>>) target(%dma_start3A_260 : memref<10008x64xf32, #tpu.memory_space<vmem_shared>>) offsets(%dma_start3A_257 : memref<80xi32, #tpu.memory_space<vmem>>) semaphore(%arg15 : memref<!tpu.dma_semaphore, #tpu.memory_space<semaphore_mem>>) {add = true}
      %add3A_261 = arith.constant 1 : i32
      %add3A_262 = arith.addi %mul3A_196, %add3A_261 : i32
      %dma_start3A_263 = arith.constant 0 : i32
      %dma_start3A_264 = tpu.memref_slice %arg7[%add3A_262, %dma_start3A_263] : memref<252x80xi32, #tpu.memory_space<vmem>> -> memref<1x80xi32, #tpu.memory_space<vmem>>
      %dma_start3A_265 = tpu.memref_squeeze %dma_start3A_264 : memref<1x80xi32, #tpu.memory_space<vmem>> -> memref<80xi32, #tpu.memory_space<vmem>>
      %dma_start3A_266 = arith.constant 0 : i32
      %dma_start3A_267 = arith.constant 0 : i32
      %dma_start3A_268 = tpu.memref_slice %arg13[%dma_start3A_266, %dma_start3A_267] : memref<10008x64xf32, #tpu.memory_space<vmem_shared>> -> memref<10008x64xf32, #tpu.memory_space<vmem_shared>>
      tpu.enqueue_indirect_dma source(%arg9 : memref<80x64xf32, #tpu.memory_space<vmem>>) target(%dma_start3A_268 : memref<10008x64xf32, #tpu.memory_space<vmem_shared>>) offsets(%dma_start3A_265 : memref<80xi32, #tpu.memory_space<vmem>>) semaphore(%arg15 : memref<!tpu.dma_semaphore, #tpu.memory_space<semaphore_mem>>) {add = true}
      %add3A_269 = arith.constant 1 : i32
      %add3A_270 = arith.addi %mul3A_194, %add3A_269 : i32
      %mul3A_271 = arith.constant 2 : i32
      %mul3A_272 = arith.muli %mul3A_271, %add3A_270 : i32
      %add3A_273 = arith.constant 0 : i32
      %add3A_274 = arith.addi %mul3A_272, %add3A_273 : i32
      %dma_wait3A_275 = arith.constant 0 : i32
      %dma_wait3A_276 = tpu.memref_slice %arg6[%add3A_274, %dma_wait3A_275] : memref<252x80xi32, #tpu.memory_space<vmem>> -> memref<1x80xi32, #tpu.memory_space<vmem>>
      %dma_wait3A_277 = tpu.memref_squeeze %dma_wait3A_276 : memref<1x80xi32, #tpu.memory_space<vmem>> -> memref<80xi32, #tpu.memory_space<vmem>>
      %dma_wait3A_278 = arith.constant 0 : i32
      %dma_wait3A_279 = arith.constant 0 : i32
      %dma_wait3A_280 = tpu.memref_slice %arg2[%arg0, %dma_wait3A_278, %dma_wait3A_279] : memref<2x10008x64xf32, #tpu.memory_space<hbm>> -> memref<1x10008x64xf32, #tpu.memory_space<hbm>>
      %dma_wait3A_281 = tpu.memref_squeeze %dma_wait3A_280 : memref<1x10008x64xf32, #tpu.memory_space<hbm>> -> memref<10008x64xf32, #tpu.memory_space<hbm>>
      %dma_wait3A_282 = arith.constant 0 : i32
      %dma_wait3A_283 = arith.constant 0 : i32
      %dma_wait3A_284 = tpu.memref_slice %dma_wait3A_281[%dma_wait3A_282, %dma_wait3A_283] : memref<10008x64xf32, #tpu.memory_space<hbm>> -> memref<10008x64xf32, #tpu.memory_space<hbm>>
      tpu.wait_indirect_dma semaphore(%arg14 : memref<!tpu.dma_semaphore, #tpu.memory_space<semaphore_mem>>) src(%dma_wait3A_284 : memref<10008x64xf32, #tpu.memory_space<hbm>>) dst(%arg10 : memref<80x64xf32, #tpu.memory_space<vmem>>)
      %add3A_285 = arith.constant 1 : i32
      %add3A_286 = arith.addi %mul3A_272, %add3A_285 : i32
      %dma_wait3A_287 = arith.constant 0 : i32
      %dma_wait3A_288 = tpu.memref_slice %arg6[%add3A_286, %dma_wait3A_287] : memref<252x80xi32, #tpu.memory_space<vmem>> -> memref<1x80xi32, #tpu.memory_space<vmem>>
      %dma_wait3A_289 = tpu.memref_squeeze %dma_wait3A_288 : memref<1x80xi32, #tpu.memory_space<vmem>> -> memref<80xi32, #tpu.memory_space<vmem>>
      %dma_wait3A_290 = arith.constant 0 : i32
      %dma_wait3A_291 = arith.constant 0 : i32
      %dma_wait3A_292 = tpu.memref_slice %arg2[%arg0, %dma_wait3A_290, %dma_wait3A_291] : memref<2x10008x64xf32, #tpu.memory_space<hbm>> -> memref<1x10008x64xf32, #tpu.memory_space<hbm>>
      %dma_wait3A_293 = tpu.memref_squeeze %dma_wait3A_292 : memref<1x10008x64xf32, #tpu.memory_space<hbm>> -> memref<10008x64xf32, #tpu.memory_space<hbm>>
      %dma_wait3A_294 = arith.constant 0 : i32
      %dma_wait3A_295 = arith.constant 0 : i32
      %dma_wait3A_296 = tpu.memref_slice %dma_wait3A_293[%dma_wait3A_294, %dma_wait3A_295] : memref<10008x64xf32, #tpu.memory_space<hbm>> -> memref<10008x64xf32, #tpu.memory_space<hbm>>
      tpu.wait_indirect_dma semaphore(%arg14 : memref<!tpu.dma_semaphore, #tpu.memory_space<semaphore_mem>>) src(%dma_wait3A_296 : memref<10008x64xf32, #tpu.memory_space<hbm>>) dst(%arg11 : memref<80x64xf32, #tpu.memory_space<vmem>>)
      %gt3A_297 = arith.constant 0 : i32
      %gt3A_298 = arith.cmpi sgt, %add3A_270, %gt3A_297 : i32
      %convert_element_type3A_299 = arith.extui %gt3A_298 : i1 to i32
      %cond3A_300 = arith.constant 0 : i32
      %cond3A_301 = arith.cmpi ne, %convert_element_type3A_299, %cond3A_300 : i32
      scf.if %cond3A_301 {
        %dma_wait3A_346 = arith.constant 0 : i32
        %dma_wait3A_347 = tpu.memref_slice %arg7[%mul3A_272, %dma_wait3A_346] : memref<252x80xi32, #tpu.memory_space<vmem>> -> memref<1x80xi32, #tpu.memory_space<vmem>>
        %dma_wait3A_348 = tpu.memref_squeeze %dma_wait3A_347 : memref<1x80xi32, #tpu.memory_space<vmem>> -> memref<80xi32, #tpu.memory_space<vmem>>
        %dma_wait3A_349 = arith.constant 0 : i32
        %dma_wait3A_350 = arith.constant 0 : i32
        %dma_wait3A_351 = tpu.memref_slice %arg13[%dma_wait3A_349, %dma_wait3A_350] : memref<10008x64xf32, #tpu.memory_space<vmem_shared>> -> memref<10008x64xf32, #tpu.memory_space<vmem_shared>>
        tpu.wait_indirect_dma semaphore(%arg15 : memref<!tpu.dma_semaphore, #tpu.memory_space<semaphore_mem>>) src(%arg8 : memref<80x64xf32, #tpu.memory_space<vmem>>) dst(%dma_wait3A_351 : memref<10008x64xf32, #tpu.memory_space<vmem_shared>>)
        %dma_wait3A_352 = arith.constant 0 : i32
        %dma_wait3A_353 = tpu.memref_slice %arg7[%mul3A_272, %dma_wait3A_352] : memref<252x80xi32, #tpu.memory_space<vmem>> -> memref<1x80xi32, #tpu.memory_space<vmem>>
        %dma_wait3A_354 = tpu.memref_squeeze %dma_wait3A_353 : memref<1x80xi32, #tpu.memory_space<vmem>> -> memref<80xi32, #tpu.memory_space<vmem>>
        %dma_wait3A_355 = arith.constant 0 : i32
        %dma_wait3A_356 = arith.constant 0 : i32
        %dma_wait3A_357 = tpu.memref_slice %arg13[%dma_wait3A_355, %dma_wait3A_356] : memref<10008x64xf32, #tpu.memory_space<vmem_shared>> -> memref<10008x64xf32, #tpu.memory_space<vmem_shared>>
        tpu.wait_indirect_dma semaphore(%arg15 : memref<!tpu.dma_semaphore, #tpu.memory_space<semaphore_mem>>) src(%arg9 : memref<80x64xf32, #tpu.memory_space<vmem>>) dst(%dma_wait3A_357 : memref<10008x64xf32, #tpu.memory_space<vmem_shared>>)
      } else {
      }
      %add3A_302 = arith.constant 2 : i32
      %add3A_303 = arith.addi %mul3A_272, %add3A_302 : i32
      %add3A_304 = arith.constant 0 : i32
      %add3A_305 = arith.addi %add3A_303, %add3A_304 : i32
      %dma_start3A_306 = arith.constant 0 : i32
      %dma_start3A_307 = tpu.memref_slice %arg6[%add3A_305, %dma_start3A_306] : memref<252x80xi32, #tpu.memory_space<vmem>> -> memref<1x80xi32, #tpu.memory_space<vmem>>
      %dma_start3A_308 = tpu.memref_squeeze %dma_start3A_307 : memref<1x80xi32, #tpu.memory_space<vmem>> -> memref<80xi32, #tpu.memory_space<vmem>>
      %dma_start3A_309 = arith.constant 0 : i32
      %dma_start3A_310 = arith.constant 0 : i32
      %dma_start3A_311 = tpu.memref_slice %arg2[%arg0, %dma_start3A_309, %dma_start3A_310] : memref<2x10008x64xf32, #tpu.memory_space<hbm>> -> memref<1x10008x64xf32, #tpu.memory_space<hbm>>
      %dma_start3A_312 = tpu.memref_squeeze %dma_start3A_311 : memref<1x10008x64xf32, #tpu.memory_space<hbm>> -> memref<10008x64xf32, #tpu.memory_space<hbm>>
      %dma_start3A_313 = arith.constant 0 : i32
      %dma_start3A_314 = arith.constant 0 : i32
      %dma_start3A_315 = tpu.memref_slice %dma_start3A_312[%dma_start3A_313, %dma_start3A_314] : memref<10008x64xf32, #tpu.memory_space<hbm>> -> memref<10008x64xf32, #tpu.memory_space<hbm>>
      tpu.enqueue_indirect_dma source(%dma_start3A_315 : memref<10008x64xf32, #tpu.memory_space<hbm>>) target(%arg8 : memref<80x64xf32, #tpu.memory_space<vmem>>) offsets(%dma_start3A_308 : memref<80xi32, #tpu.memory_space<vmem>>) semaphore(%arg14 : memref<!tpu.dma_semaphore, #tpu.memory_space<semaphore_mem>>)
      %add3A_316 = arith.constant 2 : i32
      %add3A_317 = arith.addi %mul3A_272, %add3A_316 : i32
      %add3A_318 = arith.constant 1 : i32
      %add3A_319 = arith.addi %add3A_317, %add3A_318 : i32
      %dma_start3A_320 = arith.constant 0 : i32
      %dma_start3A_321 = tpu.memref_slice %arg6[%add3A_319, %dma_start3A_320] : memref<252x80xi32, #tpu.memory_space<vmem>> -> memref<1x80xi32, #tpu.memory_space<vmem>>
      %dma_start3A_322 = tpu.memref_squeeze %dma_start3A_321 : memref<1x80xi32, #tpu.memory_space<vmem>> -> memref<80xi32, #tpu.memory_space<vmem>>
      %dma_start3A_323 = arith.constant 0 : i32
      %dma_start3A_324 = arith.constant 0 : i32
      %dma_start3A_325 = tpu.memref_slice %arg2[%arg0, %dma_start3A_323, %dma_start3A_324] : memref<2x10008x64xf32, #tpu.memory_space<hbm>> -> memref<1x10008x64xf32, #tpu.memory_space<hbm>>
      %dma_start3A_326 = tpu.memref_squeeze %dma_start3A_325 : memref<1x10008x64xf32, #tpu.memory_space<hbm>> -> memref<10008x64xf32, #tpu.memory_space<hbm>>
      %dma_start3A_327 = arith.constant 0 : i32
      %dma_start3A_328 = arith.constant 0 : i32
      %dma_start3A_329 = tpu.memref_slice %dma_start3A_326[%dma_start3A_327, %dma_start3A_328] : memref<10008x64xf32, #tpu.memory_space<hbm>> -> memref<10008x64xf32, #tpu.memory_space<hbm>>
      tpu.enqueue_indirect_dma source(%dma_start3A_329 : memref<10008x64xf32, #tpu.memory_space<hbm>>) target(%arg9 : memref<80x64xf32, #tpu.memory_space<vmem>>) offsets(%dma_start3A_322 : memref<80xi32, #tpu.memory_space<vmem>>) semaphore(%arg14 : memref<!tpu.dma_semaphore, #tpu.memory_space<semaphore_mem>>)
      %add3A_330 = arith.constant 0 : i32
      %add3A_331 = arith.addi %mul3A_272, %add3A_330 : i32
      %dma_start3A_332 = arith.constant 0 : i32
      %dma_start3A_333 = tpu.memref_slice %arg7[%add3A_331, %dma_start3A_332] : memref<252x80xi32, #tpu.memory_space<vmem>> -> memref<1x80xi32, #tpu.memory_space<vmem>>
      %dma_start3A_334 = tpu.memref_squeeze %dma_start3A_333 : memref<1x80xi32, #tpu.memory_space<vmem>> -> memref<80xi32, #tpu.memory_space<vmem>>
      %dma_start3A_335 = arith.constant 0 : i32
      %dma_start3A_336 = arith.constant 0 : i32
      %dma_start3A_337 = tpu.memref_slice %arg13[%dma_start3A_335, %dma_start3A_336] : memref<10008x64xf32, #tpu.memory_space<vmem_shared>> -> memref<10008x64xf32, #tpu.memory_space<vmem_shared>>
      tpu.enqueue_indirect_dma source(%arg10 : memref<80x64xf32, #tpu.memory_space<vmem>>) target(%dma_start3A_337 : memref<10008x64xf32, #tpu.memory_space<vmem_shared>>) offsets(%dma_start3A_334 : memref<80xi32, #tpu.memory_space<vmem>>) semaphore(%arg15 : memref<!tpu.dma_semaphore, #tpu.memory_space<semaphore_mem>>) {add = true}
      %add3A_338 = arith.constant 1 : i32
      %add3A_339 = arith.addi %mul3A_272, %add3A_338 : i32
      %dma_start3A_340 = arith.constant 0 : i32
      %dma_start3A_341 = tpu.memref_slice %arg7[%add3A_339, %dma_start3A_340] : memref<252x80xi32, #tpu.memory_space<vmem>> -> memref<1x80xi32, #tpu.memory_space<vmem>>
      %dma_start3A_342 = tpu.memref_squeeze %dma_start3A_341 : memref<1x80xi32, #tpu.memory_space<vmem>> -> memref<80xi32, #tpu.memory_space<vmem>>
      %dma_start3A_343 = arith.constant 0 : i32
      %dma_start3A_344 = arith.constant 0 : i32
      %dma_start3A_345 = tpu.memref_slice %arg13[%dma_start3A_343, %dma_start3A_344] : memref<10008x64xf32, #tpu.memory_space<vmem_shared>> -> memref<10008x64xf32, #tpu.memory_space<vmem_shared>>
      tpu.enqueue_indirect_dma source(%arg11 : memref<80x64xf32, #tpu.memory_space<vmem>>) target(%dma_start3A_345 : memref<10008x64xf32, #tpu.memory_space<vmem_shared>>) offsets(%dma_start3A_342 : memref<80xi32, #tpu.memory_space<vmem>>) semaphore(%arg15 : memref<!tpu.dma_semaphore, #tpu.memory_space<semaphore_mem>>) {add = true}
    }
    %scan3A_46 = arith.constant 62 : i32
    %dma_wait3A = arith.constant 248 : i32
    %dma_wait3A_47 = arith.constant 0 : i32
    %dma_wait3A_48 = tpu.memref_slice %arg6[%dma_wait3A, %dma_wait3A_47] : memref<252x80xi32, #tpu.memory_space<vmem>> -> memref<1x80xi32, #tpu.memory_space<vmem>>
    %dma_wait3A_49 = tpu.memref_squeeze %dma_wait3A_48 : memref<1x80xi32, #tpu.memory_space<vmem>> -> memref<80xi32, #tpu.memory_space<vmem>>
    %dma_wait3A_50 = arith.constant 0 : i32
    %dma_wait3A_51 = arith.constant 0 : i32
    %dma_wait3A_52 = tpu.memref_slice %arg2[%arg0, %dma_wait3A_50, %dma_wait3A_51] : memref<2x10008x64xf32, #tpu.memory_space<hbm>> -> memref<1x10008x64xf32, #tpu.memory_space<hbm>>
    %dma_wait3A_53 = tpu.memref_squeeze %dma_wait3A_52 : memref<1x10008x64xf32, #tpu.memory_space<hbm>> -> memref<10008x64xf32, #tpu.memory_space<hbm>>
    %dma_wait3A_54 = arith.constant 0 : i32
    %dma_wait3A_55 = arith.constant 0 : i32
    %dma_wait3A_56 = tpu.memref_slice %dma_wait3A_53[%dma_wait3A_54, %dma_wait3A_55] : memref<10008x64xf32, #tpu.memory_space<hbm>> -> memref<10008x64xf32, #tpu.memory_space<hbm>>
    tpu.wait_indirect_dma semaphore(%arg14 : memref<!tpu.dma_semaphore, #tpu.memory_space<semaphore_mem>>) src(%dma_wait3A_56 : memref<10008x64xf32, #tpu.memory_space<hbm>>) dst(%arg8 : memref<80x64xf32, #tpu.memory_space<vmem>>)
    %dma_wait3A_57 = arith.constant 249 : i32
    %dma_wait3A_58 = arith.constant 0 : i32
    %dma_wait3A_59 = tpu.memref_slice %arg6[%dma_wait3A_57, %dma_wait3A_58] : memref<252x80xi32, #tpu.memory_space<vmem>> -> memref<1x80xi32, #tpu.memory_space<vmem>>
    %dma_wait3A_60 = tpu.memref_squeeze %dma_wait3A_59 : memref<1x80xi32, #tpu.memory_space<vmem>> -> memref<80xi32, #tpu.memory_space<vmem>>
    %dma_wait3A_61 = arith.constant 0 : i32
    %dma_wait3A_62 = arith.constant 0 : i32
    %dma_wait3A_63 = tpu.memref_slice %arg2[%arg0, %dma_wait3A_61, %dma_wait3A_62] : memref<2x10008x64xf32, #tpu.memory_space<hbm>> -> memref<1x10008x64xf32, #tpu.memory_space<hbm>>
    %dma_wait3A_64 = tpu.memref_squeeze %dma_wait3A_63 : memref<1x10008x64xf32, #tpu.memory_space<hbm>> -> memref<10008x64xf32, #tpu.memory_space<hbm>>
    %dma_wait3A_65 = arith.constant 0 : i32
    %dma_wait3A_66 = arith.constant 0 : i32
    %dma_wait3A_67 = tpu.memref_slice %dma_wait3A_64[%dma_wait3A_65, %dma_wait3A_66] : memref<10008x64xf32, #tpu.memory_space<hbm>> -> memref<10008x64xf32, #tpu.memory_space<hbm>>
    tpu.wait_indirect_dma semaphore(%arg14 : memref<!tpu.dma_semaphore, #tpu.memory_space<semaphore_mem>>) src(%dma_wait3A_67 : memref<10008x64xf32, #tpu.memory_space<hbm>>) dst(%arg9 : memref<80x64xf32, #tpu.memory_space<vmem>>)
    %dma_wait3A_68 = arith.constant 248 : i32
    %dma_wait3A_69 = arith.constant 0 : i32
    %dma_wait3A_70 = tpu.memref_slice %arg7[%dma_wait3A_68, %dma_wait3A_69] : memref<252x80xi32, #tpu.memory_space<vmem>> -> memref<1x80xi32, #tpu.memory_space<vmem>>
    %dma_wait3A_71 = tpu.memref_squeeze %dma_wait3A_70 : memref<1x80xi32, #tpu.memory_space<vmem>> -> memref<80xi32, #tpu.memory_space<vmem>>
    %dma_wait3A_72 = arith.constant 0 : i32
    %dma_wait3A_73 = arith.constant 0 : i32
    %dma_wait3A_74 = tpu.memref_slice %arg13[%dma_wait3A_72, %dma_wait3A_73] : memref<10008x64xf32, #tpu.memory_space<vmem_shared>> -> memref<10008x64xf32, #tpu.memory_space<vmem_shared>>
    tpu.wait_indirect_dma semaphore(%arg15 : memref<!tpu.dma_semaphore, #tpu.memory_space<semaphore_mem>>) src(%arg10 : memref<80x64xf32, #tpu.memory_space<vmem>>) dst(%dma_wait3A_74 : memref<10008x64xf32, #tpu.memory_space<vmem_shared>>)
    %dma_wait3A_75 = arith.constant 248 : i32
    %dma_wait3A_76 = arith.constant 0 : i32
    %dma_wait3A_77 = tpu.memref_slice %arg7[%dma_wait3A_75, %dma_wait3A_76] : memref<252x80xi32, #tpu.memory_space<vmem>> -> memref<1x80xi32, #tpu.memory_space<vmem>>
    %dma_wait3A_78 = tpu.memref_squeeze %dma_wait3A_77 : memref<1x80xi32, #tpu.memory_space<vmem>> -> memref<80xi32, #tpu.memory_space<vmem>>
    %dma_wait3A_79 = arith.constant 0 : i32
    %dma_wait3A_80 = arith.constant 0 : i32
    %dma_wait3A_81 = tpu.memref_slice %arg13[%dma_wait3A_79, %dma_wait3A_80] : memref<10008x64xf32, #tpu.memory_space<vmem_shared>> -> memref<10008x64xf32, #tpu.memory_space<vmem_shared>>
    tpu.wait_indirect_dma semaphore(%arg15 : memref<!tpu.dma_semaphore, #tpu.memory_space<semaphore_mem>>) src(%arg11 : memref<80x64xf32, #tpu.memory_space<vmem>>) dst(%dma_wait3A_81 : memref<10008x64xf32, #tpu.memory_space<vmem_shared>>)
    %dma_start3A_82 = arith.constant 250 : i32
    %dma_start3A_83 = arith.constant 0 : i32
    %dma_start3A_84 = tpu.memref_slice %arg6[%dma_start3A_82, %dma_start3A_83] : memref<252x80xi32, #tpu.memory_space<vmem>> -> memref<1x80xi32, #tpu.memory_space<vmem>>
    %dma_start3A_85 = tpu.memref_squeeze %dma_start3A_84 : memref<1x80xi32, #tpu.memory_space<vmem>> -> memref<80xi32, #tpu.memory_space<vmem>>
    %dma_start3A_86 = arith.constant 0 : i32
    %dma_start3A_87 = arith.constant 0 : i32
    %dma_start3A_88 = tpu.memref_slice %arg2[%arg0, %dma_start3A_86, %dma_start3A_87] : memref<2x10008x64xf32, #tpu.memory_space<hbm>> -> memref<1x10008x64xf32, #tpu.memory_space<hbm>>
    %dma_start3A_89 = tpu.memref_squeeze %dma_start3A_88 : memref<1x10008x64xf32, #tpu.memory_space<hbm>> -> memref<10008x64xf32, #tpu.memory_space<hbm>>
    %dma_start3A_90 = arith.constant 0 : i32
    %dma_start3A_91 = arith.constant 0 : i32
    %dma_start3A_92 = tpu.memref_slice %dma_start3A_89[%dma_start3A_90, %dma_start3A_91] : memref<10008x64xf32, #tpu.memory_space<hbm>> -> memref<10008x64xf32, #tpu.memory_space<hbm>>
    tpu.enqueue_indirect_dma source(%dma_start3A_92 : memref<10008x64xf32, #tpu.memory_space<hbm>>) target(%arg10 : memref<80x64xf32, #tpu.memory_space<vmem>>) offsets(%dma_start3A_85 : memref<80xi32, #tpu.memory_space<vmem>>) semaphore(%arg14 : memref<!tpu.dma_semaphore, #tpu.memory_space<semaphore_mem>>)
    %dma_start3A_93 = arith.constant 251 : i32
    %dma_start3A_94 = arith.constant 0 : i32
    %dma_start3A_95 = tpu.memref_slice %arg6[%dma_start3A_93, %dma_start3A_94] : memref<252x80xi32, #tpu.memory_space<vmem>> -> memref<1x80xi32, #tpu.memory_space<vmem>>
    %dma_start3A_96 = tpu.memref_squeeze %dma_start3A_95 : memref<1x80xi32, #tpu.memory_space<vmem>> -> memref<80xi32, #tpu.memory_space<vmem>>
    %dma_start3A_97 = arith.constant 0 : i32
    %dma_start3A_98 = arith.constant 0 : i32
    %dma_start3A_99 = tpu.memref_slice %arg2[%arg0, %dma_start3A_97, %dma_start3A_98] : memref<2x10008x64xf32, #tpu.memory_space<hbm>> -> memref<1x10008x64xf32, #tpu.memory_space<hbm>>
    %dma_start3A_100 = tpu.memref_squeeze %dma_start3A_99 : memref<1x10008x64xf32, #tpu.memory_space<hbm>> -> memref<10008x64xf32, #tpu.memory_space<hbm>>
    %dma_start3A_101 = arith.constant 0 : i32
    %dma_start3A_102 = arith.constant 0 : i32
    %dma_start3A_103 = tpu.memref_slice %dma_start3A_100[%dma_start3A_101, %dma_start3A_102] : memref<10008x64xf32, #tpu.memory_space<hbm>> -> memref<10008x64xf32, #tpu.memory_space<hbm>>
    tpu.enqueue_indirect_dma source(%dma_start3A_103 : memref<10008x64xf32, #tpu.memory_space<hbm>>) target(%arg11 : memref<80x64xf32, #tpu.memory_space<vmem>>) offsets(%dma_start3A_96 : memref<80xi32, #tpu.memory_space<vmem>>) semaphore(%arg14 : memref<!tpu.dma_semaphore, #tpu.memory_space<semaphore_mem>>)
    %dma_start3A_104 = arith.constant 248 : i32
    %dma_start3A_105 = arith.constant 0 : i32
    %dma_start3A_106 = tpu.memref_slice %arg7[%dma_start3A_104, %dma_start3A_105] : memref<252x80xi32, #tpu.memory_space<vmem>> -> memref<1x80xi32, #tpu.memory_space<vmem>>
    %dma_start3A_107 = tpu.memref_squeeze %dma_start3A_106 : memref<1x80xi32, #tpu.memory_space<vmem>> -> memref<80xi32, #tpu.memory_space<vmem>>
    %dma_start3A_108 = arith.constant 0 : i32
    %dma_start3A_109 = arith.constant 0 : i32
    %dma_start3A_110 = tpu.memref_slice %arg13[%dma_start3A_108, %dma_start3A_109] : memref<10008x64xf32, #tpu.memory_space<vmem_shared>> -> memref<10008x64xf32, #tpu.memory_space<vmem_shared>>
    tpu.enqueue_indirect_dma source(%arg8 : memref<80x64xf32, #tpu.memory_space<vmem>>) target(%dma_start3A_110 : memref<10008x64xf32, #tpu.memory_space<vmem_shared>>) offsets(%dma_start3A_107 : memref<80xi32, #tpu.memory_space<vmem>>) semaphore(%arg15 : memref<!tpu.dma_semaphore, #tpu.memory_space<semaphore_mem>>) {add = true}
    %dma_start3A_111 = arith.constant 249 : i32
    %dma_start3A_112 = arith.constant 0 : i32
    %dma_start3A_113 = tpu.memref_slice %arg7[%dma_start3A_111, %dma_start3A_112] : memref<252x80xi32, #tpu.memory_space<vmem>> -> memref<1x80xi32, #tpu.memory_space<vmem>>
    %dma_start3A_114 = tpu.memref_squeeze %dma_start3A_113 : memref<1x80xi32, #tpu.memory_space<vmem>> -> memref<80xi32, #tpu.memory_space<vmem>>
    %dma_start3A_115 = arith.constant 0 : i32
    %dma_start3A_116 = arith.constant 0 : i32
    %dma_start3A_117 = tpu.memref_slice %arg13[%dma_start3A_115, %dma_start3A_116] : memref<10008x64xf32, #tpu.memory_space<vmem_shared>> -> memref<10008x64xf32, #tpu.memory_space<vmem_shared>>
    tpu.enqueue_indirect_dma source(%arg9 : memref<80x64xf32, #tpu.memory_space<vmem>>) target(%dma_start3A_117 : memref<10008x64xf32, #tpu.memory_space<vmem_shared>>) offsets(%dma_start3A_114 : memref<80xi32, #tpu.memory_space<vmem>>) semaphore(%arg15 : memref<!tpu.dma_semaphore, #tpu.memory_space<semaphore_mem>>) {add = true}
    %dma_wait3A_118 = arith.constant 250 : i32
    %dma_wait3A_119 = arith.constant 0 : i32
    %dma_wait3A_120 = tpu.memref_slice %arg6[%dma_wait3A_118, %dma_wait3A_119] : memref<252x80xi32, #tpu.memory_space<vmem>> -> memref<1x80xi32, #tpu.memory_space<vmem>>
    %dma_wait3A_121 = tpu.memref_squeeze %dma_wait3A_120 : memref<1x80xi32, #tpu.memory_space<vmem>> -> memref<80xi32, #tpu.memory_space<vmem>>
    %dma_wait3A_122 = arith.constant 0 : i32
    %dma_wait3A_123 = arith.constant 0 : i32
    %dma_wait3A_124 = tpu.memref_slice %arg2[%arg0, %dma_wait3A_122, %dma_wait3A_123] : memref<2x10008x64xf32, #tpu.memory_space<hbm>> -> memref<1x10008x64xf32, #tpu.memory_space<hbm>>
    %dma_wait3A_125 = tpu.memref_squeeze %dma_wait3A_124 : memref<1x10008x64xf32, #tpu.memory_space<hbm>> -> memref<10008x64xf32, #tpu.memory_space<hbm>>
    %dma_wait3A_126 = arith.constant 0 : i32
    %dma_wait3A_127 = arith.constant 0 : i32
    %dma_wait3A_128 = tpu.memref_slice %dma_wait3A_125[%dma_wait3A_126, %dma_wait3A_127] : memref<10008x64xf32, #tpu.memory_space<hbm>> -> memref<10008x64xf32, #tpu.memory_space<hbm>>
    tpu.wait_indirect_dma semaphore(%arg14 : memref<!tpu.dma_semaphore, #tpu.memory_space<semaphore_mem>>) src(%dma_wait3A_128 : memref<10008x64xf32, #tpu.memory_space<hbm>>) dst(%arg10 : memref<80x64xf32, #tpu.memory_space<vmem>>)
    %dma_wait3A_129 = arith.constant 251 : i32
    %dma_wait3A_130 = arith.constant 0 : i32
    %dma_wait3A_131 = tpu.memref_slice %arg6[%dma_wait3A_129, %dma_wait3A_130] : memref<252x80xi32, #tpu.memory_space<vmem>> -> memref<1x80xi32, #tpu.memory_space<vmem>>
    %dma_wait3A_132 = tpu.memref_squeeze %dma_wait3A_131 : memref<1x80xi32, #tpu.memory_space<vmem>> -> memref<80xi32, #tpu.memory_space<vmem>>
    %dma_wait3A_133 = arith.constant 0 : i32
    %dma_wait3A_134 = arith.constant 0 : i32
    %dma_wait3A_135 = tpu.memref_slice %arg2[%arg0, %dma_wait3A_133, %dma_wait3A_134] : memref<2x10008x64xf32, #tpu.memory_space<hbm>> -> memref<1x10008x64xf32, #tpu.memory_space<hbm>>
    %dma_wait3A_136 = tpu.memref_squeeze %dma_wait3A_135 : memref<1x10008x64xf32, #tpu.memory_space<hbm>> -> memref<10008x64xf32, #tpu.memory_space<hbm>>
    %dma_wait3A_137 = arith.constant 0 : i32
    %dma_wait3A_138 = arith.constant 0 : i32
    %dma_wait3A_139 = tpu.memref_slice %dma_wait3A_136[%dma_wait3A_137, %dma_wait3A_138] : memref<10008x64xf32, #tpu.memory_space<hbm>> -> memref<10008x64xf32, #tpu.memory_space<hbm>>
    tpu.wait_indirect_dma semaphore(%arg14 : memref<!tpu.dma_semaphore, #tpu.memory_space<semaphore_mem>>) src(%dma_wait3A_139 : memref<10008x64xf32, #tpu.memory_space<hbm>>) dst(%arg11 : memref<80x64xf32, #tpu.memory_space<vmem>>)
    %dma_wait3A_140 = arith.constant 250 : i32
    %dma_wait3A_141 = arith.constant 0 : i32
    %dma_wait3A_142 = tpu.memref_slice %arg7[%dma_wait3A_140, %dma_wait3A_141] : memref<252x80xi32, #tpu.memory_space<vmem>> -> memref<1x80xi32, #tpu.memory_space<vmem>>
    %dma_wait3A_143 = tpu.memref_squeeze %dma_wait3A_142 : memref<1x80xi32, #tpu.memory_space<vmem>> -> memref<80xi32, #tpu.memory_space<vmem>>
    %dma_wait3A_144 = arith.constant 0 : i32
    %dma_wait3A_145 = arith.constant 0 : i32
    %dma_wait3A_146 = tpu.memref_slice %arg13[%dma_wait3A_144, %dma_wait3A_145] : memref<10008x64xf32, #tpu.memory_space<vmem_shared>> -> memref<10008x64xf32, #tpu.memory_space<vmem_shared>>
    tpu.wait_indirect_dma semaphore(%arg15 : memref<!tpu.dma_semaphore, #tpu.memory_space<semaphore_mem>>) src(%arg8 : memref<80x64xf32, #tpu.memory_space<vmem>>) dst(%dma_wait3A_146 : memref<10008x64xf32, #tpu.memory_space<vmem_shared>>)
    %dma_wait3A_147 = arith.constant 250 : i32
    %dma_wait3A_148 = arith.constant 0 : i32
    %dma_wait3A_149 = tpu.memref_slice %arg7[%dma_wait3A_147, %dma_wait3A_148] : memref<252x80xi32, #tpu.memory_space<vmem>> -> memref<1x80xi32, #tpu.memory_space<vmem>>
    %dma_wait3A_150 = tpu.memref_squeeze %dma_wait3A_149 : memref<1x80xi32, #tpu.memory_space<vmem>> -> memref<80xi32, #tpu.memory_space<vmem>>
    %dma_wait3A_151 = arith.constant 0 : i32
    %dma_wait3A_152 = arith.constant 0 : i32
    %dma_wait3A_153 = tpu.memref_slice %arg13[%dma_wait3A_151, %dma_wait3A_152] : memref<10008x64xf32, #tpu.memory_space<vmem_shared>> -> memref<10008x64xf32, #tpu.memory_space<vmem_shared>>
    tpu.wait_indirect_dma semaphore(%arg15 : memref<!tpu.dma_semaphore, #tpu.memory_space<semaphore_mem>>) src(%arg9 : memref<80x64xf32, #tpu.memory_space<vmem>>) dst(%dma_wait3A_153 : memref<10008x64xf32, #tpu.memory_space<vmem_shared>>)
    %dma_start3A_154 = arith.constant 250 : i32
    %dma_start3A_155 = arith.constant 0 : i32
    %dma_start3A_156 = tpu.memref_slice %arg7[%dma_start3A_154, %dma_start3A_155] : memref<252x80xi32, #tpu.memory_space<vmem>> -> memref<1x80xi32, #tpu.memory_space<vmem>>
    %dma_start3A_157 = tpu.memref_squeeze %dma_start3A_156 : memref<1x80xi32, #tpu.memory_space<vmem>> -> memref<80xi32, #tpu.memory_space<vmem>>
    %dma_start3A_158 = arith.constant 0 : i32
    %dma_start3A_159 = arith.constant 0 : i32
    %dma_start3A_160 = tpu.memref_slice %arg13[%dma_start3A_158, %dma_start3A_159] : memref<10008x64xf32, #tpu.memory_space<vmem_shared>> -> memref<10008x64xf32, #tpu.memory_space<vmem_shared>>
    tpu.enqueue_indirect_dma source(%arg10 : memref<80x64xf32, #tpu.memory_space<vmem>>) target(%dma_start3A_160 : memref<10008x64xf32, #tpu.memory_space<vmem_shared>>) offsets(%dma_start3A_157 : memref<80xi32, #tpu.memory_space<vmem>>) semaphore(%arg15 : memref<!tpu.dma_semaphore, #tpu.memory_space<semaphore_mem>>) {add = true}
    %dma_start3A_161 = arith.constant 251 : i32
    %dma_start3A_162 = arith.constant 0 : i32
    %dma_start3A_163 = tpu.memref_slice %arg7[%dma_start3A_161, %dma_start3A_162] : memref<252x80xi32, #tpu.memory_space<vmem>> -> memref<1x80xi32, #tpu.memory_space<vmem>>
    %dma_start3A_164 = tpu.memref_squeeze %dma_start3A_163 : memref<1x80xi32, #tpu.memory_space<vmem>> -> memref<80xi32, #tpu.memory_space<vmem>>
    %dma_start3A_165 = arith.constant 0 : i32
    %dma_start3A_166 = arith.constant 0 : i32
    %dma_start3A_167 = tpu.memref_slice %arg13[%dma_start3A_165, %dma_start3A_166] : memref<10008x64xf32, #tpu.memory_space<vmem_shared>> -> memref<10008x64xf32, #tpu.memory_space<vmem_shared>>
    tpu.enqueue_indirect_dma source(%arg11 : memref<80x64xf32, #tpu.memory_space<vmem>>) target(%dma_start3A_167 : memref<10008x64xf32, #tpu.memory_space<vmem_shared>>) offsets(%dma_start3A_164 : memref<80xi32, #tpu.memory_space<vmem>>) semaphore(%arg15 : memref<!tpu.dma_semaphore, #tpu.memory_space<semaphore_mem>>) {add = true}
    %dma_wait3A_168 = arith.constant 0 : i32
    %dma_wait3A_169 = arith.constant 0 : i32
    %dma_wait3A_170 = tpu.memref_slice %arg7[%dma_wait3A_168, %dma_wait3A_169] : memref<252x80xi32, #tpu.memory_space<vmem>> -> memref<1x80xi32, #tpu.memory_space<vmem>>
    %dma_wait3A_171 = tpu.memref_squeeze %dma_wait3A_170 : memref<1x80xi32, #tpu.memory_space<vmem>> -> memref<80xi32, #tpu.memory_space<vmem>>
    %dma_wait3A_172 = arith.constant 0 : i32
    %dma_wait3A_173 = arith.constant 0 : i32
    %dma_wait3A_174 = tpu.memref_slice %arg13[%dma_wait3A_172, %dma_wait3A_173] : memref<10008x64xf32, #tpu.memory_space<vmem_shared>> -> memref<10008x64xf32, #tpu.memory_space<vmem_shared>>
    tpu.wait_indirect_dma semaphore(%arg15 : memref<!tpu.dma_semaphore, #tpu.memory_space<semaphore_mem>>) src(%arg10 : memref<80x64xf32, #tpu.memory_space<vmem>>) dst(%dma_wait3A_174 : memref<10008x64xf32, #tpu.memory_space<vmem_shared>>)
    %dma_wait3A_175 = arith.constant 0 : i32
    %dma_wait3A_176 = arith.constant 0 : i32
    %dma_wait3A_177 = tpu.memref_slice %arg7[%dma_wait3A_175, %dma_wait3A_176] : memref<252x80xi32, #tpu.memory_space<vmem>> -> memref<1x80xi32, #tpu.memory_space<vmem>>
    %dma_wait3A_178 = tpu.memref_squeeze %dma_wait3A_177 : memref<1x80xi32, #tpu.memory_space<vmem>> -> memref<80xi32, #tpu.memory_space<vmem>>
    %dma_wait3A_179 = arith.constant 0 : i32
    %dma_wait3A_180 = arith.constant 0 : i32
    %dma_wait3A_181 = tpu.memref_slice %arg13[%dma_wait3A_179, %dma_wait3A_180] : memref<10008x64xf32, #tpu.memory_space<vmem_shared>> -> memref<10008x64xf32, #tpu.memory_space<vmem_shared>>
    tpu.wait_indirect_dma semaphore(%arg15 : memref<!tpu.dma_semaphore, #tpu.memory_space<semaphore_mem>>) src(%arg11 : memref<80x64xf32, #tpu.memory_space<vmem>>) dst(%dma_wait3A_181 : memref<10008x64xf32, #tpu.memory_space<vmem_shared>>)
    %barrier3A_182 = arith.constant 0 : index
    tpu.barrier barrier_id(%barrier3A_182)
    %mul3A_183 = arith.constant 624 : i32
    %mul3A_184 = arith.muli %arg1, %mul3A_183 : i32
    %mul3A_185 = arith.constant 624 : i32
    %mul3A_186 = arith.muli %arg1, %mul3A_185 : i32
    "tpu.region"() ({
      %run_scoped3A = tpu.sem_alloc : memref<!tpu.dma_semaphore, #tpu.memory_space<semaphore_mem>>
      %dma_start3A_192 = arith.constant 0 : i32
      %dma_start3A_193 = arith.constant 0 : i32
      %dma_start3A_194 = tpu.memref_slice %arg5[%arg0, %dma_start3A_192, %dma_start3A_193] : memref<2x10000x64xf32, #tpu.memory_space<hbm>> -> memref<1x10000x64xf32, #tpu.memory_space<hbm>>
      %dma_start3A_195 = tpu.memref_squeeze %dma_start3A_194 : memref<1x10000x64xf32, #tpu.memory_space<hbm>> -> memref<10000x64xf32, #tpu.memory_space<hbm>>
      %dma_start3A_196 = arith.constant 0 : i32
      %dma_start3A_197 = tpu.memref_slice %dma_start3A_195[%mul3A_186, %dma_start3A_196] : memref<10000x64xf32, #tpu.memory_space<hbm>> -> memref<624x64xf32, #tpu.memory_space<hbm>>
      %dma_start3A_198 = arith.constant 0 : i32
      %dma_start3A_199 = tpu.memref_slice %arg13[%mul3A_184, %dma_start3A_198] : memref<10008x64xf32, #tpu.memory_space<vmem_shared>> -> memref<624x64xf32, #tpu.memory_space<vmem_shared>>
      tpu.enqueue_dma source(%dma_start3A_199 : memref<624x64xf32, #tpu.memory_space<vmem_shared>>) target(%dma_start3A_197 : memref<624x64xf32, #tpu.memory_space<hbm>>) target_semaphore(%run_scoped3A : memref<!tpu.dma_semaphore, #tpu.memory_space<semaphore_mem>>)
      %dma_wait3A_200 = arith.constant 0 : i32
      %dma_wait3A_201 = arith.constant 0 : i32
      %dma_wait3A_202 = tpu.memref_slice %arg5[%arg0, %dma_wait3A_200, %dma_wait3A_201] : memref<2x10000x64xf32, #tpu.memory_space<hbm>> -> memref<1x10000x64xf32, #tpu.memory_space<hbm>>
      %dma_wait3A_203 = tpu.memref_squeeze %dma_wait3A_202 : memref<1x10000x64xf32, #tpu.memory_space<hbm>> -> memref<10000x64xf32, #tpu.memory_space<hbm>>
      %dma_wait3A_204 = arith.constant 0 : i32
      %dma_wait3A_205 = tpu.memref_slice %dma_wait3A_203[%mul3A_186, %dma_wait3A_204] : memref<10000x64xf32, #tpu.memory_space<hbm>> -> memref<624x64xf32, #tpu.memory_space<hbm>>
      %dma_wait3A_206 = arith.constant 0 : i32
      %dma_wait3A_207 = tpu.memref_slice %arg13[%mul3A_184, %dma_wait3A_206] : memref<10008x64xf32, #tpu.memory_space<vmem_shared>> -> memref<624x64xf32, #tpu.memory_space<vmem_shared>>
      tpu.wait_dma2 semaphore(%run_scoped3A : memref<!tpu.dma_semaphore, #tpu.memory_space<semaphore_mem>>) src(%dma_wait3A_207 : memref<624x64xf32, #tpu.memory_space<vmem_shared>>) dst(%dma_wait3A_205 : memref<624x64xf32, #tpu.memory_space<hbm>>)
      tpu.yield
    }) : () -> ()
    %eq3A_187 = arith.constant 15 : i32
    %eq3A_188 = arith.cmpi eq, %arg1, %eq3A_187 : i32
    %convert_element_type3A_189 = arith.extui %eq3A_188 : i1 to i32
    %cond3A_190 = arith.constant 0 : i32
    %cond3A_191 = arith.cmpi ne, %convert_element_type3A_189, %cond3A_190 : i32
    scf.if %cond3A_191 {
      "tpu.region"() ({
        %run_scoped3A = tpu.sem_alloc : memref<!tpu.dma_semaphore, #tpu.memory_space<semaphore_mem>>
        %dma_start3A_192 = arith.constant 0 : i32
        %dma_start3A_193 = arith.constant 0 : i32
        %dma_start3A_194 = tpu.memref_slice %arg5[%arg0, %dma_start3A_192, %dma_start3A_193] : memref<2x10000x64xf32, #tpu.memory_space<hbm>> -> memref<1x10000x64xf32, #tpu.memory_space<hbm>>
        %dma_start3A_195 = tpu.memref_squeeze %dma_start3A_194 : memref<1x10000x64xf32, #tpu.memory_space<hbm>> -> memref<10000x64xf32, #tpu.memory_space<hbm>>
        %dma_start3A_196 = arith.constant 9984 : i32
        %dma_start3A_197 = arith.constant 0 : i32
        %dma_start3A_198 = tpu.memref_slice %dma_start3A_195[%dma_start3A_196, %dma_start3A_197] : memref<10000x64xf32, #tpu.memory_space<hbm>> -> memref<16x64xf32, #tpu.memory_space<hbm>>
        %dma_start3A_199 = arith.constant 9984 : i32
        %dma_start3A_200 = arith.constant 0 : i32
        %dma_start3A_201 = tpu.memref_slice %arg13[%dma_start3A_199, %dma_start3A_200] : memref<10008x64xf32, #tpu.memory_space<vmem_shared>> -> memref<16x64xf32, #tpu.memory_space<vmem_shared>>
        tpu.enqueue_dma source(%dma_start3A_201 : memref<16x64xf32, #tpu.memory_space<vmem_shared>>) target(%dma_start3A_198 : memref<16x64xf32, #tpu.memory_space<hbm>>) target_semaphore(%run_scoped3A : memref<!tpu.dma_semaphore, #tpu.memory_space<semaphore_mem>>)
        %dma_wait3A_202 = arith.constant 0 : i32
        %dma_wait3A_203 = arith.constant 0 : i32
        %dma_wait3A_204 = tpu.memref_slice %arg5[%arg0, %dma_wait3A_202, %dma_wait3A_203] : memref<2x10000x64xf32, #tpu.memory_space<hbm>> -> memref<1x10000x64xf32, #tpu.memory_space<hbm>>
        %dma_wait3A_205 = tpu.memref_squeeze %dma_wait3A_204 : memref<1x10000x64xf32, #tpu.memory_space<hbm>> -> memref<10000x64xf32, #tpu.memory_space<hbm>>
        %dma_wait3A_206 = arith.constant 9984 : i32
        %dma_wait3A_207 = arith.constant 0 : i32
        %dma_wait3A_208 = tpu.memref_slice %dma_wait3A_205[%dma_wait3A_206, %dma_wait3A_207] : memref<10000x64xf32, #tpu.memory_space<hbm>> -> memref<16x64xf32, #tpu.memory_space<hbm>>
        %dma_wait3A_209 = arith.constant 9984 : i32
        %dma_wait3A_210 = arith.constant 0 : i32
        %dma_wait3A_211 = tpu.memref_slice %arg13[%dma_wait3A_209, %dma_wait3A_210] : memref<10008x64xf32, #tpu.memory_space<vmem_shared>> -> memref<16x64xf32, #tpu.memory_space<vmem_shared>>
        tpu.wait_dma2 semaphore(%run_scoped3A : memref<!tpu.dma_semaphore, #tpu.memory_space<semaphore_mem>>) src(%dma_wait3A_211 : memref<16x64xf32, #tpu.memory_space<vmem_shared>>) dst(%dma_wait3A_208 : memref<16x64xf32, #tpu.memory_space<hbm>>)
        tpu.yield
      }) : () -> ()
    } else {
    }
    return
  }
}

module attributes {stable_mosaic.version = 14 : i64} {
  func.func @body(%arg0: memref<10000x128xf32, #tpu.memory_space<vmem>>, %arg1: memref<128x128xf32, #tpu.memory_space<vmem>>, %arg2: memref<128x128xf32, #tpu.memory_space<vmem>>, %arg3: memref<2x10008x64xf32, #tpu.memory_space<vmem>>, %arg4: memref<10000x128xf32, #tpu.memory_space<vmem>>) attributes {dimension_semantics = [], scalar_prefetch = 0 : i64, scratch_operands = 0 : i64, tpu.core_type = #tpu.core_type<tc>} {
    %get3A = arith.constant 0 : index
    %get3A_0 = arith.constant 0 : index
    %get3A_1 = vector.load %arg0[%get3A, %get3A_0] : memref<10000x128xf32, #tpu.memory_space<vmem>>, vector<10000x128xf32>
    %get3A_2 = arith.constant 0 : index
    %get3A_3 = arith.constant 0 : index
    %get3A_4 = vector.load %arg1[%get3A_2, %get3A_3] : memref<128x128xf32, #tpu.memory_space<vmem>>, vector<128x128xf32>
    %dot_general3A = arith.constant dense<0.000000e+00> : vector<10000x128xf32>
    %dot_general3A_5 = tpu.matmul %get3A_1, %get3A_4, %dot_general3A {dimension_numbers = #tpu.dot_dimension_numbers<[1], [0], [0], [1], [0, 0, 1, 1], [], []>, transpose_lhs_hint = false} : vector<10000x128xf32>, vector<128x128xf32>, vector<10000x128xf32> -> vector<10000x128xf32>
    %slice3A = vector.extract_strided_slice %dot_general3A_5 {offsets = [0, 0], sizes = [10000, 64], strides = [1, 1]} : vector<10000x128xf32> to vector<10000x64xf32>
    %slice3A_6 = vector.extract_strided_slice %dot_general3A_5 {offsets = [0, 64], sizes = [10000, 64], strides = [1, 1]} : vector<10000x128xf32> to vector<10000x64xf32>
    %stack3A = vector.shape_cast %slice3A : vector<10000x64xf32> to vector<1x10000x64xf32>
    %stack3A_7 = vector.shape_cast %slice3A_6 : vector<10000x64xf32> to vector<1x10000x64xf32>
    %stack3A_8 = tpu.concatenate %stack3A, %stack3A_7 in 0 : vector<1x10000x64xf32>, vector<1x10000x64xf32> -> vector<2x10000x64xf32>
    %broadcast_in_dim3A = arith.constant 0.000000e+00 : f32
    %broadcast_in_dim3A_9 = vector.broadcast %broadcast_in_dim3A : f32 to vector<2x8x64xf32>
    %concatenate3A = tpu.concatenate %stack3A_8, %broadcast_in_dim3A_9 in 1 : vector<2x10000x64xf32>, vector<2x8x64xf32> -> vector<2x10008x64xf32>
    %swap3A = arith.constant 0 : index
    %swap3A_10 = arith.constant 0 : index
    %swap3A_11 = arith.constant 0 : index
    %swap3A_12 = vector.load %arg3[%swap3A, %swap3A_10, %swap3A_11] : memref<2x10008x64xf32, #tpu.memory_space<vmem>>, vector<2x10008x64xf32>
    tpu.vector_store %arg3[%swap3A, %swap3A_10, %swap3A_11], %concatenate3A {strides = array<i32>} : memref<2x10008x64xf32, #tpu.memory_space<vmem>>, vector<2x10008x64xf32>,
    %get3A_13 = arith.constant 0 : index
    %get3A_14 = arith.constant 0 : index
    %get3A_15 = vector.load %arg2[%get3A_13, %get3A_14] : memref<128x128xf32, #tpu.memory_space<vmem>>, vector<128x128xf32>
    %dot_general3A_16 = arith.constant dense<0.000000e+00> : vector<10000x128xf32>
    %dot_general3A_17 = tpu.matmul %get3A_1, %get3A_15, %dot_general3A_16 {dimension_numbers = #tpu.dot_dimension_numbers<[1], [0], [0], [1], [0, 0, 1, 1], [], []>, transpose_lhs_hint = false} : vector<10000x128xf32>, vector<128x128xf32>, vector<10000x128xf32> -> vector<10000x128xf32>
    %swap3A_18 = arith.constant 0 : index
    %swap3A_19 = arith.constant 0 : index
    %swap3A_20 = vector.load %arg4[%swap3A_18, %swap3A_19] : memref<10000x128xf32, #tpu.memory_space<vmem>>, vector<10000x128xf32>
    tpu.vector_store %arg4[%swap3A_18, %swap3A_19], %dot_general3A_17 {strides = array<i32>} : memref<10000x128xf32, #tpu.memory_space<vmem>>, vector<10000x128xf32>,
    return
  }
}

module attributes {stable_mosaic.version = 14 : i64} {
  func.func @body(%arg0: memref<10000x128xf32, #tpu.memory_space<vmem>>, %arg1: memref<2x10000x64xf32, #tpu.memory_space<vmem>>, %arg2: memref<2x10000xf32, #tpu.memory_space<vmem>>, %arg3: memref<1x128xf32, #tpu.memory_space<vmem>>, %arg4: memref<128x128xf32, #tpu.memory_space<vmem>>, %arg5: memref<128x128xf32, #tpu.memory_space<vmem>>, %arg6: memref<2x10008x64xf32, #tpu.memory_space<vmem>>, %arg7: memref<10000x128xf32, #tpu.memory_space<vmem>>) attributes {dimension_semantics = [], scalar_prefetch = 0 : i64, scratch_operands = 0 : i64, tpu.core_type = #tpu.core_type<tc>} {
    %get3A = arith.constant 0 : index
    %get3A_0 = arith.constant 0 : index
    %get3A_1 = vector.load %arg2[%get3A, %get3A_0] : memref<2x10000xf32, #tpu.memory_space<vmem>>, vector<1x10000xf32>
    %get3A_2 = vector.shape_cast %get3A_1 : vector<1x10000xf32> to vector<10000xf32>
    %get3A_3 = arith.constant 1 : index
    %get3A_4 = arith.constant 0 : index
    %get3A_5 = vector.load %arg2[%get3A_3, %get3A_4] : memref<2x10000xf32, #tpu.memory_space<vmem>>, vector<1x10000xf32>
    %get3A_6 = vector.shape_cast %get3A_5 : vector<1x10000xf32> to vector<10000xf32>
    %add3A = arith.addf %get3A_2, %get3A_6 : vector<10000xf32>
    %max3A = arith.constant 1.000000e+00 : f32
    %max3A_7 = vector.broadcast %max3A : f32 to vector<10000xf32>
    %max3A_8 = arith.maximumf %add3A, %max3A_7 : vector<10000xf32>
    %get3A_9 = arith.constant 0 : index
    %get3A_10 = arith.constant 0 : index
    %get3A_11 = arith.constant 0 : index
    %get3A_12 = vector.load %arg1[%get3A_9, %get3A_10, %get3A_11] : memref<2x10000x64xf32, #tpu.memory_space<vmem>>, vector<1x10000x64xf32>
    %get3A_13 = vector.shape_cast %get3A_12 : vector<1x10000x64xf32> to vector<10000x64xf32>
    %get3A_14 = arith.constant 1 : index
    %get3A_15 = arith.constant 0 : index
    %get3A_16 = arith.constant 0 : index
    %get3A_17 = vector.load %arg1[%get3A_14, %get3A_15, %get3A_16] : memref<2x10000x64xf32, #tpu.memory_space<vmem>>, vector<1x10000x64xf32>
    %get3A_18 = vector.shape_cast %get3A_17 : vector<1x10000x64xf32> to vector<10000x64xf32>
    %concatenate3A = tpu.concatenate %get3A_13, %get3A_18 in 1 : vector<10000x64xf32>, vector<10000x64xf32> -> vector<10000x128xf32>
    %get3A_19 = arith.constant 0 : index
    %get3A_20 = arith.constant 0 : index
    %get3A_21 = vector.load %arg0[%get3A_19, %get3A_20] : memref<10000x128xf32, #tpu.memory_space<vmem>>, vector<10000x128xf32>
    %broadcast_in_dim3A = vector.shape_cast %max3A_8 : vector<10000xf32> to vector<10000x1xf32>
    %div3A = vector.broadcast %broadcast_in_dim3A : vector<10000x1xf32> to vector<10000x128xf32>
    %div3A_22 = arith.divf %concatenate3A, %div3A : vector<10000x128xf32>
    %add3A_23 = arith.addf %get3A_21, %div3A_22 : vector<10000x128xf32>
    %get3A_24 = arith.constant 0 : index
    %get3A_25 = arith.constant 0 : index
    %get3A_26 = vector.load %arg3[%get3A_24, %get3A_25] : memref<1x128xf32, #tpu.memory_space<vmem>>, vector<1x128xf32>
    %add3A_27 = vector.broadcast %get3A_26 : vector<1x128xf32> to vector<10000x128xf32>
    %add3A_28 = arith.addf %add3A_23, %add3A_27 : vector<10000x128xf32>
    %max3A_29 = arith.constant 0.000000e+00 : f32
    %max3A_30 = vector.broadcast %max3A_29 : f32 to vector<10000x128xf32>
    %max3A_31 = arith.maximumf %add3A_28, %max3A_30 : vector<10000x128xf32>
    %get3A_32 = arith.constant 0 : index
    %get3A_33 = arith.constant 0 : index
    %get3A_34 = vector.load %arg4[%get3A_32, %get3A_33] : memref<128x128xf32, #tpu.memory_space<vmem>>, vector<128x128xf32>
    %dot_general3A = arith.constant dense<0.000000e+00> : vector<10000x128xf32>
    %dot_general3A_35 = tpu.matmul %max3A_31, %get3A_34, %dot_general3A {dimension_numbers = #tpu.dot_dimension_numbers<[1], [0], [0], [1], [0, 0, 1, 1], [], []>, transpose_lhs_hint = false} : vector<10000x128xf32>, vector<128x128xf32>, vector<10000x128xf32> -> vector<10000x128xf32>
    %slice3A = vector.extract_strided_slice %dot_general3A_35 {offsets = [0, 0], sizes = [10000, 64], strides = [1, 1]} : vector<10000x128xf32> to vector<10000x64xf32>
    %slice3A_36 = vector.extract_strided_slice %dot_general3A_35 {offsets = [0, 64], sizes = [10000, 64], strides = [1, 1]} : vector<10000x128xf32> to vector<10000x64xf32>
    %stack3A = vector.shape_cast %slice3A : vector<10000x64xf32> to vector<1x10000x64xf32>
    %stack3A_37 = vector.shape_cast %slice3A_36 : vector<10000x64xf32> to vector<1x10000x64xf32>
    %stack3A_38 = tpu.concatenate %stack3A, %stack3A_37 in 0 : vector<1x10000x64xf32>, vector<1x10000x64xf32> -> vector<2x10000x64xf32>
    %broadcast_in_dim3A_39 = arith.constant 0.000000e+00 : f32
    %broadcast_in_dim3A_40 = vector.broadcast %broadcast_in_dim3A_39 : f32 to vector<2x8x64xf32>
    %concatenate3A_41 = tpu.concatenate %stack3A_38, %broadcast_in_dim3A_40 in 1 : vector<2x10000x64xf32>, vector<2x8x64xf32> -> vector<2x10008x64xf32>
    %swap3A = arith.constant 0 : index
    %swap3A_42 = arith.constant 0 : index
    %swap3A_43 = arith.constant 0 : index
    %swap3A_44 = vector.load %arg6[%swap3A, %swap3A_42, %swap3A_43] : memref<2x10008x64xf32, #tpu.memory_space<vmem>>, vector<2x10008x64xf32>
    tpu.vector_store %arg6[%swap3A, %swap3A_42, %swap3A_43], %concatenate3A_41 {strides = array<i32>} : memref<2x10008x64xf32, #tpu.memory_space<vmem>>, vector<2x10008x64xf32>,
    %get3A_45 = arith.constant 0 : index
    %get3A_46 = arith.constant 0 : index
    %get3A_47 = vector.load %arg5[%get3A_45, %get3A_46] : memref<128x128xf32, #tpu.memory_space<vmem>>, vector<128x128xf32>
    %dot_general3A_48 = arith.constant dense<0.000000e+00> : vector<10000x128xf32>
    %dot_general3A_49 = tpu.matmul %max3A_31, %get3A_47, %dot_general3A_48 {dimension_numbers = #tpu.dot_dimension_numbers<[1], [0], [0], [1], [0, 0, 1, 1], [], []>, transpose_lhs_hint = false} : vector<10000x128xf32>, vector<128x128xf32>, vector<10000x128xf32> -> vector<10000x128xf32>
    %swap3A_50 = arith.constant 0 : index
    %swap3A_51 = arith.constant 0 : index
    %swap3A_52 = vector.load %arg7[%swap3A_50, %swap3A_51] : memref<10000x128xf32, #tpu.memory_space<vmem>>, vector<10000x128xf32>
    tpu.vector_store %arg7[%swap3A_50, %swap3A_51], %dot_general3A_49 {strides = array<i32>} : memref<10000x128xf32, #tpu.memory_space<vmem>>, vector<10000x128xf32>,
    return
  }
}

module attributes {stable_mosaic.version = 14 : i64} {
  func.func @body(%arg0: memref<10000x128xf32, #tpu.memory_space<vmem>>, %arg1: memref<2x10000x64xf32, #tpu.memory_space<vmem>>, %arg2: memref<2x10000xf32, #tpu.memory_space<vmem>>, %arg3: memref<1x128xf32, #tpu.memory_space<vmem>>, %arg4: memref<10000x128xf32, #tpu.memory_space<vmem>>) attributes {dimension_semantics = [], scalar_prefetch = 0 : i64, scratch_operands = 0 : i64, tpu.core_type = #tpu.core_type<tc>} {
    %get3A = arith.constant 0 : index
    %get3A_0 = arith.constant 0 : index
    %get3A_1 = vector.load %arg2[%get3A, %get3A_0] : memref<2x10000xf32, #tpu.memory_space<vmem>>, vector<1x10000xf32>
    %get3A_2 = vector.shape_cast %get3A_1 : vector<1x10000xf32> to vector<10000xf32>
    %get3A_3 = arith.constant 1 : index
    %get3A_4 = arith.constant 0 : index
    %get3A_5 = vector.load %arg2[%get3A_3, %get3A_4] : memref<2x10000xf32, #tpu.memory_space<vmem>>, vector<1x10000xf32>
    %get3A_6 = vector.shape_cast %get3A_5 : vector<1x10000xf32> to vector<10000xf32>
    %add3A = arith.addf %get3A_2, %get3A_6 : vector<10000xf32>
    %max3A = arith.constant 1.000000e+00 : f32
    %max3A_7 = vector.broadcast %max3A : f32 to vector<10000xf32>
    %max3A_8 = arith.maximumf %add3A, %max3A_7 : vector<10000xf32>
    %get3A_9 = arith.constant 0 : index
    %get3A_10 = arith.constant 0 : index
    %get3A_11 = arith.constant 0 : index
    %get3A_12 = vector.load %arg1[%get3A_9, %get3A_10, %get3A_11] : memref<2x10000x64xf32, #tpu.memory_space<vmem>>, vector<1x10000x64xf32>
    %get3A_13 = vector.shape_cast %get3A_12 : vector<1x10000x64xf32> to vector<10000x64xf32>
    %get3A_14 = arith.constant 1 : index
    %get3A_15 = arith.constant 0 : index
    %get3A_16 = arith.constant 0 : index
    %get3A_17 = vector.load %arg1[%get3A_14, %get3A_15, %get3A_16] : memref<2x10000x64xf32, #tpu.memory_space<vmem>>, vector<1x10000x64xf32>
    %get3A_18 = vector.shape_cast %get3A_17 : vector<1x10000x64xf32> to vector<10000x64xf32>
    %concatenate3A = tpu.concatenate %get3A_13, %get3A_18 in 1 : vector<10000x64xf32>, vector<10000x64xf32> -> vector<10000x128xf32>
    %get3A_19 = arith.constant 0 : index
    %get3A_20 = arith.constant 0 : index
    %get3A_21 = vector.load %arg0[%get3A_19, %get3A_20] : memref<10000x128xf32, #tpu.memory_space<vmem>>, vector<10000x128xf32>
    %broadcast_in_dim3A = vector.shape_cast %max3A_8 : vector<10000xf32> to vector<10000x1xf32>
    %div3A = vector.broadcast %broadcast_in_dim3A : vector<10000x1xf32> to vector<10000x128xf32>
    %div3A_22 = arith.divf %concatenate3A, %div3A : vector<10000x128xf32>
    %add3A_23 = arith.addf %get3A_21, %div3A_22 : vector<10000x128xf32>
    %get3A_24 = arith.constant 0 : index
    %get3A_25 = arith.constant 0 : index
    %get3A_26 = vector.load %arg3[%get3A_24, %get3A_25] : memref<1x128xf32, #tpu.memory_space<vmem>>, vector<1x128xf32>
    %add3A_27 = vector.broadcast %get3A_26 : vector<1x128xf32> to vector<10000x128xf32>
    %add3A_28 = arith.addf %add3A_23, %add3A_27 : vector<10000x128xf32>
    %max3A_29 = arith.constant 0.000000e+00 : f32
    %max3A_30 = vector.broadcast %max3A_29 : f32 to vector<10000x128xf32>
    %max3A_31 = arith.maximumf %add3A_28, %max3A_30 : vector<10000x128xf32>
    %swap3A = arith.constant 0 : index
    %swap3A_32 = arith.constant 0 : index
    %swap3A_33 = vector.load %arg4[%swap3A, %swap3A_32] : memref<10000x128xf32, #tpu.memory_space<vmem>>, vector<10000x128xf32>
    tpu.vector_store %arg4[%swap3A, %swap3A_32], %max3A_31 {strides = array<i32>} : memref<10000x128xf32, #tpu.memory_space<vmem>>, vector<10000x128xf32>,
    return
  }
}

module attributes {stable_mosaic.version = 14 : i64} {
  func.func @body(%arg0: memref<8192x128xf32, #tpu.memory_space<vmem>>, %arg1: memref<8192x128xf32, #tpu.memory_space<vmem>>, %arg2: memref<128x128xf32, #tpu.memory_space<vmem>>, %arg3: memref<128x128xf32, #tpu.memory_space<vmem>>, %arg4: memref<1x128xf32, #tpu.memory_space<vmem>>, %arg5: memref<128x128xf32, #tpu.memory_space<vmem>>, %arg6: memref<1x128xf32, #tpu.memory_space<vmem>>, %arg7: memref<8192x128xf32, #tpu.memory_space<vmem>>) attributes {dimension_semantics = [], scalar_prefetch = 0 : i64, scratch_operands = 0 : i64, tpu.core_type = #tpu.core_type<tc>} {
    %get3A = arith.constant 0 : index
    %get3A_0 = arith.constant 0 : index
    %get3A_1 = vector.load %arg0[%get3A, %get3A_0] : memref<8192x128xf32, #tpu.memory_space<vmem>>, vector<8192x128xf32>
    %get3A_2 = arith.constant 0 : index
    %get3A_3 = arith.constant 0 : index
    %get3A_4 = vector.load %arg2[%get3A_2, %get3A_3] : memref<128x128xf32, #tpu.memory_space<vmem>>, vector<128x128xf32>
    %dot_general3A = arith.constant dense<0.000000e+00> : vector<8192x128xf32>
    %dot_general3A_5 = tpu.matmul %get3A_1, %get3A_4, %dot_general3A {dimension_numbers = #tpu.dot_dimension_numbers<[1], [0], [0], [1], [0, 0, 1, 1], [], []>, transpose_lhs_hint = false} : vector<8192x128xf32>, vector<128x128xf32>, vector<8192x128xf32> -> vector<8192x128xf32>
    %get3A_6 = arith.constant 0 : index
    %get3A_7 = arith.constant 0 : index
    %get3A_8 = vector.load %arg1[%get3A_6, %get3A_7] : memref<8192x128xf32, #tpu.memory_space<vmem>>, vector<8192x128xf32>
    %get3A_9 = arith.constant 0 : index
    %get3A_10 = arith.constant 0 : index
    %get3A_11 = vector.load %arg3[%get3A_9, %get3A_10] : memref<128x128xf32, #tpu.memory_space<vmem>>, vector<128x128xf32>
    %dot_general3A_12 = arith.constant dense<0.000000e+00> : vector<8192x128xf32>
    %dot_general3A_13 = tpu.matmul %get3A_8, %get3A_11, %dot_general3A_12 {dimension_numbers = #tpu.dot_dimension_numbers<[1], [0], [0], [1], [0, 0, 1, 1], [], []>, transpose_lhs_hint = false} : vector<8192x128xf32>, vector<128x128xf32>, vector<8192x128xf32> -> vector<8192x128xf32>
    %add3A = arith.addf %dot_general3A_5, %dot_general3A_13 : vector<8192x128xf32>
    %get3A_14 = arith.constant 0 : index
    %get3A_15 = arith.constant 0 : index
    %get3A_16 = vector.load %arg4[%get3A_14, %get3A_15] : memref<1x128xf32, #tpu.memory_space<vmem>>, vector<1x128xf32>
    %add3A_17 = vector.broadcast %get3A_16 : vector<1x128xf32> to vector<8192x128xf32>
    %add3A_18 = arith.addf %add3A, %add3A_17 : vector<8192x128xf32>
    %max3A = arith.constant 0.000000e+00 : f32
    %max3A_19 = vector.broadcast %max3A : f32 to vector<8192x128xf32>
    %max3A_20 = arith.maximumf %add3A_18, %max3A_19 : vector<8192x128xf32>
    %get3A_21 = arith.constant 0 : index
    %get3A_22 = arith.constant 0 : index
    %get3A_23 = vector.load %arg5[%get3A_21, %get3A_22] : memref<128x128xf32, #tpu.memory_space<vmem>>, vector<128x128xf32>
    %dot_general3A_24 = arith.constant dense<0.000000e+00> : vector<8192x128xf32>
    %dot_general3A_25 = tpu.matmul %max3A_20, %get3A_23, %dot_general3A_24 {dimension_numbers = #tpu.dot_dimension_numbers<[1], [0], [0], [1], [0, 0, 1, 1], [], []>, transpose_lhs_hint = false} : vector<8192x128xf32>, vector<128x128xf32>, vector<8192x128xf32> -> vector<8192x128xf32>
    %get3A_26 = arith.constant 0 : index
    %get3A_27 = arith.constant 0 : index
    %get3A_28 = vector.load %arg6[%get3A_26, %get3A_27] : memref<1x128xf32, #tpu.memory_space<vmem>>, vector<1x128xf32>
    %add3A_29 = vector.broadcast %get3A_28 : vector<1x128xf32> to vector<8192x128xf32>
    %add3A_30 = arith.addf %dot_general3A_25, %add3A_29 : vector<8192x128xf32>
    %swap3A = arith.constant 0 : index
    %swap3A_31 = arith.constant 0 : index
    %swap3A_32 = vector.load %arg7[%swap3A, %swap3A_31] : memref<8192x128xf32, #tpu.memory_space<vmem>>, vector<8192x128xf32>
    tpu.vector_store %arg7[%swap3A, %swap3A_31], %add3A_30 {strides = array<i32>} : memref<8192x128xf32, #tpu.memory_space<vmem>>, vector<8192x128xf32>,
    return
  }
}

</mosaic_0001>

<sc_bundles>
// kernel: kernel.12.cloned.1.call-start
scs
__scs_entry_jumppad:
0x0: {  	(pc) =	sbr.rel $0x88, $3  }
0x1: {  	(tag) =	ssettag $0x0;
	lr =	simm.s32 $0x1  }
0x2: {  	[smem:$0x3F93] =	sst lr;
	_ =	strace $0xD0000000  }
0x3: {  	_ = 	snop  }
0x4: {  	_ = 	snop  }
0x5: {  	_ = 	snop  }
0x6: {  	_ = 	snop  }
0x7: {  	_ = 	snop  }
__scs_overlays_trampoline_lowered:
0x8: {  	[smem:$0x3FA2] =	sst s0  }
0x9: {  	[smem:$0x3FA3] =	sst s1  }
0xa: {  	[smem:$0x3FA4] =	sst s2  }
0xb: {  	[smem:$0x3FA5] =	sst s3  }
0xc: {  	[smem:$0x3FA6] =	sst s4  }
0xd: {  	[smem:$0x3FA7] =	sst s5  }
0xe: {  	[smem:$0x3FA8] =	sst s6  }
0xf: {  	[smem:$0x3FA9] =	sst s7  }
0x10: {  	[smem:$0x3FAA] =	sst s8  }
0x11: {  	[smem:$0x3FAB] =	sst s9;
	s0 =	simm.s32 @!p0 $0x0  }
0x12: {  	s1 =	sld [smem:$0x3F91];
	s0 =	simm.s32 @p0 $0x1  }
0x13: {  	[smem:$0x3FAC] =	sst s0;
	s0 =	simm.s32 @!p1 $0x0  }
0x14: {  	s2 =	sld [smem:$0x3F90];
	s0 =	simm.s32 @p1 $0x1  }
0x15: {  	[smem:$0x3FAD] =	sst s0;
	s0 =	simm.s32 @!p2 $0x0  }
0x16: {  	s3 =	sld [smem:$0x3FDB];
	s0 =	simm.s32 @p2 $0x1  }
0x17: {  	s4 =	simm.s32 $0x1BF5;
	[smem:$0x3FAF] =	sst s0  }
0x18: {  	s0 =	sld [smem:$0x3F92];
	_ =	swait.ge [sflag:s4], $0x0  }
0x19: {  	s7 =	sld [smem:$0x3F93]  }
0x1a: {  	s8 =	sadd.s32 $0xFFFFE003, lr  }
0x1b: {  	s9 =	sadd.s32 $0xFFFFFEF7, lr;
	s5 =	simm.s32 $0xFFFFFFFF;
	p2 =	slt.u32 s8, $0xFFFFF086  }
0x1c: {  	p1 =	slt.u32 s9, $0xF7A;
	s5 =	simm.s32 @!p2 $0x0  }
0x1d: {  	s5 =	simm.s32 @p1 $0x1;
	p0 =	seq.s32 s7, s2  }
0x1e: {  	s7 =	smul.u32 @!p0 $0xF7A, s2;
	p2 =	seq.s32 @!p0 s5, $0x0  }
0x1f: {  	s9 =	smul.u32 $0xF7A, s1;
	s8 =	simm.s32 @!p0 $0x1BF5;
	p2 =	por !p2, p0  }
0x20: {  	[sflag:s8] =	ssyncset.s32 @!p0 $0xFFFFF086;
	s6 =	sadd.s32 @!p0 s3, s7;
	s7 =	simm.s32 @!p0 $0x108  }
0x21: {  	s3 =	sadd.s32 s3, s9;
	s6 =	sadd.s32 @!p0 $0x88, s6;
	s7 =	simm.s32 @p2 $0x1082  }
0x22: {  	[simem:s7], [sflag:s8] =	dma.local @!p0 [hbm:s6], $0xF7A  }
0x23: {  	s9 =	sor.u32 $0xD0000000, s2;
	s6 =	simm.s32 $0x108;
	_ =	swait.ge @!p0 [sflag:s8], $0x0  }
0x24: {  	s3 =	sadd.s32 $0x88, s3;
	s6 =	simm.s32 @!p1 $0x1082;
	[sflag:s4] =	ssyncset.s32 $0xFFFFF086  }
0x25: {  	[simem:s6], [sflag:s4] =	dma.local [hbm:s3], $0xF7A  }
0x26: {  	[smem:$0x3F93] =	sst s1;
	(tag) =	ssettag s2;
	_ =	strace s9  }
0x27: {  	s1 =	sld [smem:$0x3FA3]  }
0x28: {  	s2 =	sld [smem:$0x3FA4]  }
0x29: {  	s4 =	sld [smem:$0x3FA6]  }
0x2a: {  	p0 =	seq.s32 s5, $0x0;
	s5 =	sld [smem:$0x3FA7]  }
0x2b: {  	s6 =	sld [smem:$0x3FA8]  }
0x2c: {  	s7 =	sld [smem:$0x3FA9]  }
0x2d: {  	s3 =	simm.s32 $0x108;
	s8 =	sld [smem:$0x3FAA]  }
0x2e: {  	s3 =	simm.s32 @!p0 $0x1082;
	s9 =	sld [smem:$0x3FAB]  }
0x2f: {  	lr =	sadd.s32 s0, s3;
	s0 =	sld [smem:$0x3FA2]  }
0x30: {  	s3 =	sld [smem:$0x3FA5]  }
0x31: {  	[smem:$0x3FAE] =	sst s10  }
0x32: {  	s10 =	sld [smem:$0x3FAC];
	_ =	sdelay $0x3  }
0x33: {  	p0 =	seq.s32 s10, $0x1;
	s10 =	sld [smem:$0x3FAE];
	_ =	sdelay $0x3  }
0x34: {  	[smem:$0x3FAE] =	sst s10  }
0x35: {  	s10 =	sld [smem:$0x3FAD];
	_ =	sdelay $0x3  }
0x36: {  	p1 =	seq.s32 s10, $0x1;
	s10 =	sld [smem:$0x3FAE];
	_ =	sdelay $0x3  }
0x37: {  	[smem:$0x3FAE] =	sst s10  }
0x38: {  	s10 =	sld [smem:$0x3FAF]  }
0x39: {  	_ = 	snop;
	(pc) =	sbr.ind lr, $3  }
0x3a: {  	_ = 	snop  }
0x3b: {  	_ = 	snop  }
0x3c: {  	p2 =	seq.s32 s10, $0x1;
	s10 =	sld [smem:$0x3FAE]  }
0x3d: {  	_ =	shalt  }
0x3e: {  	_ =	shalt  }
0x3f: {  	_ =	shalt  }
0x40: {  	_ =	shalt  }
0x41: {  	_ =	shalt  }
0x42: {  	_ =	shalt  }
0x43: {  	_ =	shalt  }
0x44: {  	_ =	shalt  }
0x45: {  	_ =	shalt  }
0x46: {  	_ =	shalt  }
0x47: {  	_ =	shalt  }
0x48: {  	_ =	shalt  }
0x49: {  	_ =	shalt  }
0x4a: {  	_ =	shalt  }
0x4b: {  	_ =	shalt  }
0x4c: {  	_ =	shalt  }
0x4d: {  	_ =	shalt  }
0x4e: {  	_ =	shalt  }
0x4f: {  	_ =	shalt  }
0x50: {  	_ =	shalt  }
0x51: {  	_ =	shalt  }
0x52: {  	_ =	shalt  }
0x53: {  	_ =	shalt  }
0x54: {  	_ =	shalt  }
0x55: {  	_ =	shalt  }
0x56: {  	_ =	shalt  }
0x57: {  	_ =	shalt  }
0x58: {  	_ =	shalt  }
0x59: {  	_ =	shalt  }
0x5a: {  	_ =	shalt  }
0x5b: {  	_ =	shalt  }
0x5c: {  	_ =	shalt  }
0x5d: {  	_ =	shalt  }
0x5e: {  	_ =	shalt  }
0x5f: {  	_ =	shalt  }
0x60: {  	_ =	shalt  }
0x61: {  	_ =	shalt  }
0x62: {  	_ =	shalt  }
0x63: {  	_ =	shalt  }
0x64: {  	_ =	shalt  }
0x65: {  	_ =	shalt  }
0x66: {  	_ =	shalt  }
0x67: {  	_ =	shalt  }
0x68: {  	_ =	shalt  }
0x69: {  	_ =	shalt  }
0x6a: {  	_ =	shalt  }
0x6b: {  	_ =	shalt  }
0x6c: {  	_ =	shalt  }
0x6d: {  	_ =	shalt  }
0x6e: {  	_ =	shalt  }
0x6f: {  	_ =	shalt  }
0x70: {  	_ =	shalt  }
0x71: {  	_ =	shalt  }
0x72: {  	_ =	shalt  }
0x73: {  	_ =	shalt  }
0x74: {  	_ =	shalt  }
0x75: {  	_ =	shalt  }
0x76: {  	_ =	shalt  }
0x77: {  	_ =	shalt  }
0x78: {  	_ =	shalt  }
0x79: {  	_ =	shalt  }
0x7a: {  	_ =	shalt  }
0x7b: {  	_ =	shalt  }
0x7c: {  	_ =	shalt  }
0x7d: {  	_ =	shalt  }
0x7e: {  	_ =	shalt  }
0x7f: {  	_ =	shalt  }
0x80: {  	_ =	shalt  }
0x81: {  	_ =	shalt  }
0x82: {  	_ =	shalt  }
0x83: {  	_ =	shalt  }
0x84: {  	_ =	shalt  }
0x85: {  	_ =	shalt  }
0x86: {  	_ =	shalt  }
0x87: {  	_ =	shalt  }
.Lfunc_end0:
.L_simem_size_0:
called_computation.1_lowered:
.L_overlay_start_0:
0x88: {  	s2 =	sld [smem:$0x3FD9]  }
0x89: {  	s3 =	sld [smem:$0x3FFE];
	_ =	sdelay $0x1  }
0x8a: {  	s1 =	srdreg.scid  }
0x8b: {  	s0 =	sand.u32 $0x1, s1  }
0x8c: {  	s17 =	sshll.u32 s0, $0xA;
	s2 =	sadd.s32 s3, s2  }
0x8d: {  	s2 =	sadd.s32 s2, s17  }
0x8e: {  	[smem:$0x3FBA] =	sst s2  }
0x8f: {  	_ = 	snop  }
0x90: {  	s2 =	sld [smem:$0x3FD0];
	(tm) =	ssettm $0x1  }
0x91: {  	s18 =	sld [smem:$0x3FFB];
	_ =	sdelay $0x3  }
0x92: {  	_ =	strace s18  }
0x93: {  	s3 =	sld [smem:$0x3FFC];
	_ =	sdelay $0x3  }
0x94: {  	_ =	strace s3  }
0x95: {  	s3 =	sld [smem:$0x3FFD];
	_ =	sdelay $0x3  }
0x96: {  	_ =	strace s3  }
0x97: {  	_ =	strace $0x8FFFFFFF  }
0x98: {  	s19 =	sld [smem:$0x3FDB];
	_ =	sdelay $0x1  }
0x99: {  	s4 =	simm.s32 $_scs_section_size  }
0x9a: {  	s5 =	simm.s32 $_size__tile_overlayer_lowered;
	s6 =	simm.s32 $_tile_overlayer_lowered  }
0x9b: {  	s22 =	simm.s32 $0x1BFF;
	s21 =	sshll.u32 s6, $0x1;
	s3 =	sadd.s32 s4, s19  }
0x9c: {  	s7 =	simm.s32 $0x0;
	s20 =	sshll.u32 s5, $0x1;
	s5 =	sadd.s32 s21, s3  }
0x9d: {  	[timem:s7], [sflag:s22] =	dma.local [hbm:s5], s20  }
0x9e: {  	_ =	swait.ge [sflag:s22], s20  }
0x9f: {  	s4 =	ssub.s32 $0x0, s20;
	[sflag:s22] =	ssyncset.done $0x0  }
0xa0: {  	[sflag:s22] =	ssyncadd.s32 s4;
	_ =	sdelay $0x1  }
0xa1: {  	s23 =	simm.s32 $0x1B8B  }
0xa2: {  	_ =	swait.ge [sflag:s23], $0x1  }
0xa3: {  	[sflag:s23] =	ssyncset.done $0x0  }
0xa4: {  	s25 =	simm.s32 $0x1B8E;
	s24 =	sld [smem:$0x3FFE];
	[sflag:s23] =	ssyncadd.s32 $0xFFFFFFFF  }
0xa5: {  	s26 =	simm.s32 $execute0_lowered;
	[smem:$0x3FD2] =	sst s25  }
0xa6: {  	s5 =	sshll.u32 s26, $0x1;
	_ =	strace $0x80000049;
	[dreg:$0x1] =	wrdreg $0xFFFFFFFF  }
0xa7: {  	s28 =	simm.s32 $_size_execute0_lowered;
	s3 =	sadd.s32 s3, s5;
	[dreg:$0x0] =	wrdreg $0x0  }
0xa8: {  	s5 =	sshll.u32 s28, $0x1;
	[dreg:$0x2] =	wrdreg s3  }
0xa9: {  	[dreg:$0x3] =	wrdreg s5  }
0xaa: {  	[dreg:$0x4] =	wrdreg $0xC0  }
0xab: {  	_ =	task [dreg:s7], $0x5FFFF  }
0xac: {  	[dreg:$0x1] =	wrdreg $0xFFFFFFFF  }
0xad: {  	[dreg:$0x0] =	wrdreg $0x60  }
0xae: {  	[dreg:$0x2] =	wrdreg s24  }
0xaf: {  	[dreg:$0x3] =	wrdreg s2  }
0xb0: {  	[dreg:$0x4] =	wrdreg $0x121800  }
0xb1: {  	[dreg:$0x5] =	wrdreg $0x9  }
0xb2: {  	_ =	task.clear_ibuf [dreg:s7], $0x6FFFF;
	_ =	strace $0x90000049  }
0xb3: {  	s29 =	simm.s32 $0x9;
	_ =	strace $0x8000004B  }
0xb4: {  	_ =	swait.ge [sflag:s29], $0x1  }
0xb5: {  	[sflag:s29] =	ssyncadd.s32 $0xFFFFFFFF  }
0xb6: {  	_ =	strace $0x9000004B  }
0xb7: {  	_ =	sfence  }
0xb8: {  	s30 =	sld [smem:$0x0];
	_ =	sdelay $0x2  }
0xb9: {  	s31 =	sshll.u32 s1, $0xD;
	s1 =	sshrl.u32 s1, $0x2  }
0xba: {  	s3 =	sand.u32 $0x4000, s31;
	s1 =	sadd.s32 s1, s30  }
0xbb: {  	s0 =	sor.u32 s3, s0;
	s1 =	sshll.u32 s1, $0x11  }
0xbc: {  	s0 =	sor.u32 s1, s0  }
0xbd: {  	s0 =	sadd.s32 $0x8F2B, s0  }
0xbe: {  	[sflag:s0] =	ssyncadd.remote.s32 $0x1  }
0xbf: {  	_ =	sfence.sel $0xFFFF  }
0xc0: {  	[dreg:$0x0] =	wrdreg $0xFFFFFFFF;
	(pc) =	sbr.abs _section_cstart, $3  }
0xc1: {  	[dreg:$0x1] =	wrdreg $0xFFFFFFFF  }
0xc2: {  	_ =	task.clear_ibuf [dreg:s7], $0x2FFFF;
	_ =	strace $0x9FFFFFFF  }
0xc3: {  	(tm) =	ssettm $0x7FFFFFFF  }
tec
execute0_lowered:
.L_overlay_start_1:
0x0: {  	(tag) =	ssettag $0x1  }
0x1: {  	s0 =	rddreg [dreg:$0x0]  }
0x2: {  	s2 =	rddreg [dreg:$0x1]  }
0x3: {  	s1 =	rddreg [dreg:$0x2]  }
0x4: {  	s3 =	srdreg.scid;
	s14 =	stileid.u32  }
0x5: {  	s15 =	simm.s32 $0x4EC0;
	s16 =	simm.s32 $0x50;
	s17 =	simm.s32 $0x9D80  }
0x6: {  	s18 =	simm.s32 $0xB180;
	s19 =	simm.s32 $0x1;
	s21 =	simm.s32 $0xC580  }
0x7: {  	s23 =	simm.s32 $0xD980;
	s20 =	simm.s32 $0x4E70;
	s22 =	simm.s32 $0x9C40  }
0x8: {  	s24 =	simm.s32 $0x9C90;
	s28 =	simm.s32 $0x9CE0;
	s8 =	smul.u32 $0x9D8, s14  }
0x9: {  	s29 =	simm.s32 $0x9D30;
	s4 =	sand.u32 $0x1, s3;
	s6 =	smul.u32 $0x27000, s14  }
0xa: {  	s3 =	simm.s32 $0x0;
	s12 =	smul.u32 $0x9C00, s14;
	s7 =	sadd.s32 $0x9C000, s1  }
0xb: {  	p0 =	sne.s32 s14, $0xF;
	s14 =	simm.s32 $0x3;
	s5 =	smul.u32 $0x138C0, s4  }
0xc: {  	[smem:$0x7FF] =	sst s3;
	s26 =	smul.u32 $0x13880, s4;
	s4 =	ssub.s32 $0x2, s4  }
0xd: {  	_ =	strace $0x8000004A;
	s9 =	sadd.s32 s8, s0;
	s6 =	sshrl.u32 s6, $0x2  }
0xe: {  	s30 =	sshrl.u32 s4, $0x1;
	s8 =	sadd.s32 s2, s8;
	s31 =	sshrl.u32 s12, $0x3  }
0xf: {  	s10 =	sadd.s32 s5, s0;
	s0 =	sadd.s32 s26, s0;
	s6 =	sadd.s32 s6, s1  }
0x10: {  	s13 =	ssub.s32 s4, s30;
	s4 =	sadd.s32 s12, s1;
	s9 =	sadd.s32 $0x3800, s9  }
0x11: {  	s26 =	simm.s32 $0x2;
	s5 =	sadd.s32 $0x3400, s6;
	s6 =	sadd.s32 $0x6800, s6  }
0x12: {  	s10 =	sadd.s32 $0x5BA00, s10;
	s11 =	sadd.s32 $0xD600, s0;
	s12 =	smax.u32 s13, $0x1  }
0x13: {  	v0 =	vimm.f32 $0.0e+00;
	s13 =	simm.s32 $0xED80;
	s0 =	simm.s32 $0x4E20;
	s25 =	sadd.s32 s31, s11  }
.LBB2_1:
0x14: {  	s30 =	simm.s32 $0x100;
	s2 =	simm.s32 $0x0  }
.LBB2_2:
0x15: {  	p1 =	sne.s32 s30, $0xCF00;
	[tilespmem:s2+$0xEDB0] =	vst v0;
	s31 =	smov.u32 s30;
	s30 =	sadd.s32 $0x100, s30  }
.Ltmp0:
0x16: {  	[tilespmem:s2+$0xEDA0] =	vst v0;
	(pc) =	sbr.rel @p1 .LBB2_2-.Ltmp0, $3  }
0x17: {  	[tilespmem:s2+$0xED80] =	vst v0  }
0x18: {  	[tilespmem:s2+$0xED90] =	vst v0;
	_ =	sdelay $0x1  }
0x19: {  	s2 =	sshra.s32 s31, $0x2  }
0x1a: {  	[tilespmem:s2+$0xEDB0] =	vst v0  }
0x1b: {  	[tilespmem:s2+$0xEDA0] =	vst v0  }
0x1c: {  	[tilespmem:s2+$0xED80] =	vst v0  }
0x1d: {  	[tilespmem:s2+$0xED90] =	vst v0  }
0x1e: {  	[spmem:s4] =	stream.linear.scatter [tilespmem:s13], [sflag:$0x3], $0x3400, $0x38;
	[tilespmem:$0x1BDE0] =	vst v63  }
0x1f: {  	_ =	swait.ge [sflag:s14], $0x3400  }
0x20: {  	[sflag:s14] =	ssyncset.done $0x0  }
0x21: {  	[sflag:s14] =	ssyncadd.s32 $0xFFFFCC00  }
0x22: {  	[spmem:s5] =	stream.linear.scatter [tilespmem:s13], [sflag:$0x3], $0x3400, $0x38;
	[tilespmem:$0x1BDE0] =	vst v63  }
0x23: {  	_ =	swait.ge [sflag:s14], $0x3400  }
0x24: {  	[sflag:s14] =	ssyncset.done $0x0  }
0x25: {  	[sflag:s14] =	ssyncadd.s32 $0xFFFFCC00  }
0x26: {  	[spmem:s6] =	stream.linear.scatter [tilespmem:s13], [sflag:$0x3], $0x3400, $0x38;
	[tilespmem:$0x1BDE0] =	vst v63  }
0x27: {  	_ =	swait.ge [sflag:s14], $0x3400  }
0x28: {  	[sflag:s14] =	ssyncset.done $0x0  }
0x29: {  	s2 =	simm.s32 @!p0 $0xED80;
	[sflag:s14] =	ssyncadd.s32 $0xFFFFCC00  }
0x2a: {  	[spmem:s7] =	stream.linear.scatter @!p0 [tilespmem:s2], [sflag:$0x3], $0x400, $0x38;
	[tilespmem:$0x1BDE0] =	vst v63  }
0x2b: {  	s2 =	simm.s32 @!p0 $0x3  }
0x2c: {  	_ =	swait.ge @!p0 [sflag:s2], $0x400  }
0x2d: {  	[sflag:s2] =	ssyncset.done @!p0 $0x0  }
0x2e: {  	[sflag:s2] =	ssyncadd.s32 @!p0 $0xFFFFFC00  }
0x2f: {  	s31 =	simm.s32 $0x0;
	[bflag:$0x0] =	sbarrier.arrive $0xFFFF  }
0x30: {  	[tilespmem:s31], [sflag:$0x3] =	stream.linear.gather [hbm4b:s8+s31], $0x4EC0, $0x38;
	[tilespmem:$0x1BDE0] =	vst v63  }
0x31: {  	_ =	swait.ge [sflag:s14], $0x4EC0  }
0x32: {  	[sflag:s14] =	ssyncset.done $0x0  }
0x33: {  	[sflag:s14] =	ssyncadd.s32 $0xFFFFB140  }
0x34: {  	[tilespmem:s15], [sflag:$0x3] =	stream.linear.gather [hbm4b:s9+s31], $0x4EC0, $0x38;
	[tilespmem:$0x1BDE0] =	vst v63  }
0x35: {  	_ =	swait.ge [sflag:s14], $0x4EC0  }
0x36: {  	[sflag:s14] =	ssyncset.done $0x0  }
0x37: {  	[sflag:s14] =	ssyncadd.s32 $0xFFFFB140  }
0x38: {  	[tilespmem:s17], [sflag:$0x1] =	stream.indirect.gather [hbm4b:s10+s16], $0x40, s31, s16, $0xb8;
	[tilespmem:$0x1BDE0] =	vst v63  }
0x39: {  	_ = 	snop  }
0x3a: {  	[tilespmem:s18], [sflag:$0x1] =	stream.indirect.gather [hbm4b:s10+s16], $0x40, s16, s16, $0xb8;
	[tilespmem:$0x1BDE0] =	vst v63  }
0x3b: {  	_ =	swait.ge [sflag:s19], $0x1400  }
0x3c: {  	[sflag:s19] =	ssyncset.done $0x0  }
0x3d: {  	[sflag:s19] =	ssyncadd.s32 $0xFFFFEC00  }
0x3e: {  	_ =	swait.ge [sflag:s19], $0x1400  }
0x3f: {  	[sflag:s19] =	ssyncset.done $0x0  }
0x40: {  	s31 =	simm.s32 $0xA0;
	[sflag:s19] =	ssyncadd.s32 $0xFFFFEC00  }
0x41: {  	[tilespmem:s21], [sflag:$0x1] =	stream.indirect.gather [hbm4b:s10+s16], $0x40, s31, s16, $0xb8;
	[tilespmem:$0x1BDE0] =	vst v63  }
0x42: {  	s31 =	simm.s32 $0xF0  }
0x43: {  	[tilespmem:s23], [sflag:$0x1] =	stream.indirect.gather [hbm4b:s10+s16], $0x40, s31, s16, $0xb8;
	[tilespmem:$0x1BDE0] =	vst v63  }
0x44: {  	_ = 	snop  }
0x45: {  	[spmem:s1] =	stream.indirect.scatter.add.f32 [tilespmem:s17], [sflag:$0x2], $0x40, s15, s16, $0xb8;
	[tilespmem:$0x1BDE0] =	vst v63  }
0x46: {  	s31 =	simm.s32 $0x4F10  }
0x47: {  	[spmem:s1] =	stream.indirect.scatter.add.f32 [tilespmem:s18], [sflag:$0x2], $0x40, s31, s16, $0xb8;
	[tilespmem:$0x1BDE0] =	vst v63  }
0x48: {  	_ =	swait.ge [sflag:s19], $0x1400  }
0x49: {  	[sflag:s19] =	ssyncset.done $0x0  }
0x4a: {  	[sflag:s19] =	ssyncadd.s32 $0xFFFFEC00  }
0x4b: {  	_ =	swait.ge [sflag:s19], $0x1400  }
0x4c: {  	[sflag:s19] =	ssyncset.done $0x0  }
0x4d: {  	[sflag:s19] =	ssyncadd.s32 $0xFFFFEC00  }
0x4e: {  	_ =	swait.ge [sflag:s26], $0x1400  }
0x4f: {  	[sflag:s26] =	ssyncset.done $0x0  }
0x50: {  	[sflag:s26] =	ssyncadd.s32 $0xFFFFEC00  }
0x51: {  	_ =	swait.ge [sflag:s26], $0x1400  }
0x52: {  	[sflag:s26] =	ssyncset.done $0x0  }
0x53: {  	s31 =	simm.s32 $0x140;
	[sflag:s26] =	ssyncadd.s32 $0xFFFFEC00  }
0x54: {  	[tilespmem:s17], [sflag:$0x1] =	stream.indirect.gather [hbm4b:s10+s16], $0x40, s31, s16, $0xb8;
	[tilespmem:$0x1BDE0] =	vst v63  }
0x55: {  	s31 =	simm.s32 $0x190  }
0x56: {  	[tilespmem:s18], [sflag:$0x1] =	stream.indirect.gather [hbm4b:s10+s16], $0x40, s31, s16, $0xb8;
	[tilespmem:$0x1BDE0] =	vst v63  }
0x57: {  	s31 =	simm.s32 $0x4F60  }
0x58: {  	[spmem:s1] =	stream.indirect.scatter.add.f32 [tilespmem:s21], [sflag:$0x2], $0x40, s31, s16, $0xb8;
	[tilespmem:$0x1BDE0] =	vst v63  }
0x59: {  	s31 =	simm.s32 $0x4FB0  }
0x5a: {  	[spmem:s1] =	stream.indirect.scatter.add.f32 [tilespmem:s23], [sflag:$0x2], $0x40, s31, s16, $0xb8;
	[tilespmem:$0x1BDE0] =	vst v63  }
0x5b: {  	_ =	swait.ge [sflag:s19], $0x1400  }
0x5c: {  	[sflag:s19] =	ssyncset.done $0x0  }
0x5d: {  	[sflag:s19] =	ssyncadd.s32 $0xFFFFEC00  }
0x5e: {  	_ =	swait.ge [sflag:s19], $0x1400  }
0x5f: {  	[sflag:s19] =	ssyncset.done $0x0  }
0x60: {  	[sflag:s19] =	ssyncadd.s32 $0xFFFFEC00  }
0x61: {  	_ =	swait.ge [sflag:s26], $0x1400  }
0x62: {  	[sflag:s26] =	ssyncset.done $0x0  }
0x63: {  	[sflag:s26] =	ssyncadd.s32 $0xFFFFEC00  }
0x64: {  	_ =	swait.ge [sflag:s26], $0x1400  }
0x65: {  	[sflag:s26] =	ssyncset.done $0x0  }
0x66: {  	s31 =	simm.s32 $0x1E0;
	[sflag:s26] =	ssyncadd.s32 $0xFFFFEC00  }
0x67: {  	[tilespmem:s21], [sflag:$0x1] =	stream.indirect.gather [hbm4b:s10+s16], $0x40, s31, s16, $0xb8;
	[tilespmem:$0x1BDE0] =	vst v63  }
0x68: {  	s31 =	simm.s32 $0x230  }
0x69: {  	[tilespmem:s23], [sflag:$0x1] =	stream.indirect.gather [hbm4b:s10+s16], $0x40, s31, s16, $0xb8;
	[tilespmem:$0x1BDE0] =	vst v63  }
0x6a: {  	s31 =	simm.s32 $0x5000  }
0x6b: {  	[spmem:s1] =	stream.indirect.scatter.add.f32 [tilespmem:s17], [sflag:$0x2], $0x40, s31, s16, $0xb8;
	[tilespmem:$0x1BDE0] =	vst v63  }
0x6c: {  	s31 =	simm.s32 $0x5050  }
0x6d: {  	[spmem:s1] =	stream.indirect.scatter.add.f32 [tilespmem:s18], [sflag:$0x2], $0x40, s31, s16, $0xb8;
	[tilespmem:$0x1BDE0] =	vst v63  }
0x6e: {  	_ =	swait.ge [sflag:s19], $0x1400  }
0x6f: {  	[sflag:s19] =	ssyncset.done $0x0  }
0x70: {  	[sflag:s19] =	ssyncadd.s32 $0xFFFFEC00  }
0x71: {  	_ =	swait.ge [sflag:s19], $0x1400  }
0x72: {  	[sflag:s19] =	ssyncset.done $0x0  }
0x73: {  	[sflag:s19] =	ssyncadd.s32 $0xFFFFEC00  }
0x74: {  	_ =	swait.ge [sflag:s26], $0x1400  }
0x75: {  	[sflag:s26] =	ssyncset.done $0x0  }
0x76: {  	[sflag:s26] =	ssyncadd.s32 $0xFFFFEC00  }
0x77: {  	_ =	swait.ge [sflag:s26], $0x1400  }
0x78: {  	[sflag:s26] =	ssyncset.done $0x0  }
0x79: {  	s31 =	simm.s32 $0x280;
	[sflag:s26] =	ssyncadd.s32 $0xFFFFEC00  }
0x7a: {  	[tilespmem:s17], [sflag:$0x1] =	stream.indirect.gather [hbm4b:s10+s16], $0x40, s31, s16, $0xb8;
	[tilespmem:$0x1BDE0] =	vst v63  }
0x7b: {  	s31 =	simm.s32 $0x2D0  }
0x7c: {  	[tilespmem:s18], [sflag:$0x1] =	stream.indirect.gather [hbm4b:s10+s16], $0x40, s31, s16, $0xb8;
	[tilespmem:$0x1BDE0] =	vst v63  }
0x7d: {  	s30 =	simm.s32 $0x50F0;
	s2 =	simm.s32 $0x500;
	s31 =	simm.s32 $0x50A0  }
0x7e: {  	[spmem:s1] =	stream.indirect.scatter.add.f32 [tilespmem:s21], [sflag:$0x2], $0x40, s31, s16, $0xb8;
	[tilespmem:$0x1BDE0] =	vst v63  }
.LBB2_4:
0x7f: {  	[spmem:s1] =	stream.indirect.scatter.add.f32 [tilespmem:s23], [sflag:$0x2], $0x40, s30, s16, $0xb8;
	[tilespmem:$0x1BDE0] =	vst v63  }
0x80: {  	s30 =	smov.u32 s2  }
0x81: {  	p1 =	sne.s32 s2, $0x12C00;
	s2 =	sadd.s32 $0x500, s2;
	_ =	swait.ge [sflag:s19], $0x1400  }
0x82: {  	[sflag:s19] =	ssyncset.done $0x0  }
0x83: {  	[sflag:s19] =	ssyncadd.s32 $0xFFFFEC00  }
0x84: {  	_ =	swait.ge [sflag:s19], $0x1400  }
0x85: {  	[sflag:s19] =	ssyncset.done $0x0  }
0x86: {  	[sflag:s19] =	ssyncadd.s32 $0xFFFFEC00  }
0x87: {  	_ =	swait.ge [sflag:s26], $0x1400  }
0x88: {  	[sflag:s26] =	ssyncset.done $0x0  }
0x89: {  	[sflag:s26] =	ssyncadd.s32 $0xFFFFEC00  }
0x8a: {  	_ =	swait.ge [sflag:s26], $0x1400  }
0x8b: {  	s30 =	sshra.s32 s30, $0x2;
	[sflag:s26] =	ssyncset.done $0x0  }
0x8c: {  	s31 =	sadd.s32 $0x1E0, s30;
	[sflag:s26] =	ssyncadd.s32 $0xFFFFEC00  }
0x8d: {  	[tilespmem:s21], [sflag:$0x1] =	stream.indirect.gather [hbm4b:s10+s16], $0x40, s31, s16, $0xb8;
	[tilespmem:$0x1BDE0] =	vst v63  }
0x8e: {  	s31 =	sadd.s32 $0x230, s30  }
0x8f: {  	[tilespmem:s23], [sflag:$0x1] =	stream.indirect.gather [hbm4b:s10+s16], $0x40, s31, s16, $0xb8;
	[tilespmem:$0x1BDE0] =	vst v63  }
0x90: {  	s31 =	sadd.s32 $0x5000, s30  }
0x91: {  	[spmem:s1] =	stream.indirect.scatter.add.f32 [tilespmem:s17], [sflag:$0x2], $0x40, s31, s16, $0xb8;
	[tilespmem:$0x1BDE0] =	vst v63  }
0x92: {  	s31 =	sadd.s32 $0x5050, s30  }
0x93: {  	[spmem:s1] =	stream.indirect.scatter.add.f32 [tilespmem:s18], [sflag:$0x2], $0x40, s31, s16, $0xb8;
	[tilespmem:$0x1BDE0] =	vst v63  }
0x94: {  	_ =	swait.ge [sflag:s19], $0x1400  }
0x95: {  	[sflag:s19] =	ssyncset.done $0x0  }
0x96: {  	[sflag:s19] =	ssyncadd.s32 $0xFFFFEC00  }
0x97: {  	_ =	swait.ge [sflag:s19], $0x1400  }
0x98: {  	[sflag:s19] =	ssyncset.done $0x0  }
0x99: {  	[sflag:s19] =	ssyncadd.s32 $0xFFFFEC00  }
0x9a: {  	_ =	swait.ge [sflag:s26], $0x1400  }
0x9b: {  	[sflag:s26] =	ssyncset.done $0x0  }
0x9c: {  	[sflag:s26] =	ssyncadd.s32 $0xFFFFEC00  }
0x9d: {  	_ =	swait.ge [sflag:s26], $0x1400  }
0x9e: {  	[sflag:s26] =	ssyncset.done $0x0  }
0x9f: {  	s31 =	sadd.s32 $0x280, s30;
	[sflag:s26] =	ssyncadd.s32 $0xFFFFEC00  }
0xa0: {  	[tilespmem:s17], [sflag:$0x1] =	stream.indirect.gather [hbm4b:s10+s16], $0x40, s31, s16, $0xb8;
	[tilespmem:$0x1BDE0] =	vst v63  }
.Ltmp1:
0xa1: {  	s31 =	sadd.s32 $0x2D0, s30;
	(pc) =	sbr.rel @p1 .LBB2_4-.Ltmp1, $4  }
0xa2: {  	[tilespmem:s18], [sflag:$0x1] =	stream.indirect.gather [hbm4b:s10+s16], $0x40, s31, s16, $0xb8;
	[tilespmem:$0x1BDE0] =	vst v63  }
0xa3: {  	s31 =	sadd.s32 $0x50A0, s30  }
0xa4: {  	[spmem:s1] =	stream.indirect.scatter.add.f32 [tilespmem:s21], [sflag:$0x2], $0x40, s31, s16, $0xb8;
	[tilespmem:$0x1BDE0] =	vst v63  }
0xa5: {  	s30 =	sadd.s32 $0x50F0, s30  }
0xa6: {  	[spmem:s1] =	stream.indirect.scatter.add.f32 [tilespmem:s23], [sflag:$0x2], $0x40, s30, s16, $0xb8;
	[tilespmem:$0x1BDE0] =	vst v63  }
0xa7: {  	_ =	swait.ge [sflag:s19], $0x1400  }
0xa8: {  	[sflag:s19] =	ssyncset.done $0x0  }
0xa9: {  	[sflag:s19] =	ssyncadd.s32 $0xFFFFEC00  }
0xaa: {  	_ =	swait.ge [sflag:s19], $0x1400  }
0xab: {  	[sflag:s19] =	ssyncset.done $0x0  }
0xac: {  	[sflag:s19] =	ssyncadd.s32 $0xFFFFEC00  }
0xad: {  	_ =	swait.ge [sflag:s26], $0x1400  }
0xae: {  	[sflag:s26] =	ssyncset.done $0x0  }
0xaf: {  	[sflag:s26] =	ssyncadd.s32 $0xFFFFEC00  }
0xb0: {  	_ =	swait.ge [sflag:s26], $0x1400  }
0xb1: {  	[sflag:s26] =	ssyncset.done $0x0  }
0xb2: {  	[sflag:s26] =	ssyncadd.s32 $0xFFFFEC00  }
0xb3: {  	[tilespmem:s21], [sflag:$0x1] =	stream.indirect.gather [hbm4b:s10+s16], $0x40, s0, s16, $0xb8;
	[tilespmem:$0x1BDE0] =	vst v63  }
0xb4: {  	_ = 	snop  }
0xb5: {  	[tilespmem:s23], [sflag:$0x1] =	stream.indirect.gather [hbm4b:s10+s16], $0x40, s20, s16, $0xb8;
	[tilespmem:$0x1BDE0] =	vst v63  }
0xb6: {  	_ = 	snop  }
0xb7: {  	[spmem:s1] =	stream.indirect.scatter.add.f32 [tilespmem:s17], [sflag:$0x2], $0x40, s22, s16, $0xb8;
	[tilespmem:$0x1BDE0] =	vst v63  }
0xb8: {  	_ = 	snop  }
0xb9: {  	[spmem:s1] =	stream.indirect.scatter.add.f32 [tilespmem:s18], [sflag:$0x2], $0x40, s24, s16, $0xb8;
	[tilespmem:$0x1BDE0] =	vst v63  }
0xba: {  	_ =	swait.ge [sflag:s19], $0x1400  }
0xbb: {  	[sflag:s19] =	ssyncset.done $0x0  }
0xbc: {  	[sflag:s19] =	ssyncadd.s32 $0xFFFFEC00  }
0xbd: {  	_ =	swait.ge [sflag:s19], $0x1400  }
0xbe: {  	[sflag:s19] =	ssyncset.done $0x0  }
0xbf: {  	[sflag:s19] =	ssyncadd.s32 $0xFFFFEC00  }
0xc0: {  	_ =	swait.ge [sflag:s26], $0x1400  }
0xc1: {  	[sflag:s26] =	ssyncset.done $0x0  }
0xc2: {  	[sflag:s26] =	ssyncadd.s32 $0xFFFFEC00  }
0xc3: {  	_ =	swait.ge [sflag:s26], $0x1400  }
0xc4: {  	[sflag:s26] =	ssyncset.done $0x0  }
0xc5: {  	[sflag:s26] =	ssyncadd.s32 $0xFFFFEC00  }
0xc6: {  	[spmem:s1] =	stream.indirect.scatter.add.f32 [tilespmem:s21], [sflag:$0x2], $0x40, s28, s16, $0xb8;
	[tilespmem:$0x1BDE0] =	vst v63  }
0xc7: {  	_ = 	snop  }
0xc8: {  	[spmem:s1] =	stream.indirect.scatter.add.f32 [tilespmem:s23], [sflag:$0x2], $0x40, s29, s16, $0xb8;
	[tilespmem:$0x1BDE0] =	vst v63  }
0xc9: {  	_ =	swait.ge [sflag:s26], $0x1400  }
0xca: {  	[sflag:s26] =	ssyncset.done $0x0  }
0xcb: {  	[sflag:s26] =	ssyncadd.s32 $0xFFFFEC00  }
0xcc: {  	_ =	swait.ge [sflag:s26], $0x1400  }
0xcd: {  	s2 =	stileid.u32;
	[sflag:s26] =	ssyncset.done $0x0  }
0xce: {  	s2 =	sshll.u32 s2, $0x6;
	[sflag:s26] =	ssyncadd.s32 $0xFFFFEC00  }
0xcf: {  	s31 =	sshrl.u32 s4, $0x3;
	s2 =	sor.u32 $0x1C03, s2;
	[bflag:$0x0] =	sbarrier.arrive $0xFFFF  }
0xd0: {  	[hbm:s25], [sflag:s2] =	dma.local [spmem:s31], $0x1380  }
0xd1: {  	_ =	swait.ge [sflag:s14], $0x1380  }
0xd2: {  	s30 =	sadd.s32 @!p0 $0x13800, s11;
	s3 =	sadd.s32 $0x1, s3;
	[sflag:s14] =	ssyncset.done $0x0  }
0xd3: {  	p1 =	sne.s32 s3, s12;
	s31 =	sshrl.u32 @!p0 s7, $0x3;
	[sflag:s14] =	ssyncadd.s32 $0xFFFFEC80  }
0xd4: {  	[hbm:s30], [sflag:s2] =	dma.local @!p0 [spmem:s31], $0x80  }
.Ltmp2:
0xd5: {  	_ = 	snop;
	(pc) =	sbr.rel @p1 .LBB2_1-.Ltmp2, $4  }
0xd6: {  	s2 =	simm.s32 @!p0 $0x3  }
0xd7: {  	_ =	swait.ge @!p0 [sflag:s2], $0x80  }
0xd8: {  	[sflag:s2] =	ssyncset.done @!p0 $0x0  }
0xd9: {  	[sflag:s2] =	ssyncadd.s32 @!p0 $0xFFFFFF80  }
0xda: {  	_ =	sfence.sel $0x180000  }
0xdb: {  	[bflag:$0x0] =	sbarrier.arrive $0xFFFF  }
0xdc: {  	_ =	strace $0x9000004A  }
0xdd: {  	s0 =	stileid.u32;
	[bflag:$0x2] =	sbarrier.arrive $0xFFFF  }
0xde: {  	p0 =	sne.s32 s0, $0x0;
	s0 =	rddreg [dreg:$0x3]  }
0xdf: {  	s0 =	sadd.s32 @!p0 $0x100000, s0  }
0xe0: {  	[sflag:s0] =	ssyncadd.tile.s32 @!p0 $0x1;
	_ =	shalt  }
.Lfunc_end2:
_tile_overlayer_lowered:
.L_overlay_start_2:
0xe1: {  	(tag) =	ssettag $0x2  }
0xe2: {  	s0 =	rddreg [dreg:$0x0];
	s2 =	stileid.u32  }
0xe3: {  	s1 =	rddreg [dreg:$0x1];
	p0 =	sne.s32 s2, $0x0  }
0xe4: {  	s3 =	rddreg [dreg:$0x2];
	[bflag:$0x3] =	sbarrier.arrive $0xFFFF;
	s2 =	simm.s32 @!p0 $0x1C03  }
0xe5: {  	[timem:s3], [sflag:s2] =	dma.local @!p0 [hbm:s0], s1  }
0xe6: {  	s0 =	simm.s32 @!p0 $0x3  }
0xe7: {  	_ =	swait.ge @!p0 [sflag:s0], s1  }
0xe8: {  	s1 =	ssub.s32 @!p0 $0x0, s1;
	[sflag:s0] =	ssyncset.done @!p0 $0x0  }
0xe9: {  	[sflag:s0] =	ssyncadd.s32 @!p0 s1  }
0xea: {  	[bflag:$0x3] =	sbarrier.arrive $0xFFFF  }
0xeb: {  	_ =	shalt  }

// kernel: kernel.15.cloned.1.call-start
scs
__scs_entry_jumppad:
0x0: {  	(pc) =	sbr.rel $0x88, $3  }
0x1: {  	(tag) =	ssettag $0x0;
	lr =	simm.s32 $0x1  }
0x2: {  	[smem:$0x3F93] =	sst lr;
	_ =	strace $0xD0000000  }
0x3: {  	_ = 	snop  }
0x4: {  	_ = 	snop  }
0x5: {  	_ = 	snop  }
0x6: {  	_ = 	snop  }
0x7: {  	_ = 	snop  }
__scs_overlays_trampoline_lowered:
0x8: {  	[smem:$0x3FA2] =	sst s0  }
0x9: {  	[smem:$0x3FA3] =	sst s1  }
0xa: {  	[smem:$0x3FA4] =	sst s2  }
0xb: {  	[smem:$0x3FA5] =	sst s3  }
0xc: {  	[smem:$0x3FA6] =	sst s4  }
0xd: {  	[smem:$0x3FA7] =	sst s5  }
0xe: {  	[smem:$0x3FA8] =	sst s6  }
0xf: {  	[smem:$0x3FA9] =	sst s7  }
0x10: {  	[smem:$0x3FAA] =	sst s8  }
0x11: {  	[smem:$0x3FAB] =	sst s9;
	s0 =	simm.s32 @!p0 $0x0  }
0x12: {  	s1 =	sld [smem:$0x3F91];
	s0 =	simm.s32 @p0 $0x1  }
0x13: {  	[smem:$0x3FAC] =	sst s0;
	s0 =	simm.s32 @!p1 $0x0  }
0x14: {  	s2 =	sld [smem:$0x3F90];
	s0 =	simm.s32 @p1 $0x1  }
0x15: {  	[smem:$0x3FAD] =	sst s0;
	s0 =	simm.s32 @!p2 $0x0  }
0x16: {  	s3 =	sld [smem:$0x3FDB];
	s0 =	simm.s32 @p2 $0x1  }
0x17: {  	s4 =	simm.s32 $0x1BF5;
	[smem:$0x3FAF] =	sst s0  }
0x18: {  	s0 =	sld [smem:$0x3F92];
	_ =	swait.ge [sflag:s4], $0x0  }
0x19: {  	s7 =	sld [smem:$0x3F93]  }
0x1a: {  	s8 =	sadd.s32 $0xFFFFE003, lr  }
0x1b: {  	s9 =	sadd.s32 $0xFFFFFEF7, lr;
	s5 =	simm.s32 $0xFFFFFFFF;
	p2 =	slt.u32 s8, $0xFFFFF086  }
0x1c: {  	p1 =	slt.u32 s9, $0xF7A;
	s5 =	simm.s32 @!p2 $0x0  }
0x1d: {  	s5 =	simm.s32 @p1 $0x1;
	p0 =	seq.s32 s7, s2  }
0x1e: {  	s7 =	smul.u32 @!p0 $0xF7A, s2;
	p2 =	seq.s32 @!p0 s5, $0x0  }
0x1f: {  	s9 =	smul.u32 $0xF7A, s1;
	s8 =	simm.s32 @!p0 $0x1BF5;
	p2 =	por !p2, p0  }
0x20: {  	[sflag:s8] =	ssyncset.s32 @!p0 $0xFFFFF086;
	s6 =	sadd.s32 @!p0 s3, s7;
	s7 =	simm.s32 @!p0 $0x108  }
0x21: {  	s3 =	sadd.s32 s3, s9;
	s6 =	sadd.s32 @!p0 $0x88, s6;
	s7 =	simm.s32 @p2 $0x1082  }
0x22: {  	[simem:s7], [sflag:s8] =	dma.local @!p0 [hbm:s6], $0xF7A  }
0x23: {  	s9 =	sor.u32 $0xD0000000, s2;
	s6 =	simm.s32 $0x108;
	_ =	swait.ge @!p0 [sflag:s8], $0x0  }
0x24: {  	s3 =	sadd.s32 $0x88, s3;
	s6 =	simm.s32 @!p1 $0x1082;
	[sflag:s4] =	ssyncset.s32 $0xFFFFF086  }
0x25: {  	[simem:s6], [sflag:s4] =	dma.local [hbm:s3], $0xF7A  }
0x26: {  	[smem:$0x3F93] =	sst s1;
	(tag) =	ssettag s2;
	_ =	strace s9  }
0x27: {  	s1 =	sld [smem:$0x3FA3]  }
0x28: {  	s2 =	sld [smem:$0x3FA4]  }
0x29: {  	s4 =	sld [smem:$0x3FA6]  }
0x2a: {  	p0 =	seq.s32 s5, $0x0;
	s5 =	sld [smem:$0x3FA7]  }
0x2b: {  	s6 =	sld [smem:$0x3FA8]  }
0x2c: {  	s7 =	sld [smem:$0x3FA9]  }
0x2d: {  	s3 =	simm.s32 $0x108;
	s8 =	sld [smem:$0x3FAA]  }
0x2e: {  	s3 =	simm.s32 @!p0 $0x1082;
	s9 =	sld [smem:$0x3FAB]  }
0x2f: {  	lr =	sadd.s32 s0, s3;
	s0 =	sld [smem:$0x3FA2]  }
0x30: {  	s3 =	sld [smem:$0x3FA5]  }
0x31: {  	[smem:$0x3FAE] =	sst s10  }
0x32: {  	s10 =	sld [smem:$0x3FAC];
	_ =	sdelay $0x3  }
0x33: {  	p0 =	seq.s32 s10, $0x1;
	s10 =	sld [smem:$0x3FAE];
	_ =	sdelay $0x3  }
0x34: {  	[smem:$0x3FAE] =	sst s10  }
0x35: {  	s10 =	sld [smem:$0x3FAD];
	_ =	sdelay $0x3  }
0x36: {  	p1 =	seq.s32 s10, $0x1;
	s10 =	sld [smem:$0x3FAE];
	_ =	sdelay $0x3  }
0x37: {  	[smem:$0x3FAE] =	sst s10  }
0x38: {  	s10 =	sld [smem:$0x3FAF]  }
0x39: {  	_ = 	snop;
	(pc) =	sbr.ind lr, $3  }
0x3a: {  	_ = 	snop  }
0x3b: {  	_ = 	snop  }
0x3c: {  	p2 =	seq.s32 s10, $0x1;
	s10 =	sld [smem:$0x3FAE]  }
0x3d: {  	_ =	shalt  }
0x3e: {  	_ =	shalt  }
0x3f: {  	_ =	shalt  }
0x40: {  	_ =	shalt  }
0x41: {  	_ =	shalt  }
0x42: {  	_ =	shalt  }
0x43: {  	_ =	shalt  }
0x44: {  	_ =	shalt  }
0x45: {  	_ =	shalt  }
0x46: {  	_ =	shalt  }
0x47: {  	_ =	shalt  }
0x48: {  	_ =	shalt  }
0x49: {  	_ =	shalt  }
0x4a: {  	_ =	shalt  }
0x4b: {  	_ =	shalt  }
0x4c: {  	_ =	shalt  }
0x4d: {  	_ =	shalt  }
0x4e: {  	_ =	shalt  }
0x4f: {  	_ =	shalt  }
0x50: {  	_ =	shalt  }
0x51: {  	_ =	shalt  }
0x52: {  	_ =	shalt  }
0x53: {  	_ =	shalt  }
0x54: {  	_ =	shalt  }
0x55: {  	_ =	shalt  }
0x56: {  	_ =	shalt  }
0x57: {  	_ =	shalt  }
0x58: {  	_ =	shalt  }
0x59: {  	_ =	shalt  }
0x5a: {  	_ =	shalt  }
0x5b: {  	_ =	shalt  }
0x5c: {  	_ =	shalt  }
0x5d: {  	_ =	shalt  }
0x5e: {  	_ =	shalt  }
0x5f: {  	_ =	shalt  }
0x60: {  	_ =	shalt  }
0x61: {  	_ =	shalt  }
0x62: {  	_ =	shalt  }
0x63: {  	_ =	shalt  }
0x64: {  	_ =	shalt  }
0x65: {  	_ =	shalt  }
0x66: {  	_ =	shalt  }
0x67: {  	_ =	shalt  }
0x68: {  	_ =	shalt  }
0x69: {  	_ =	shalt  }
0x6a: {  	_ =	shalt  }
0x6b: {  	_ =	shalt  }
0x6c: {  	_ =	shalt  }
0x6d: {  	_ =	shalt  }
0x6e: {  	_ =	shalt  }
0x6f: {  	_ =	shalt  }
0x70: {  	_ =	shalt  }
0x71: {  	_ =	shalt  }
0x72: {  	_ =	shalt  }
0x73: {  	_ =	shalt  }
0x74: {  	_ =	shalt  }
0x75: {  	_ =	shalt  }
0x76: {  	_ =	shalt  }
0x77: {  	_ =	shalt  }
0x78: {  	_ =	shalt  }
0x79: {  	_ =	shalt  }
0x7a: {  	_ =	shalt  }
0x7b: {  	_ =	shalt  }
0x7c: {  	_ =	shalt  }
0x7d: {  	_ =	shalt  }
0x7e: {  	_ =	shalt  }
0x7f: {  	_ =	shalt  }
0x80: {  	_ =	shalt  }
0x81: {  	_ =	shalt  }
0x82: {  	_ =	shalt  }
0x83: {  	_ =	shalt  }
0x84: {  	_ =	shalt  }
0x85: {  	_ =	shalt  }
0x86: {  	_ =	shalt  }
0x87: {  	_ =	shalt  }
.Lfunc_end0:
.L_simem_size_0:
called_computation.2_lowered:
.L_overlay_start_0:
0x88: {  	s2 =	sld [smem:$0x3FD9]  }
0x89: {  	s3 =	sld [smem:$0x3FFE];
	_ =	sdelay $0x1  }
0x8a: {  	s1 =	srdreg.scid  }
0x8b: {  	s0 =	sand.u32 $0x1, s1  }
0x8c: {  	s17 =	sshll.u32 s0, $0xA;
	s2 =	sadd.s32 s3, s2  }
0x8d: {  	s2 =	sadd.s32 s2, s17  }
0x8e: {  	[smem:$0x3FBA] =	sst s2  }
0x8f: {  	_ = 	snop  }
0x90: {  	s2 =	sld [smem:$0x3FD0];
	(tm) =	ssettm $0x1  }
0x91: {  	s18 =	sld [smem:$0x3FFB];
	_ =	sdelay $0x3  }
0x92: {  	_ =	strace s18  }
0x93: {  	s3 =	sld [smem:$0x3FFC];
	_ =	sdelay $0x3  }
0x94: {  	_ =	strace s3  }
0x95: {  	s3 =	sld [smem:$0x3FFD];
	_ =	sdelay $0x3  }
0x96: {  	_ =	strace s3  }
0x97: {  	_ =	strace $0x8FFFFFFF  }
0x98: {  	s19 =	sld [smem:$0x3FDB];
	_ =	sdelay $0x1  }
0x99: {  	s4 =	simm.s32 $_scs_section_size  }
0x9a: {  	s5 =	simm.s32 $_size__tile_overlayer_lowered;
	s6 =	simm.s32 $_tile_overlayer_lowered  }
0x9b: {  	s22 =	simm.s32 $0x1BFF;
	s21 =	sshll.u32 s6, $0x1;
	s3 =	sadd.s32 s4, s19  }
0x9c: {  	s7 =	simm.s32 $0x0;
	s20 =	sshll.u32 s5, $0x1;
	s5 =	sadd.s32 s21, s3  }
0x9d: {  	[timem:s7], [sflag:s22] =	dma.local [hbm:s5], s20  }
0x9e: {  	_ =	swait.ge [sflag:s22], s20  }
0x9f: {  	s4 =	ssub.s32 $0x0, s20;
	[sflag:s22] =	ssyncset.done $0x0  }
0xa0: {  	[sflag:s22] =	ssyncadd.s32 s4;
	_ =	sdelay $0x1  }
0xa1: {  	s23 =	simm.s32 $0x1B8B  }
0xa2: {  	_ =	swait.ge [sflag:s23], $0x1  }
0xa3: {  	[sflag:s23] =	ssyncset.done $0x0  }
0xa4: {  	s25 =	simm.s32 $0x1B8E;
	s24 =	sld [smem:$0x3FFE];
	[sflag:s23] =	ssyncadd.s32 $0xFFFFFFFF  }
0xa5: {  	s26 =	simm.s32 $execute0_lowered;
	[smem:$0x3FD2] =	sst s25  }
0xa6: {  	s5 =	sshll.u32 s26, $0x1;
	_ =	strace $0x8000004C;
	[dreg:$0x1] =	wrdreg $0xFFFFFFFF  }
0xa7: {  	s28 =	simm.s32 $_size_execute0_lowered;
	s3 =	sadd.s32 s3, s5;
	[dreg:$0x0] =	wrdreg $0x0  }
0xa8: {  	s5 =	sshll.u32 s28, $0x1;
	[dreg:$0x2] =	wrdreg s3  }
0xa9: {  	[dreg:$0x3] =	wrdreg s5  }
0xaa: {  	[dreg:$0x4] =	wrdreg $0xC0  }
0xab: {  	_ =	task [dreg:s7], $0x5FFFF  }
0xac: {  	[dreg:$0x1] =	wrdreg $0xFFFFFFFF  }
0xad: {  	[dreg:$0x0] =	wrdreg $0x60  }
0xae: {  	[dreg:$0x2] =	wrdreg s24  }
0xaf: {  	[dreg:$0x3] =	wrdreg s2  }
0xb0: {  	[dreg:$0x4] =	wrdreg $0x9  }
0xb1: {  	_ =	task.clear_ibuf [dreg:s7], $0x5FFFF;
	_ =	strace $0x9000004C  }
0xb2: {  	s29 =	simm.s32 $0x9;
	_ =	strace $0x8000004E  }
0xb3: {  	_ =	swait.ge [sflag:s29], $0x1  }
0xb4: {  	[sflag:s29] =	ssyncadd.s32 $0xFFFFFFFF  }
0xb5: {  	_ =	strace $0x9000004E  }
0xb6: {  	_ =	sfence  }
0xb7: {  	s30 =	sld [smem:$0x0];
	_ =	sdelay $0x2  }
0xb8: {  	s31 =	sshll.u32 s1, $0xD;
	s1 =	sshrl.u32 s1, $0x2  }
0xb9: {  	s3 =	sand.u32 $0x4000, s31;
	s1 =	sadd.s32 s1, s30  }
0xba: {  	s0 =	sor.u32 s3, s0;
	s1 =	sshll.u32 s1, $0x11  }
0xbb: {  	s0 =	sor.u32 s1, s0  }
0xbc: {  	s0 =	sadd.s32 $0x8F2B, s0  }
0xbd: {  	[sflag:s0] =	ssyncadd.remote.s32 $0x1  }
0xbe: {  	_ =	sfence.sel $0xFFFF  }
0xbf: {  	[dreg:$0x0] =	wrdreg $0xFFFFFFFF;
	(pc) =	sbr.abs _section_cstart, $3  }
0xc0: {  	[dreg:$0x1] =	wrdreg $0xFFFFFFFF  }
0xc1: {  	_ =	task.clear_ibuf [dreg:s7], $0x2FFFF;
	_ =	strace $0x9FFFFFFF  }
0xc2: {  	(tm) =	ssettm $0x7FFFFFFF  }
0xc3: {  	_ =	shalt  }
tec
execute0_lowered:
.L_overlay_start_1:
0x0: {  	(tag) =	ssettag $0x1  }
0x1: {  	s1 =	srdreg.scid;
	s0 =	stileid.u32  }
0x2: {  	s12 =	rddreg [dreg:$0x0];
	s13 =	sand.u32 $0x1, s1;
	s29 =	sshll.u32 s0, $0x1  }
0x3: {  	s10 =	rddreg [dreg:$0x1];
	s9 =	sor.u32 s13, s29  }
0x4: {  	s2 =	simm.s32 $0x0;
	s1 =	rddreg [dreg:$0x2];
	s3 =	sshll.u32 s9, $0x6  }
0x5: {  	[smem:$0x7FF] =	sst s2;
	s3 =	sadd.s32 s3, s12  }
0x6: {  	_ =	strace $0x8000004D;
	s4 =	sadd.s32 $0x34800, s3;
	s3 =	simm.s32 $0x2  }
0x7: {  	[tilespmem:s2], [sflag:$0x2] =	stream.linear.gather [hbm4b:s4+s2], $0x200, $0x38;
	[tilespmem:$0x4200] =	vst v63  }
0x8: {  	_ =	swait.ge [sflag:s3], $0x200  }
0x9: {  	s6 =	simm.s32 $0x80;
	s7 =	simm.s32 $0x200;
	[sflag:s3] =	ssyncset.done $0x0  }
0xa: {  	s8 =	simm.s32 $0x1;
	s5 =	sadd.s32 $0x3800, s12;
	[sflag:s3] =	ssyncadd.s32 $0xFFFFFE00  }
0xb: {  	[tilespmem:s7], [sflag:$0x1] =	stream.indirect.gather [hbm4b:s5+s6], $0x80, s2, s6, $0xb8;
	[tilespmem:$0x4200] =	vst v63  }
0xc: {  	_ =	swait.ge [sflag:s8], $0x4000  }
0xd: {  	s14 =	sshll.u32 s9, $0xC;
	[sflag:s8] =	ssyncset.done $0x0  }
0xe: {  	s9 =	sadd.s32 s10, s14;
	[sflag:s8] =	ssyncadd.s32 $0xFFFFC000  }
0xf: {  	[hbm4b:s9+s2] =	stream.linear.scatter [tilespmem:s7], [sflag:$0x2], $0x4000, $0x38;
	[tilespmem:$0x4200] =	vst v63  }
0x10: {  	_ =	swait.ge [sflag:s3], $0x4000  }
0x11: {  	[sflag:s3] =	ssyncset.done $0x0  }
0x12: {  	[sflag:s3] =	ssyncadd.s32 $0xFFFFC000  }
0x13: {  	[tilespmem:s7], [sflag:$0x1] =	stream.indirect.gather [hbm4b:s5+s6], $0x80, s6, s6, $0xb8;
	[tilespmem:$0x4200] =	vst v63  }
0x14: {  	_ =	swait.ge [sflag:s8], $0x4000  }
0x15: {  	s15 =	sor.u32 $0x800, s14;
	[sflag:s8] =	ssyncset.done $0x0  }
0x16: {  	s10 =	sadd.s32 s10, s15;
	[sflag:s8] =	ssyncadd.s32 $0xFFFFC000  }
0x17: {  	[hbm4b:s10+s2] =	stream.linear.scatter [tilespmem:s7], [sflag:$0x2], $0x4000, $0x38;
	[tilespmem:$0x4200] =	vst v63  }
0x18: {  	_ =	swait.ge [sflag:s3], $0x4000  }
0x19: {  	[sflag:s3] =	ssyncset.done $0x0  }
0x1a: {  	s11 =	simm.s32 $0x100;
	[sflag:s3] =	ssyncadd.s32 $0xFFFFC000  }
0x1b: {  	[tilespmem:s7], [sflag:$0x1] =	stream.indirect.gather [hbm4b:s5+s6], $0x80, s11, s6, $0xb8;
	[tilespmem:$0x4200] =	vst v63  }
0x1c: {  	_ =	swait.ge [sflag:s8], $0x4000  }
0x1d: {  	s16 =	sadd.s32 $0x35000, s12;
	[sflag:s8] =	ssyncset.done $0x0  }
0x1e: {  	s30 =	ssub.s32 $0x2, s13;
	s12 =	sadd.s32 s16, s14;
	[sflag:s8] =	ssyncadd.s32 $0xFFFFC000  }
0x1f: {  	[hbm4b:s12+s2] =	stream.linear.scatter [tilespmem:s7], [sflag:$0x2], $0x4000, $0x38;
	[tilespmem:$0x4200] =	vst v63  }
0x20: {  	s17 =	sshrl.u32 s30, $0x1;
	_ =	swait.ge [sflag:s3], $0x4000  }
0x21: {  	s17 =	ssub.s32 s30, s17;
	[sflag:s3] =	ssyncset.done $0x0  }
0x22: {  	s13 =	simm.s32 $0x180;
	s31 =	smax.u32 s17, $0x1;
	[sflag:s3] =	ssyncadd.s32 $0xFFFFC000  }
0x23: {  	[tilespmem:s7], [sflag:$0x1] =	stream.indirect.gather [hbm4b:s5+s6], $0x80, s13, s6, $0xb8;
	[tilespmem:$0x4200] =	vst v63  }
0x24: {  	p0 =	sne.s32 s31, $0x1;
	_ =	swait.ge [sflag:s8], $0x4000  }
.Ltmp0:
0x25: {  	[sflag:s8] =	ssyncset.done $0x0;
	(pc) =	sbr.rel @!p0 .LBB2_2-.Ltmp0, $4  }
0x26: {  	s14 =	sadd.s32 s16, s15;
	[sflag:s8] =	ssyncadd.s32 $0xFFFFC000  }
0x27: {  	[hbm4b:s14+s2] =	stream.linear.scatter [tilespmem:s7], [sflag:$0x2], $0x4000, $0x38;
	[tilespmem:$0x4200] =	vst v63  }
0x28: {  	_ =	swait.ge [sflag:s3], $0x4000  }
0x29: {  	s15 =	sadd.s32 $0xFFFFFFFF, s31;
	[sflag:s3] =	ssyncset.done $0x0  }
.LBB2_1:
0x2a: {  	p0 =	sne.s32 s15, $0x1;
	s15 =	sadd.s32 $0xFFFFFFFF, s15;
	[sflag:s3] =	ssyncadd.s32 $0xFFFFC000  }
0x2b: {  	[tilespmem:s2], [sflag:$0x2] =	stream.linear.gather [hbm4b:s4+s2], $0x200, $0x38;
	[tilespmem:$0x4200] =	vst v63  }
0x2c: {  	_ =	swait.ge [sflag:s3], $0x200  }
0x2d: {  	[sflag:s3] =	ssyncset.done $0x0  }
0x2e: {  	[sflag:s3] =	ssyncadd.s32 $0xFFFFFE00  }
0x2f: {  	[tilespmem:s7], [sflag:$0x1] =	stream.indirect.gather [hbm4b:s5+s6], $0x80, s2, s6, $0xb8;
	[tilespmem:$0x4200] =	vst v63  }
0x30: {  	_ =	swait.ge [sflag:s8], $0x4000  }
0x31: {  	[sflag:s8] =	ssyncset.done $0x0  }
0x32: {  	[sflag:s8] =	ssyncadd.s32 $0xFFFFC000  }
0x33: {  	[hbm4b:s9+s2] =	stream.linear.scatter [tilespmem:s7], [sflag:$0x2], $0x4000, $0x38;
	[tilespmem:$0x4200] =	vst v63  }
0x34: {  	_ =	swait.ge [sflag:s3], $0x4000  }
0x35: {  	[sflag:s3] =	ssyncset.done $0x0  }
0x36: {  	[sflag:s3] =	ssyncadd.s32 $0xFFFFC000  }
0x37: {  	[tilespmem:s7], [sflag:$0x1] =	stream.indirect.gather [hbm4b:s5+s6], $0x80, s6, s6, $0xb8;
	[tilespmem:$0x4200] =	vst v63  }
0x38: {  	_ =	swait.ge [sflag:s8], $0x4000  }
0x39: {  	[sflag:s8] =	ssyncset.done $0x0  }
0x3a: {  	[sflag:s8] =	ssyncadd.s32 $0xFFFFC000  }
0x3b: {  	[hbm4b:s10+s2] =	stream.linear.scatter [tilespmem:s7], [sflag:$0x2], $0x4000, $0x38;
	[tilespmem:$0x4200] =	vst v63  }
0x3c: {  	_ =	swait.ge [sflag:s3], $0x4000  }
0x3d: {  	[sflag:s3] =	ssyncset.done $0x0  }
0x3e: {  	[sflag:s3] =	ssyncadd.s32 $0xFFFFC000  }
0x3f: {  	[tilespmem:s7], [sflag:$0x1] =	stream.indirect.gather [hbm4b:s5+s6], $0x80, s11, s6, $0xb8;
	[tilespmem:$0x4200] =	vst v63  }
0x40: {  	_ =	swait.ge [sflag:s8], $0x4000  }
0x41: {  	[sflag:s8] =	ssyncset.done $0x0  }
0x42: {  	[sflag:s8] =	ssyncadd.s32 $0xFFFFC000  }
0x43: {  	[hbm4b:s12+s2] =	stream.linear.scatter [tilespmem:s7], [sflag:$0x2], $0x4000, $0x38;
	[tilespmem:$0x4200] =	vst v63  }
0x44: {  	_ =	swait.ge [sflag:s3], $0x4000  }
0x45: {  	[sflag:s3] =	ssyncset.done $0x0  }
0x46: {  	[sflag:s3] =	ssyncadd.s32 $0xFFFFC000  }
0x47: {  	[tilespmem:s7], [sflag:$0x1] =	stream.indirect.gather [hbm4b:s5+s6], $0x80, s13, s6, $0xb8;
	[tilespmem:$0x4200] =	vst v63  }
0x48: {  	_ =	swait.ge [sflag:s8], $0x4000  }
.Ltmp1:
0x49: {  	[sflag:s8] =	ssyncset.done $0x0;
	(pc) =	sbr.rel @p0 .LBB2_1-.Ltmp1, $4  }
0x4a: {  	[sflag:s8] =	ssyncadd.s32 $0xFFFFC000  }
0x4b: {  	[hbm4b:s14+s2] =	stream.linear.scatter [tilespmem:s7], [sflag:$0x2], $0x4000, $0x38;
	[tilespmem:$0x4200] =	vst v63  }
0x4c: {  	_ =	swait.ge [sflag:s3], $0x4000  }
0x4d: {  	[sflag:s3] =	ssyncset.done $0x0  }
.LBB2_2:
0x4e: {  	[sflag:s3] =	ssyncadd.s32 $0xFFFFC000  }
0x4f: {  	_ =	sfence.sel $0x180000  }
0x50: {  	[bflag:$0x0] =	sbarrier.arrive $0xFFFF  }
0x51: {  	p0 =	sne.s32 s0, $0x0;
	_ =	strace $0x9000004D  }
0x52: {  	s0 =	sadd.s32 @!p0 $0x100000, s1;
	[bflag:$0x2] =	sbarrier.arrive $0xFFFF  }
0x53: {  	[sflag:s0] =	ssyncadd.tile.s32 @!p0 $0x1;
	_ =	shalt  }
.Lfunc_end2:
_tile_overlayer_lowered:
.L_overlay_start_2:
0x54: {  	(tag) =	ssettag $0x2  }
0x55: {  	s0 =	rddreg [dreg:$0x0];
	s2 =	stileid.u32  }
0x56: {  	s1 =	rddreg [dreg:$0x1];
	p0 =	sne.s32 s2, $0x0  }
0x57: {  	s3 =	rddreg [dreg:$0x2];
	[bflag:$0x3] =	sbarrier.arrive $0xFFFF;
	s2 =	simm.s32 @!p0 $0x1C02  }
0x58: {  	[timem:s3], [sflag:s2] =	dma.local @!p0 [hbm:s0], s1  }
0x59: {  	s0 =	simm.s32 @!p0 $0x2  }
0x5a: {  	_ =	swait.ge @!p0 [sflag:s0], s1  }
0x5b: {  	s1 =	ssub.s32 @!p0 $0x0, s1;
	[sflag:s0] =	ssyncset.done @!p0 $0x0  }
0x5c: {  	[sflag:s0] =	ssyncadd.s32 @!p0 s1  }
0x5d: {  	[bflag:$0x3] =	sbarrier.arrive $0xFFFF  }
0x5e: {  	_ =	shalt  }

// kernel: kernel.9.cloned.1.call-start
scs
__scs_entry_jumppad:
0x0: {  	(pc) =	sbr.rel $0x88, $3  }
0x1: {  	(tag) =	ssettag $0x0;
	lr =	simm.s32 $0x1  }
0x2: {  	[smem:$0x3F93] =	sst lr;
	_ =	strace $0xD0000000  }
0x3: {  	_ = 	snop  }
0x4: {  	_ = 	snop  }
0x5: {  	_ = 	snop  }
0x6: {  	_ = 	snop  }
0x7: {  	_ = 	snop  }
__scs_overlays_trampoline_lowered:
0x8: {  	[smem:$0x3FA2] =	sst s0  }
0x9: {  	[smem:$0x3FA3] =	sst s1  }
0xa: {  	[smem:$0x3FA4] =	sst s2  }
0xb: {  	[smem:$0x3FA5] =	sst s3  }
0xc: {  	[smem:$0x3FA6] =	sst s4  }
0xd: {  	[smem:$0x3FA7] =	sst s5  }
0xe: {  	[smem:$0x3FA8] =	sst s6  }
0xf: {  	[smem:$0x3FA9] =	sst s7  }
0x10: {  	[smem:$0x3FAA] =	sst s8  }
0x11: {  	[smem:$0x3FAB] =	sst s9;
	s0 =	simm.s32 @!p0 $0x0  }
0x12: {  	s1 =	sld [smem:$0x3F91];
	s0 =	simm.s32 @p0 $0x1  }
0x13: {  	[smem:$0x3FAC] =	sst s0;
	s0 =	simm.s32 @!p1 $0x0  }
0x14: {  	s2 =	sld [smem:$0x3F90];
	s0 =	simm.s32 @p1 $0x1  }
0x15: {  	[smem:$0x3FAD] =	sst s0;
	s0 =	simm.s32 @!p2 $0x0  }
0x16: {  	s3 =	sld [smem:$0x3FDB];
	s0 =	simm.s32 @p2 $0x1  }
0x17: {  	s4 =	simm.s32 $0x1BF5;
	[smem:$0x3FAF] =	sst s0  }
0x18: {  	s0 =	sld [smem:$0x3F92];
	_ =	swait.ge [sflag:s4], $0x0  }
0x19: {  	s7 =	sld [smem:$0x3F93]  }
0x1a: {  	s8 =	sadd.s32 $0xFFFFE003, lr  }
0x1b: {  	s9 =	sadd.s32 $0xFFFFFEF7, lr;
	s5 =	simm.s32 $0xFFFFFFFF;
	p2 =	slt.u32 s8, $0xFFFFF086  }
0x1c: {  	p1 =	slt.u32 s9, $0xF7A;
	s5 =	simm.s32 @!p2 $0x0  }
0x1d: {  	s5 =	simm.s32 @p1 $0x1;
	p0 =	seq.s32 s7, s2  }
0x1e: {  	s7 =	smul.u32 @!p0 $0xF7A, s2;
	p2 =	seq.s32 @!p0 s5, $0x0  }
0x1f: {  	s9 =	smul.u32 $0xF7A, s1;
	s8 =	simm.s32 @!p0 $0x1BF5;
	p2 =	por !p2, p0  }
0x20: {  	[sflag:s8] =	ssyncset.s32 @!p0 $0xFFFFF086;
	s6 =	sadd.s32 @!p0 s3, s7;
	s7 =	simm.s32 @!p0 $0x108  }
0x21: {  	s3 =	sadd.s32 s3, s9;
	s6 =	sadd.s32 @!p0 $0x88, s6;
	s7 =	simm.s32 @p2 $0x1082  }
0x22: {  	[simem:s7], [sflag:s8] =	dma.local @!p0 [hbm:s6], $0xF7A  }
0x23: {  	s9 =	sor.u32 $0xD0000000, s2;
	s6 =	simm.s32 $0x108;
	_ =	swait.ge @!p0 [sflag:s8], $0x0  }
0x24: {  	s3 =	sadd.s32 $0x88, s3;
	s6 =	simm.s32 @!p1 $0x1082;
	[sflag:s4] =	ssyncset.s32 $0xFFFFF086  }
0x25: {  	[simem:s6], [sflag:s4] =	dma.local [hbm:s3], $0xF7A  }
0x26: {  	[smem:$0x3F93] =	sst s1;
	(tag) =	ssettag s2;
	_ =	strace s9  }
0x27: {  	s1 =	sld [smem:$0x3FA3]  }
0x28: {  	s2 =	sld [smem:$0x3FA4]  }
0x29: {  	s4 =	sld [smem:$0x3FA6]  }
0x2a: {  	p0 =	seq.s32 s5, $0x0;
	s5 =	sld [smem:$0x3FA7]  }
0x2b: {  	s6 =	sld [smem:$0x3FA8]  }
0x2c: {  	s7 =	sld [smem:$0x3FA9]  }
0x2d: {  	s3 =	simm.s32 $0x108;
	s8 =	sld [smem:$0x3FAA]  }
0x2e: {  	s3 =	simm.s32 @!p0 $0x1082;
	s9 =	sld [smem:$0x3FAB]  }
0x2f: {  	lr =	sadd.s32 s0, s3;
	s0 =	sld [smem:$0x3FA2]  }
0x30: {  	s3 =	sld [smem:$0x3FA5]  }
0x31: {  	[smem:$0x3FAE] =	sst s10  }
0x32: {  	s10 =	sld [smem:$0x3FAC];
	_ =	sdelay $0x3  }
0x33: {  	p0 =	seq.s32 s10, $0x1;
	s10 =	sld [smem:$0x3FAE];
	_ =	sdelay $0x3  }
0x34: {  	[smem:$0x3FAE] =	sst s10  }
0x35: {  	s10 =	sld [smem:$0x3FAD];
	_ =	sdelay $0x3  }
0x36: {  	p1 =	seq.s32 s10, $0x1;
	s10 =	sld [smem:$0x3FAE];
	_ =	sdelay $0x3  }
0x37: {  	[smem:$0x3FAE] =	sst s10  }
0x38: {  	s10 =	sld [smem:$0x3FAF]  }
0x39: {  	_ = 	snop;
	(pc) =	sbr.ind lr, $3  }
0x3a: {  	_ = 	snop  }
0x3b: {  	_ = 	snop  }
0x3c: {  	p2 =	seq.s32 s10, $0x1;
	s10 =	sld [smem:$0x3FAE]  }
0x3d: {  	_ =	shalt  }
0x3e: {  	_ =	shalt  }
0x3f: {  	_ =	shalt  }
0x40: {  	_ =	shalt  }
0x41: {  	_ =	shalt  }
0x42: {  	_ =	shalt  }
0x43: {  	_ =	shalt  }
0x44: {  	_ =	shalt  }
0x45: {  	_ =	shalt  }
0x46: {  	_ =	shalt  }
0x47: {  	_ =	shalt  }
0x48: {  	_ =	shalt  }
0x49: {  	_ =	shalt  }
0x4a: {  	_ =	shalt  }
0x4b: {  	_ =	shalt  }
0x4c: {  	_ =	shalt  }
0x4d: {  	_ =	shalt  }
0x4e: {  	_ =	shalt  }
0x4f: {  	_ =	shalt  }
0x50: {  	_ =	shalt  }
0x51: {  	_ =	shalt  }
0x52: {  	_ =	shalt  }
0x53: {  	_ =	shalt  }
0x54: {  	_ =	shalt  }
0x55: {  	_ =	shalt  }
0x56: {  	_ =	shalt  }
0x57: {  	_ =	shalt  }
0x58: {  	_ =	shalt  }
0x59: {  	_ =	shalt  }
0x5a: {  	_ =	shalt  }
0x5b: {  	_ =	shalt  }
0x5c: {  	_ =	shalt  }
0x5d: {  	_ =	shalt  }
0x5e: {  	_ =	shalt  }
0x5f: {  	_ =	shalt  }
0x60: {  	_ =	shalt  }
0x61: {  	_ =	shalt  }
0x62: {  	_ =	shalt  }
0x63: {  	_ =	shalt  }
0x64: {  	_ =	shalt  }
0x65: {  	_ =	shalt  }
0x66: {  	_ =	shalt  }
0x67: {  	_ =	shalt  }
0x68: {  	_ =	shalt  }
0x69: {  	_ =	shalt  }
0x6a: {  	_ =	shalt  }
0x6b: {  	_ =	shalt  }
0x6c: {  	_ =	shalt  }
0x6d: {  	_ =	shalt  }
0x6e: {  	_ =	shalt  }
0x6f: {  	_ =	shalt  }
0x70: {  	_ =	shalt  }
0x71: {  	_ =	shalt  }
0x72: {  	_ =	shalt  }
0x73: {  	_ =	shalt  }
0x74: {  	_ =	shalt  }
0x75: {  	_ =	shalt  }
0x76: {  	_ =	shalt  }
0x77: {  	_ =	shalt  }
0x78: {  	_ =	shalt  }
0x79: {  	_ =	shalt  }
0x7a: {  	_ =	shalt  }
0x7b: {  	_ =	shalt  }
0x7c: {  	_ =	shalt  }
0x7d: {  	_ =	shalt  }
0x7e: {  	_ =	shalt  }
0x7f: {  	_ =	shalt  }
0x80: {  	_ =	shalt  }
0x81: {  	_ =	shalt  }
0x82: {  	_ =	shalt  }
0x83: {  	_ =	shalt  }
0x84: {  	_ =	shalt  }
0x85: {  	_ =	shalt  }
0x86: {  	_ =	shalt  }
0x87: {  	_ =	shalt  }
.Lfunc_end0:
.L_simem_size_0:
called_computation_lowered:
.L_overlay_start_0:
0x88: {  	s2 =	sld [smem:$0x3FD9]  }
0x89: {  	s3 =	sld [smem:$0x3FFE];
	_ =	sdelay $0x1  }
0x8a: {  	s1 =	srdreg.scid  }
0x8b: {  	s0 =	sand.u32 $0x1, s1  }
0x8c: {  	s17 =	sshll.u32 s0, $0xA;
	s2 =	sadd.s32 s3, s2  }
0x8d: {  	s2 =	sadd.s32 s2, s17  }
0x8e: {  	[smem:$0x3FBA] =	sst s2  }
0x8f: {  	_ = 	snop  }
0x90: {  	s2 =	sld [smem:$0x3FD0];
	(tm) =	ssettm $0x1  }
0x91: {  	s18 =	sld [smem:$0x3FFB];
	_ =	sdelay $0x3  }
0x92: {  	_ =	strace s18  }
0x93: {  	s3 =	sld [smem:$0x3FFC];
	_ =	sdelay $0x3  }
0x94: {  	_ =	strace s3  }
0x95: {  	s3 =	sld [smem:$0x3FFD];
	_ =	sdelay $0x3  }
0x96: {  	_ =	strace s3  }
0x97: {  	_ =	strace $0x8FFFFFFF  }
0x98: {  	s19 =	sld [smem:$0x3FDB];
	_ =	sdelay $0x1  }
0x99: {  	s4 =	simm.s32 $_scs_section_size  }
0x9a: {  	s5 =	simm.s32 $_size__tile_overlayer_lowered;
	s6 =	simm.s32 $_tile_overlayer_lowered  }
0x9b: {  	s22 =	simm.s32 $0x1BFF;
	s21 =	sshll.u32 s6, $0x1;
	s3 =	sadd.s32 s4, s19  }
0x9c: {  	s7 =	simm.s32 $0x0;
	s20 =	sshll.u32 s5, $0x1;
	s5 =	sadd.s32 s21, s3  }
0x9d: {  	[timem:s7], [sflag:s22] =	dma.local [hbm:s5], s20  }
0x9e: {  	_ =	swait.ge [sflag:s22], s20  }
0x9f: {  	s4 =	ssub.s32 $0x0, s20;
	[sflag:s22] =	ssyncset.done $0x0  }
0xa0: {  	[sflag:s22] =	ssyncadd.s32 s4;
	_ =	sdelay $0x1  }
0xa1: {  	s23 =	simm.s32 $0x1B8B  }
0xa2: {  	_ =	swait.ge [sflag:s23], $0x1  }
0xa3: {  	[sflag:s23] =	ssyncset.done $0x0  }
0xa4: {  	s25 =	simm.s32 $0x1B8E;
	s24 =	sld [smem:$0x3FFE];
	[sflag:s23] =	ssyncadd.s32 $0xFFFFFFFF  }
0xa5: {  	s26 =	simm.s32 $execute0_lowered;
	[smem:$0x3FD2] =	sst s25  }
0xa6: {  	s5 =	sshll.u32 s26, $0x1;
	_ =	strace $0x80000046;
	[dreg:$0x1] =	wrdreg $0xFFFFFFFF  }
0xa7: {  	s28 =	simm.s32 $_size_execute0_lowered;
	s3 =	sadd.s32 s3, s5;
	[dreg:$0x0] =	wrdreg $0x0  }
0xa8: {  	s5 =	sshll.u32 s28, $0x1;
	[dreg:$0x2] =	wrdreg s3  }
0xa9: {  	[dreg:$0x3] =	wrdreg s5  }
0xaa: {  	[dreg:$0x4] =	wrdreg $0xC0  }
0xab: {  	_ =	task [dreg:s7], $0x5FFFF  }
0xac: {  	[dreg:$0x1] =	wrdreg $0xFFFFFFFF  }
0xad: {  	[dreg:$0x0] =	wrdreg $0x60  }
0xae: {  	[dreg:$0x2] =	wrdreg s24  }
0xaf: {  	[dreg:$0x3] =	wrdreg s2  }
0xb0: {  	[dreg:$0x4] =	wrdreg $0x14B580  }
0xb1: {  	[dreg:$0x5] =	wrdreg $0x148E00  }
0xb2: {  	[dreg:$0x6] =	wrdreg $0x9  }
0xb3: {  	_ =	task.clear_ibuf [dreg:s7], $0x7FFFF;
	_ =	strace $0x90000046  }
0xb4: {  	s29 =	simm.s32 $0x9;
	_ =	strace $0x80000048  }
0xb5: {  	_ =	swait.ge [sflag:s29], $0x1  }
0xb6: {  	[sflag:s29] =	ssyncadd.s32 $0xFFFFFFFF  }
0xb7: {  	_ =	strace $0x90000048  }
0xb8: {  	_ =	sfence  }
0xb9: {  	s30 =	sld [smem:$0x0];
	_ =	sdelay $0x2  }
0xba: {  	s31 =	sshll.u32 s1, $0xD;
	s1 =	sshrl.u32 s1, $0x2  }
0xbb: {  	s3 =	sand.u32 $0x4000, s31;
	s1 =	sadd.s32 s1, s30  }
0xbc: {  	s0 =	sor.u32 s3, s0;
	s1 =	sshll.u32 s1, $0x11  }
0xbd: {  	s0 =	sor.u32 s1, s0  }
0xbe: {  	s0 =	sadd.s32 $0x8F2B, s0  }
0xbf: {  	[sflag:s0] =	ssyncadd.remote.s32 $0x1  }
0xc0: {  	_ =	sfence.sel $0xFFFF  }
0xc1: {  	[dreg:$0x0] =	wrdreg $0xFFFFFFFF;
	(pc) =	sbr.abs _section_cstart, $3  }
0xc2: {  	[dreg:$0x1] =	wrdreg $0xFFFFFFFF  }
0xc3: {  	_ =	task.clear_ibuf [dreg:s7], $0x2FFFF;
	_ =	strace $0x9FFFFFFF  }
0xc4: {  	(tm) =	ssettm $0x7FFFFFFF  }
0xc5: {  	_ =	shalt  }
tec
execute0_lowered:
.L_overlay_start_1:
0x0: {  	(tag) =	ssettag $0x1  }
0x1: {  	s0 =	rddreg [dreg:$0x0]  }
0x2: {  	s4 =	rddreg [dreg:$0x1]  }
0x3: {  	s1 =	rddreg [dreg:$0x2]  }
0x4: {  	s2 =	rddreg [dreg:$0x3]  }
0x5: {  	s3 =	srdreg.scid;
	s15 =	stileid.u32;
	s18 =	simm.s32 $0x9C40  }
0x6: {  	s19 =	simm.s32 $0x9CE0;
	s21 =	simm.s32 $0xED80;
	s22 =	simm.s32 $0x3  }
0x7: {  	s28 =	simm.s32 $0x1;
	s30 =	simm.s32 $0xC580;
	s7 =	smul.u32 $0x9D8, s15  }
0x8: {  	s29 =	simm.s32 $0x4;
	s31 =	simm.s32 $0x2;
	s23 =	smul.u32 $0x27000, s15  }
0x9: {  	s6 =	sand.u32 $0x1, s3;
	s3 =	simm.s32 $0x0;
	s14 =	smul.u32 $0x9C00, s15  }
0xa: {  	p2 =	sne.s32 s15, $0xF;
	p1 =	sne.s32 s15, $0x0;
	s5 =	smul.u32 $0x138C0, s6  }
0xb: {  	p3 =	seq.s32 s15, $0x0;
	[smem:$0x7FF] =	sst s3;
	s8 =	smul.u32 $0x13880, s6  }
0xc: {  	s24 =	smul.u32 $0x4E2, s6;
	s11 =	ssub.s32 $0x2, s6;
	p0 =	seq.s32 s6, $0x0  }
0xd: {  	p4 =	sne.s32 s6, $0x0;
	p5 =	sne.s32 @!p3 s15, $0xF;
	_ =	strace $0x80000047  }
0xe: {  	s10 =	sadd.s32 s7, s0;
	s13 =	sshrl.u32 s11, $0x1;
	s4 =	sadd.s32 s4, s7  }
0xf: {  	s20 =	sshrl.u32 s14, $0x3;
	s18 =	simm.s32 @!p0 $0x9C90;
	s19 =	simm.s32 @!p0 $0x9D30  }
0x10: {  	p5 =	por p5, p3;
	s9 =	sadd.s32 s5, s0;
	s12 =	sadd.s32 s8, s0  }
0x11: {  	s5 =	sshrl.u32 s23, $0x2;
	s0 =	sadd.s32 s24, s0;
	s13 =	ssub.s32 s11, s13  }
0x12: {  	[dreg:$0x7] =	wrdreg s4;
	s16 =	sadd.s32 $0x3800, s10;
	s23 =	simm.s32 $0x50  }
0x13: {  	s24 =	simm.s32 $0x9D80;
	s25 =	sadd.s32 s5, s1;
	s5 =	sadd.s32 s14, s1  }
0x14: {  	[dreg:$0x8] =	wrdreg s16;
	s11 =	sadd.s32 $0xD600, s9;
	s0 =	sadd.s32 $0x34800, s0  }
0x15: {  	s17 =	sadd.s32 $0x35200, s12;
	s26 =	sadd.s32 $0x3400, s25;
	[dreg:$0x9] =	wrdreg s0  }
0x16: {  	s14 =	simm.s32 $0x4EC0;
	s8 =	sadd.s32 $0x6800, s25;
	[dreg:$0x5] =	wrdreg s26  }
0x17: {  	s25 =	smax.u32 s13, $0x1;
	s14 =	simm.s32 @!p0 $0x4F10;
	[dreg:$0x6] =	wrdreg s8  }
0x18: {  	s0 =	simm.s32 $0xD980;
	s8 =	sadd.s32 $0x9C000, s1;
	[dreg:$0xa] =	wrdreg s25  }
0x19: {  	s25 =	smov.u32 s17;
	s26 =	sadd.s32 s20, s17;
	s20 =	simm.s32 $0x14890  }
0x1a: {  	v0 =	vimm.f32 $0.0e+00;
	v1 =	vimm.f32 $1.000000000e+00;
	s17 =	simm.s32 $0x0;
	[dreg:$0xb] =	wrdreg s26;
	s26 =	simm.s32 $0xB180  }
.LBB2_1:
0x1b: {  	s6 =	simm.s32 $0x100;
	s4 =	simm.s32 $0x0  }
.LBB2_2:
0x1c: {  	p6 =	sne.s32 s6, $0xCF00;
	[tilespmem:s4+$0xEDB0] =	vst v0;
	s7 =	smov.u32 s6;
	s6 =	sadd.s32 $0x100, s6  }
.Ltmp0:
0x1d: {  	[tilespmem:s4+$0xEDA0] =	vst v0;
	(pc) =	sbr.rel @p6 .LBB2_2-.Ltmp0, $3  }
0x1e: {  	[tilespmem:s4+$0xED80] =	vst v0  }
0x1f: {  	[tilespmem:s4+$0xED90] =	vst v0;
	_ =	sdelay $0x1  }
0x20: {  	s4 =	sshra.s32 s7, $0x2  }
0x21: {  	[tilespmem:s4+$0xEDB0] =	vst v0  }
0x22: {  	[tilespmem:s4+$0xEDA0] =	vst v0  }
0x23: {  	[tilespmem:s4+$0xED80] =	vst v0  }
0x24: {  	[tilespmem:s4+$0xED90] =	vst v0  }
0x25: {  	[spmem:s5] =	stream.linear.scatter [tilespmem:s21], [sflag:$0x3], $0x3400, $0x38;
	[tilespmem:$0x1E7B8] =	vst v63  }
0x26: {  	_ =	swait.ge [sflag:s22], $0x3400  }
0x27: {  	[sflag:s22] =	ssyncset.done $0x0  }
0x28: {  	s15 =	rddreg [dreg:$0x5];
	[sflag:s22] =	ssyncadd.s32 $0xFFFFCC00  }
0x29: {  	[spmem:s15] =	stream.linear.scatter [tilespmem:s21], [sflag:$0x3], $0x3400, $0x38;
	[tilespmem:$0x1E7B8] =	vst v63  }
0x2a: {  	_ =	swait.ge [sflag:s22], $0x3400  }
0x2b: {  	[sflag:s22] =	ssyncset.done $0x0  }
0x2c: {  	s16 =	rddreg [dreg:$0x6];
	[sflag:s22] =	ssyncadd.s32 $0xFFFFCC00  }
0x2d: {  	[spmem:s16] =	stream.linear.scatter [tilespmem:s21], [sflag:$0x3], $0x3400, $0x38;
	[tilespmem:$0x1E7B8] =	vst v63  }
0x2e: {  	_ =	swait.ge [sflag:s22], $0x3400  }
0x2f: {  	[sflag:s22] =	ssyncset.done $0x0  }
0x30: {  	s4 =	simm.s32 @!p2 $0xED80;
	[sflag:s22] =	ssyncadd.s32 $0xFFFFCC00  }
0x31: {  	[spmem:s8] =	stream.linear.scatter @!p2 [tilespmem:s4], [sflag:$0x3], $0x400, $0x38;
	[tilespmem:$0x1E7B8] =	vst v63  }
0x32: {  	s4 =	simm.s32 @!p2 $0x3  }
0x33: {  	_ =	swait.ge @!p2 [sflag:s4], $0x400  }
0x34: {  	[sflag:s4] =	ssyncset.done @!p2 $0x0  }
0x35: {  	s6 =	simm.s32 $0x0;
	[sflag:s4] =	ssyncadd.s32 @!p2 $0xFFFFFC00;
	s4 =	simm.s32 $0x40  }
.LBB2_4:
0x36: {  	p6 =	sne.s32 s4, $0x9C00;
	[tilespmem:s6+$0x12180] =	vst v0;
	s6 =	smov.u32 s4;
	s4 =	sadd.s32 $0x40, s4  }
.Ltmp1:
0x37: {  	(pc) =	sbr.rel @p6 .LBB2_4-.Ltmp1, $2  }
0x38: {  	_ =	sdelay $0x2  }
0x39: {  	s6 =	sshra.s32 s6, $0x2  }
0x3a: {  	[tilespmem:s6+$0x12180] =	vst v0  }
0x3b: {  	[tilespmem:$0x14890] =	vst v1  }
0x3c: {  	[tilespmem:$0x148A0] =	vst v1  }
0x3d: {  	[tilespmem:$0x148B0] =	vst v1  }
0x3e: {  	[tilespmem:$0x148C0] =	vst v1  }
0x3f: {  	s4 =	simm.s32 @!p1 $0x12180;
	[tilespmem:$0x148D0] =	vst v1  }
0x40: {  	[spmem:s2] =	stream.linear.scatter @!p1 [tilespmem:s4], [sflag:$0x3], $0x2710, $0x38;
	[tilespmem:$0x1E7B8] =	vst v63  }
0x41: {  	s4 =	simm.s32 @!p1 $0x3  }
0x42: {  	_ =	swait.ge @!p1 [sflag:s4], $0x2710  }
0x43: {  	[sflag:s4] =	ssyncset.done @!p1 $0x0  }
0x44: {  	[sflag:s4] =	ssyncadd.s32 @!p1 $0xFFFFD8F0  }
0x45: {  	[bflag:$0x0] =	sbarrier.arrive $0xFFFF  }
0x46: {  	s9 =	rddreg [dreg:$0x7]  }
0x47: {  	[tilespmem:s3], [sflag:$0x3] =	stream.linear.gather [hbm4b:s9+s3], $0x4EC0, $0x38;
	[tilespmem:$0x1E7B8] =	vst v63  }
0x48: {  	_ =	swait.ge [sflag:s22], $0x4EC0  }
0x49: {  	[sflag:s22] =	ssyncset.done $0x0  }
0x4a: {  	s12 =	simm.s32 $0x4EC0;
	s10 =	rddreg [dreg:$0x8];
	[sflag:s22] =	ssyncadd.s32 $0xFFFFB140  }
0x4b: {  	[tilespmem:s12], [sflag:$0x3] =	stream.linear.gather [hbm4b:s10+s3], $0x4EC0, $0x38;
	[tilespmem:$0x1E7B8] =	vst v63  }
0x4c: {  	_ =	swait.ge [sflag:s22], $0x4EC0  }
0x4d: {  	[sflag:s22] =	ssyncset.done $0x0  }
0x4e: {  	[sflag:s22] =	ssyncadd.s32 $0xFFFFB140  }
0x4f: {  	[tilespmem:s24], [sflag:$0x1] =	stream.indirect.gather [hbm4b:s11+s23], $0x40, s3, s23, $0xb8;
	[tilespmem:$0x1E7B8] =	vst v63  }
0x50: {  	_ = 	snop  }
0x51: {  	[tilespmem:s26], [sflag:$0x1] =	stream.indirect.gather [hbm4b:s11+s23], $0x40, s23, s23, $0xb8;
	[tilespmem:$0x1E7B8] =	vst v63  }
0x52: {  	_ =	swait.ge [sflag:s28], $0x1400  }
0x53: {  	[sflag:s28] =	ssyncset.done $0x0  }
0x54: {  	[sflag:s28] =	ssyncadd.s32 $0xFFFFEC00  }
0x55: {  	_ =	swait.ge [sflag:s28], $0x1400  }
0x56: {  	[sflag:s28] =	ssyncset.done $0x0  }
0x57: {  	s13 =	simm.s32 $0xA0;
	[sflag:s28] =	ssyncadd.s32 $0xFFFFEC00  }
0x58: {  	[tilespmem:s30], [sflag:$0x1] =	stream.indirect.gather [hbm4b:s11+s23], $0x40, s13, s23, $0xb8;
	[tilespmem:$0x1E7B8] =	vst v63  }
0x59: {  	s15 =	simm.s32 $0xF0  }
0x5a: {  	[tilespmem:s0], [sflag:$0x1] =	stream.indirect.gather [hbm4b:s11+s23], $0x40, s15, s23, $0xb8;
	[tilespmem:$0x1E7B8] =	vst v63  }
0x5b: {  	_ = 	snop  }
0x5c: {  	[spmem:s1] =	stream.indirect.scatter.add.f32 [tilespmem:s24], [sflag:$0x2], $0x40, s12, s23, $0xb8;
	[tilespmem:$0x1E7B8] =	vst v63  }
0x5d: {  	s16 =	simm.s32 $0x4F10  }
0x5e: {  	[spmem:s1] =	stream.indirect.scatter.add.f32 [tilespmem:s26], [sflag:$0x2], $0x40, s16, s23, $0xb8;
	[tilespmem:$0x1E7B8] =	vst v63  }
0x5f: {  	_ = 	snop  }
0x60: {  	[spmem:s2] =	stream.indirect.scatter.add.f32 [tilespmem:s20], [sflag:$0x4], $0x1, s14, s23, $0xb8;
	[tilespmem:$0x1E7B8] =	vst v63  }
0x61: {  	_ =	swait.ge [sflag:s29], $0x50  }
0x62: {  	[sflag:s29] =	ssyncset.done $0x0  }
0x63: {  	[sflag:s29] =	ssyncadd.s32 $0xFFFFFFB0  }
0x64: {  	_ =	swait.ge [sflag:s28], $0x1400  }
0x65: {  	[sflag:s28] =	ssyncset.done $0x0  }
0x66: {  	[sflag:s28] =	ssyncadd.s32 $0xFFFFEC00  }
0x67: {  	_ =	swait.ge [sflag:s28], $0x1400  }
0x68: {  	[sflag:s28] =	ssyncset.done $0x0  }
0x69: {  	[sflag:s28] =	ssyncadd.s32 $0xFFFFEC00  }
0x6a: {  	_ =	swait.ge [sflag:s31], $0x1400  }
0x6b: {  	[sflag:s31] =	ssyncset.done $0x0  }
0x6c: {  	[sflag:s31] =	ssyncadd.s32 $0xFFFFEC00  }
0x6d: {  	_ =	swait.ge [sflag:s31], $0x1400  }
0x6e: {  	[sflag:s31] =	ssyncset.done $0x0  }
0x6f: {  	s6 =	simm.s32 $0x140;
	[sflag:s31] =	ssyncadd.s32 $0xFFFFEC00  }
0x70: {  	[tilespmem:s24], [sflag:$0x1] =	stream.indirect.gather [hbm4b:s11+s23], $0x40, s6, s23, $0xb8;
	[tilespmem:$0x1E7B8] =	vst v63  }
0x71: {  	s7 =	simm.s32 $0x190  }
0x72: {  	[tilespmem:s26], [sflag:$0x1] =	stream.indirect.gather [hbm4b:s11+s23], $0x40, s7, s23, $0xb8;
	[tilespmem:$0x1E7B8] =	vst v63  }
0x73: {  	s9 =	simm.s32 $0x4F60  }
0x74: {  	[spmem:s1] =	stream.indirect.scatter.add.f32 [tilespmem:s30], [sflag:$0x2], $0x40, s9, s23, $0xb8;
	[tilespmem:$0x1E7B8] =	vst v63  }
0x75: {  	s10 =	simm.s32 $0x4FB0  }
0x76: {  	[spmem:s1] =	stream.indirect.scatter.add.f32 [tilespmem:s0], [sflag:$0x2], $0x40, s10, s23, $0xb8;
	[tilespmem:$0x1E7B8] =	vst v63  }
0x77: {  	s4 =	simm.s32 @p0 $0x50;
	s6 =	simm.s32 @p0 $0x4F60;
	s7 =	simm.s32 @p0 $0x14890  }
0x78: {  	[spmem:s2] =	stream.indirect.scatter.add.f32 @p0 [tilespmem:s7], [sflag:$0x4], $0x1, s6, s4, $0xb8;
	[tilespmem:$0x1E7B8] =	vst v63  }
0x79: {  	s4 =	simm.s32 @!p0 $0x50;
	s6 =	simm.s32 @!p0 $0x4FB0;
	s7 =	simm.s32 @!p0 $0x14890  }
0x7a: {  	[spmem:s2] =	stream.indirect.scatter.add.f32 @!p0 [tilespmem:s7], [sflag:$0x3], $0x1, s6, s4, $0xb8;
	[tilespmem:$0x1E7B8] =	vst v63  }
0x7b: {  	s4 =	simm.s32 @!p0 $0x3  }
0x7c: {  	s4 =	simm.s32 @p0 $0x4  }
0x7d: {  	_ =	swait.ge [sflag:s4], $0x50  }
0x7e: {  	[sflag:s4] =	ssyncset.done $0x0  }
0x7f: {  	[sflag:s4] =	ssyncadd.s32 $0xFFFFFFB0  }
0x80: {  	_ =	swait.ge [sflag:s28], $0x1400  }
0x81: {  	[sflag:s28] =	ssyncset.done $0x0  }
0x82: {  	[sflag:s28] =	ssyncadd.s32 $0xFFFFEC00  }
0x83: {  	_ =	swait.ge [sflag:s28], $0x1400  }
0x84: {  	[sflag:s28] =	ssyncset.done $0x0  }
0x85: {  	[sflag:s28] =	ssyncadd.s32 $0xFFFFEC00  }
0x86: {  	_ =	swait.ge [sflag:s31], $0x1400  }
0x87: {  	[sflag:s31] =	ssyncset.done $0x0  }
0x88: {  	[sflag:s31] =	ssyncadd.s32 $0xFFFFEC00  }
0x89: {  	_ =	swait.ge [sflag:s31], $0x1400  }
0x8a: {  	[sflag:s31] =	ssyncset.done $0x0  }
0x8b: {  	s12 =	simm.s32 $0x1E0;
	[sflag:s31] =	ssyncadd.s32 $0xFFFFEC00  }
0x8c: {  	[tilespmem:s30], [sflag:$0x1] =	stream.indirect.gather [hbm4b:s11+s23], $0x40, s12, s23, $0xb8;
	[tilespmem:$0x1E7B8] =	vst v63  }
0x8d: {  	s13 =	simm.s32 $0x230  }
0x8e: {  	[tilespmem:s0], [sflag:$0x1] =	stream.indirect.gather [hbm4b:s11+s23], $0x40, s13, s23, $0xb8;
	[tilespmem:$0x1E7B8] =	vst v63  }
0x8f: {  	s4 =	simm.s32 $0x5000  }
0x90: {  	[spmem:s1] =	stream.indirect.scatter.add.f32 [tilespmem:s24], [sflag:$0x2], $0x40, s4, s23, $0xb8;
	[tilespmem:$0x1E7B8] =	vst v63  }
0x91: {  	s6 =	simm.s32 $0x5050  }
0x92: {  	[spmem:s1] =	stream.indirect.scatter.add.f32 [tilespmem:s26], [sflag:$0x2], $0x40, s6, s23, $0xb8;
	[tilespmem:$0x1E7B8] =	vst v63  }
0x93: {  	s6 =	smov.u32 @p0 s4  }
0x94: {  	[spmem:s2] =	stream.indirect.scatter.add.f32 [tilespmem:s20], [sflag:$0x4], $0x1, s6, s23, $0xb8;
	[tilespmem:$0x1E7B8] =	vst v63  }
0x95: {  	_ =	swait.ge [sflag:s29], $0x50  }
0x96: {  	[sflag:s29] =	ssyncset.done $0x0  }
0x97: {  	[sflag:s29] =	ssyncadd.s32 $0xFFFFFFB0  }
0x98: {  	_ =	swait.ge [sflag:s28], $0x1400  }
0x99: {  	[sflag:s28] =	ssyncset.done $0x0  }
0x9a: {  	[sflag:s28] =	ssyncadd.s32 $0xFFFFEC00  }
0x9b: {  	_ =	swait.ge [sflag:s28], $0x1400  }
0x9c: {  	[sflag:s28] =	ssyncset.done $0x0  }
0x9d: {  	[sflag:s28] =	ssyncadd.s32 $0xFFFFEC00  }
0x9e: {  	_ =	swait.ge [sflag:s31], $0x1400  }
0x9f: {  	[sflag:s31] =	ssyncset.done $0x0  }
0xa0: {  	[sflag:s31] =	ssyncadd.s32 $0xFFFFEC00  }
0xa1: {  	_ =	swait.ge [sflag:s31], $0x1400  }
0xa2: {  	[sflag:s31] =	ssyncset.done $0x0  }
0xa3: {  	s15 =	simm.s32 $0x280;
	[sflag:s31] =	ssyncadd.s32 $0xFFFFEC00  }
0xa4: {  	[tilespmem:s24], [sflag:$0x1] =	stream.indirect.gather [hbm4b:s11+s23], $0x40, s15, s23, $0xb8;
	[tilespmem:$0x1E7B8] =	vst v63  }
0xa5: {  	s16 =	simm.s32 $0x2D0  }
0xa6: {  	[tilespmem:s26], [sflag:$0x1] =	stream.indirect.gather [hbm4b:s11+s23], $0x40, s16, s23, $0xb8;
	[tilespmem:$0x1E7B8] =	vst v63  }
0xa7: {  	s13 =	simm.s32 $0x50A0  }
0xa8: {  	[spmem:s1] =	stream.indirect.scatter.add.f32 [tilespmem:s30], [sflag:$0x2], $0x40, s13, s23, $0xb8;
	[tilespmem:$0x1E7B8] =	vst v63  }
0xa9: {  	s7 =	simm.s32 $0x50F0  }
0xaa: {  	[spmem:s1] =	stream.indirect.scatter.add.f32 [tilespmem:s0], [sflag:$0x2], $0x40, s7, s23, $0xb8;
	[tilespmem:$0x1E7B8] =	vst v63  }
0xab: {  	s4 =	simm.s32 @p4 $0x50;
	s6 =	simm.s32 @p4 $0x14890  }
0xac: {  	[spmem:s2] =	stream.indirect.scatter.add.f32 @p4 [tilespmem:s6], [sflag:$0x3], $0x1, s7, s4, $0xb8;
	[tilespmem:$0x1E7B8] =	vst v63  }
0xad: {  	s7 =	simm.s32 @!p4 $0x4  }
0xae: {  	s9 =	simm.s32 @!p4 $0x50;
	s10 =	simm.s32 @!p4 $0x14890;
	s7 =	simm.s32 @p4 $0x3  }
0xaf: {  	[spmem:s2] =	stream.indirect.scatter.add.f32 @!p4 [tilespmem:s10], [sflag:$0x4], $0x1, s13, s9, $0xb8;
	[tilespmem:$0x1E7B8] =	vst v63  }
0xb0: {  	s16 =	simm.s32 $0x500;
	_ =	swait.ge [sflag:s7], $0x50  }
.LBB2_6:
0xb1: {  	[sflag:s7] =	ssyncset.done $0x0;
	s13 =	smov.u32 s16;
	s16 =	sadd.s32 $0x500, s16  }
0xb2: {  	p6 =	sne.s32 s16, $0x13100;
	[sflag:s7] =	ssyncadd.s32 $0xFFFFFFB0  }
0xb3: {  	_ =	swait.ge [sflag:s28], $0x1400  }
0xb4: {  	[sflag:s28] =	ssyncset.done $0x0  }
0xb5: {  	[sflag:s28] =	ssyncadd.s32 $0xFFFFEC00  }
0xb6: {  	_ =	swait.ge [sflag:s28], $0x1400  }
0xb7: {  	[sflag:s28] =	ssyncset.done $0x0  }
0xb8: {  	[sflag:s28] =	ssyncadd.s32 $0xFFFFEC00  }
0xb9: {  	_ =	swait.ge [sflag:s31], $0x1400  }
0xba: {  	[sflag:s31] =	ssyncset.done $0x0  }
0xbb: {  	[sflag:s31] =	ssyncadd.s32 $0xFFFFEC00  }
0xbc: {  	_ =	swait.ge [sflag:s31], $0x1400  }
0xbd: {  	s13 =	sshra.s32 s13, $0x2;
	[sflag:s31] =	ssyncset.done $0x0  }
0xbe: {  	s15 =	sadd.s32 $0x1E0, s13;
	[sflag:s31] =	ssyncadd.s32 $0xFFFFEC00  }
0xbf: {  	[tilespmem:s30], [sflag:$0x1] =	stream.indirect.gather [hbm4b:s11+s23], $0x40, s15, s23, $0xb8;
	[tilespmem:$0x1E7B8] =	vst v63  }
0xc0: {  	s15 =	sadd.s32 $0x230, s13  }
0xc1: {  	[tilespmem:s0], [sflag:$0x1] =	stream.indirect.gather [hbm4b:s11+s23], $0x40, s15, s23, $0xb8;
	[tilespmem:$0x1E7B8] =	vst v63  }
0xc2: {  	s15 =	sadd.s32 $0x5000, s13  }
0xc3: {  	[spmem:s1] =	stream.indirect.scatter.add.f32 [tilespmem:s24], [sflag:$0x2], $0x40, s15, s23, $0xb8;
	[tilespmem:$0x1E7B8] =	vst v63  }
0xc4: {  	s12 =	sadd.s32 $0x5050, s13  }
0xc5: {  	[spmem:s1] =	stream.indirect.scatter.add.f32 [tilespmem:s26], [sflag:$0x2], $0x40, s12, s23, $0xb8;
	[tilespmem:$0x1E7B8] =	vst v63  }
0xc6: {  	s12 =	smov.u32 @p0 s15  }
0xc7: {  	[spmem:s2] =	stream.indirect.scatter.add.f32 [tilespmem:s20], [sflag:$0x4], $0x1, s12, s23, $0xb8;
	[tilespmem:$0x1E7B8] =	vst v63  }
0xc8: {  	_ =	swait.ge [sflag:s29], $0x50  }
0xc9: {  	[sflag:s29] =	ssyncset.done $0x0  }
0xca: {  	[sflag:s29] =	ssyncadd.s32 $0xFFFFFFB0  }
0xcb: {  	_ =	swait.ge [sflag:s28], $0x1400  }
0xcc: {  	[sflag:s28] =	ssyncset.done $0x0  }
0xcd: {  	[sflag:s28] =	ssyncadd.s32 $0xFFFFEC00  }
0xce: {  	_ =	swait.ge [sflag:s28], $0x1400  }
0xcf: {  	[sflag:s28] =	ssyncset.done $0x0  }
0xd0: {  	[sflag:s28] =	ssyncadd.s32 $0xFFFFEC00  }
0xd1: {  	_ =	swait.ge [sflag:s31], $0x1400  }
0xd2: {  	[sflag:s31] =	ssyncset.done $0x0  }
0xd3: {  	[sflag:s31] =	ssyncadd.s32 $0xFFFFEC00  }
0xd4: {  	_ =	swait.ge [sflag:s31], $0x1400  }
0xd5: {  	[sflag:s31] =	ssyncset.done $0x0  }
0xd6: {  	s12 =	sadd.s32 $0x280, s13;
	[sflag:s31] =	ssyncadd.s32 $0xFFFFEC00  }
0xd7: {  	[tilespmem:s24], [sflag:$0x1] =	stream.indirect.gather [hbm4b:s11+s23], $0x40, s12, s23, $0xb8;
	[tilespmem:$0x1E7B8] =	vst v63  }
0xd8: {  	s12 =	sadd.s32 $0x2D0, s13  }
0xd9: {  	[tilespmem:s26], [sflag:$0x1] =	stream.indirect.gather [hbm4b:s11+s23], $0x40, s12, s23, $0xb8;
	[tilespmem:$0x1E7B8] =	vst v63  }
0xda: {  	s12 =	sadd.s32 $0x50A0, s13  }
0xdb: {  	[spmem:s1] =	stream.indirect.scatter.add.f32 [tilespmem:s30], [sflag:$0x2], $0x40, s12, s23, $0xb8;
	[tilespmem:$0x1E7B8] =	vst v63  }
0xdc: {  	s13 =	sadd.s32 $0x50F0, s13  }
0xdd: {  	[spmem:s1] =	stream.indirect.scatter.add.f32 [tilespmem:s0], [sflag:$0x2], $0x40, s13, s23, $0xb8;
	[tilespmem:$0x1E7B8] =	vst v63  }
0xde: {  	_ = 	snop  }
0xdf: {  	[spmem:s2] =	stream.indirect.scatter.add.f32 @p4 [tilespmem:s6], [sflag:$0x3], $0x1, s13, s4, $0xb8;
	[tilespmem:$0x1E7B8] =	vst v63  }
.Ltmp2:
0xe0: {  	_ = 	snop;
	(pc) =	sbr.rel @p6 .LBB2_6-.Ltmp2, $4  }
0xe1: {  	_ = 	snop  }
0xe2: {  	[spmem:s2] =	stream.indirect.scatter.add.f32 @!p4 [tilespmem:s10], [sflag:$0x4], $0x1, s12, s9, $0xb8;
	[tilespmem:$0x1E7B8] =	vst v63  }
0xe3: {  	_ = 	snop  }
0xe4: {  	_ =	swait.ge [sflag:s7], $0x50  }
0xe5: {  	[sflag:s7] =	ssyncset.done $0x0  }
0xe6: {  	[sflag:s7] =	ssyncadd.s32 $0xFFFFFFB0  }
0xe7: {  	_ =	swait.ge [sflag:s28], $0x1400  }
0xe8: {  	[sflag:s28] =	ssyncset.done $0x0  }
0xe9: {  	[sflag:s28] =	ssyncadd.s32 $0xFFFFEC00  }
0xea: {  	_ =	swait.ge [sflag:s28], $0x1400  }
0xeb: {  	[sflag:s28] =	ssyncset.done $0x0  }
0xec: {  	[sflag:s28] =	ssyncadd.s32 $0xFFFFEC00  }
0xed: {  	_ =	swait.ge [sflag:s31], $0x1400  }
0xee: {  	[sflag:s31] =	ssyncset.done $0x0  }
0xef: {  	[sflag:s31] =	ssyncadd.s32 $0xFFFFEC00  }
0xf0: {  	_ =	swait.ge [sflag:s31], $0x1400  }
0xf1: {  	[sflag:s31] =	ssyncset.done $0x0  }
0xf2: {  	s4 =	simm.s32 $0x4E20;
	[sflag:s31] =	ssyncadd.s32 $0xFFFFEC00  }
0xf3: {  	[tilespmem:s30], [sflag:$0x1] =	stream.indirect.gather [hbm4b:s11+s23], $0x40, s4, s23, $0xb8;
	[tilespmem:$0x1E7B8] =	vst v63  }
0xf4: {  	s6 =	simm.s32 $0x4E70  }
0xf5: {  	[tilespmem:s0], [sflag:$0x1] =	stream.indirect.gather [hbm4b:s11+s23], $0x40, s6, s23, $0xb8;
	[tilespmem:$0x1E7B8] =	vst v63  }
0xf6: {  	s7 =	simm.s32 $0x9C40  }
0xf7: {  	[spmem:s1] =	stream.indirect.scatter.add.f32 [tilespmem:s24], [sflag:$0x2], $0x40, s7, s23, $0xb8;
	[tilespmem:$0x1E7B8] =	vst v63  }
0xf8: {  	s9 =	simm.s32 $0x9C90  }
0xf9: {  	[spmem:s1] =	stream.indirect.scatter.add.f32 [tilespmem:s26], [sflag:$0x2], $0x40, s9, s23, $0xb8;
	[tilespmem:$0x1E7B8] =	vst v63  }
0xfa: {  	_ = 	snop  }
0xfb: {  	[spmem:s2] =	stream.indirect.scatter.add.f32 [tilespmem:s20], [sflag:$0x3], $0x1, s18, s23, $0xb8;
	[tilespmem:$0x1E7B8] =	vst v63  }
0xfc: {  	_ =	swait.ge [sflag:s22], $0x50  }
0xfd: {  	[sflag:s22] =	ssyncset.done $0x0  }
0xfe: {  	[sflag:s22] =	ssyncadd.s32 $0xFFFFFFB0  }
0xff: {  	_ =	swait.ge [sflag:s28], $0x1400  }
0x100: {  	[sflag:s28] =	ssyncset.done $0x0  }
0x101: {  	[sflag:s28] =	ssyncadd.s32 $0xFFFFEC00  }
0x102: {  	_ =	swait.ge [sflag:s28], $0x1400  }
0x103: {  	[sflag:s28] =	ssyncset.done $0x0  }
0x104: {  	[sflag:s28] =	ssyncadd.s32 $0xFFFFEC00  }
0x105: {  	_ =	swait.ge [sflag:s31], $0x1400  }
0x106: {  	[sflag:s31] =	ssyncset.done $0x0  }
0x107: {  	[sflag:s31] =	ssyncadd.s32 $0xFFFFEC00  }
0x108: {  	_ =	swait.ge [sflag:s31], $0x1400  }
0x109: {  	[sflag:s31] =	ssyncset.done $0x0  }
0x10a: {  	s10 =	simm.s32 $0x9CE0;
	[sflag:s31] =	ssyncadd.s32 $0xFFFFEC00  }
0x10b: {  	[spmem:s1] =	stream.indirect.scatter.add.f32 [tilespmem:s30], [sflag:$0x2], $0x40, s10, s23, $0xb8;
	[tilespmem:$0x1E7B8] =	vst v63  }
0x10c: {  	s12 =	simm.s32 $0x9D30  }
0x10d: {  	[spmem:s1] =	stream.indirect.scatter.add.f32 [tilespmem:s0], [sflag:$0x2], $0x40, s12, s23, $0xb8;
	[tilespmem:$0x1E7B8] =	vst v63  }
0x10e: {  	_ = 	snop  }
0x10f: {  	[spmem:s2] =	stream.indirect.scatter.add.f32 [tilespmem:s20], [sflag:$0x3], $0x1, s19, s23, $0xb8;
	[tilespmem:$0x1E7B8] =	vst v63  }
0x110: {  	_ =	swait.ge [sflag:s22], $0x50  }
0x111: {  	[sflag:s22] =	ssyncset.done $0x0  }
0x112: {  	[sflag:s22] =	ssyncadd.s32 $0xFFFFFFB0  }
0x113: {  	_ =	swait.ge [sflag:s31], $0x1400  }
0x114: {  	[sflag:s31] =	ssyncset.done $0x0  }
0x115: {  	[sflag:s31] =	ssyncadd.s32 $0xFFFFEC00  }
0x116: {  	_ =	swait.ge [sflag:s31], $0x1400  }
0x117: {  	[sflag:s31] =	ssyncset.done $0x0  }
0x118: {  	s13 =	stileid.u32;
	[sflag:s31] =	ssyncadd.s32 $0xFFFFEC00  }
0x119: {  	s4 =	sshll.u32 s13, $0x6;
	[bflag:$0x0] =	sbarrier.arrive $0xFFFF  }
0x11a: {  	s4 =	sor.u32 $0x1C03, s4;
	s6 =	sshrl.u32 s5, $0x3;
	s15 =	rddreg [dreg:$0xb]  }
0x11b: {  	[hbm:s15], [sflag:s4] =	dma.local [spmem:s6], $0x1380  }
0x11c: {  	_ =	swait.ge [sflag:s22], $0x1380  }
0x11d: {  	[sflag:s22] =	ssyncset.done $0x0  }
0x11e: {  	s7 =	simm.s32 @p3 $0x3;
	s6 =	simm.s32 @p3 $0x12180;
	[sflag:s22] =	ssyncadd.s32 $0xFFFFEC80  }
0x11f: {  	[tilespmem:s6], [sflag:$0x3] =	stream.linear.gather @p3 [spmem:s2], $0x2710, $0x38;
	[tilespmem:$0x1E7B8] =	vst v63  }
0x120: {  	_ =	swait.ge @p3 [sflag:s7], $0x2710  }
0x121: {  	[sflag:s7] =	ssyncset.done @p3 $0x0  }
0x122: {  	s9 =	simm.s32 @p3 $0x0;
	s10 =	rddreg [dreg:$0x9];
	[sflag:s7] =	ssyncadd.s32 @p3 $0xFFFFD8F0  }
0x123: {  	[hbm4b:s10+s9] =	stream.linear.scatter @p3 [tilespmem:s6], [sflag:$0x3], $0x2710, $0x38;
	[tilespmem:$0x1E7B8] =	vst v63  }
0x124: {  	_ =	swait.ge @p3 [sflag:s7], $0x2710  }
0x125: {  	[sflag:s7] =	ssyncset.done @p3 $0x0  }
0x126: {  	s6 =	sadd.s32 @!p5 $0x13800, s25;
	[sflag:s7] =	ssyncadd.s32 @p3 $0xFFFFD8F0;
	s7 =	sshrl.u32 @!p5 s8, $0x3  }
0x127: {  	[hbm:s6], [sflag:s4] =	dma.local @!p5 [spmem:s7], $0x80  }
0x128: {  	s4 =	simm.s32 @!p5 $0x3  }
0x129: {  	_ =	swait.ge @!p5 [sflag:s4], $0x80  }
0x12a: {  	s17 =	sadd.s32 $0x1, s17;
	s16 =	rddreg [dreg:$0xa]  }
0x12b: {  	p6 =	sne.s32 s17, s16  }
.Ltmp3:
0x12c: {  	_ = 	snop;
	(pc) =	sbr.rel @p6 .LBB2_1-.Ltmp3, $3  }
0x12d: {  	_ =	sdelay $0x1  }
0x12e: {  	[sflag:s4] =	ssyncset.done @!p5 $0x0  }
0x12f: {  	[sflag:s4] =	ssyncadd.s32 @!p5 $0xFFFFFF80  }
0x130: {  	_ =	sfence.sel $0x180000  }
0x131: {  	[bflag:$0x0] =	sbarrier.arrive $0xFFFF  }
0x132: {  	_ =	strace $0x90000047  }
0x133: {  	[bflag:$0x2] =	sbarrier.arrive $0xFFFF  }
0x134: {  	s0 =	rddreg [dreg:$0x4]  }
0x135: {  	s0 =	sadd.s32 @!p1 $0x100000, s0  }
0x136: {  	[sflag:s0] =	ssyncadd.tile.s32 @!p1 $0x1;
	_ =	shalt  }
.Lfunc_end2:
_tile_overlayer_lowered:
.L_overlay_start_2:
0x137: {  	(tag) =	ssettag $0x2  }
0x138: {  	s0 =	rddreg [dreg:$0x0];
	s2 =	stileid.u32  }
0x139: {  	s1 =	rddreg [dreg:$0x1];
	p0 =	sne.s32 s2, $0x0  }
0x13a: {  	s3 =	rddreg [dreg:$0x2];
	[bflag:$0x3] =	sbarrier.arrive $0xFFFF;
	s2 =	simm.s32 @!p0 $0x1C03  }
0x13b: {  	[timem:s3], [sflag:s2] =	dma.local @!p0 [hbm:s0], s1  }
0x13c: {  	s0 =	simm.s32 @!p0 $0x3  }
0x13d: {  	_ =	swait.ge @!p0 [sflag:s0], s1  }
0x13e: {  	s1 =	ssub.s32 @!p0 $0x0, s1;
	[sflag:s0] =	ssyncset.done @!p0 $0x0  }
0x13f: {  	[sflag:s0] =	ssyncadd.s32 @!p0 s1  }
0x140: {  	[bflag:$0x3] =	sbarrier.arrive $0xFFFF  }
0x141: {  	_ =	shalt  }

</sc_bundles>
